<compile_context>
chip_gen: v7x
topology: tpu7x:2x2x1
jax: 0.10.2.dev20260603
libtpu: 0.0.44.dev20260713+nightly
codegen_flags: <defaults>
</compile_context>

<pallas_src>
import functools

import jax
import jax.numpy as jnp
from jax import lax
from jax.experimental import pallas as pl
from jax.experimental.pallas import tpu as pltpu
from jax.experimental.pallas import tpu_sc as plsc

N_NODES = 10000
IN_FEAT = 128
OUT_FEAT = 128

NPAD = 10240
NW = 32
ROWS_PER_TILE = NPAD // 16
CHUNK = 128
KBLK = 8


def _sc_body(feat_hbm, src_hbm, dst_hbm, seg_out, cnt_out,
             src_a, src_b, dst_a, dst_b, rows_a, rows_b, ones_v, zc_v,
             seg_sh, cnt_sh, gsem_a, gsem_b, isem,
             *, chunks_per_tile):
    cid = lax.axis_index("c")
    sid = lax.axis_index("s")

    cpt0, cpt1 = chunks_per_tile
    my_cpt = cpt0
    wid = sid * 2 + cid
    base_c = wid * cpt0

    zrow = jnp.zeros((16,), jnp.float32)

    def zero_rows(i, _):
        for j in range(IN_FEAT // 16):
            rows_a[i, pl.ds(j * 16, 16)] = zrow
        return 0
    lax.fori_loop(0, CHUNK, zero_rows, 0)

    def zero_zc(i, _):
        zc_v[pl.ds(i * 16, 16)] = zrow
        return 0
    lax.fori_loop(0, ROWS_PER_TILE // 16, zero_zc, 0)

    for j in range(CHUNK // 16):
        ones_v[pl.ds(j * 16, 16)] = jnp.ones((16,), jnp.float32)

    base_n = sid * ROWS_PER_TILE
    for t in range(ROWS_PER_TILE // CHUNK):
        pltpu.sync_copy(rows_a, seg_sh.at[pl.ds(base_n + t * CHUNK, CHUNK)])
    pltpu.sync_copy(zc_v, cnt_sh.at[pl.ds(base_n, ROWS_PER_TILE)])

    plsc.subcore_barrier()

    nblk = my_cpt // KBLK
    lastb = nblk - 1

    def blk_load(b, s_v, d_v):
        off = base_c + jnp.minimum(b, lastb) * KBLK
        pltpu.async_copy(src_hbm.at[pl.ds(off, KBLK)], s_v, isem)
        pltpu.async_copy(dst_hbm.at[pl.ds(off, KBLK)], d_v, isem)

    def blk_wait(s_v, d_v):
        pltpu.make_async_copy(src_hbm.at[pl.ds(0, KBLK)], s_v, isem).wait()
        pltpu.make_async_copy(dst_hbm.at[pl.ds(0, KBLK)], d_v, isem).wait()

    def process(r_v, d_v):
        pltpu.sync_copy(r_v, seg_sh.at[d_v], add=True)
        pltpu.sync_copy(ones_v, cnt_sh.at[d_v], add=True)

    def do_block(sblk, dblk):
        pltpu.async_copy(feat_hbm.at[sblk.at[0]], rows_a, gsem_a).wait()
        for k in range(KBLK // 2):
            cb = pltpu.async_copy(feat_hbm.at[sblk.at[2 * k + 1]], rows_b, gsem_b)
            process(rows_a, dblk.at[2 * k])
            cb.wait()
            if 2 * k + 2 < KBLK:
                ca = pltpu.async_copy(feat_hbm.at[sblk.at[2 * k + 2]], rows_a, gsem_a)
                process(rows_b, dblk.at[2 * k + 1])
                ca.wait()
            else:
                process(rows_b, dblk.at[2 * k + 1])

    blk_load(jnp.int32(0), src_a, dst_a)
    blk_wait(src_a, dst_a)
    blk_load(jnp.int32(1), src_b, dst_b)

    def block_pair(j, _):
        b = 2 * j
        do_block(src_a, dst_a)
        blk_wait(src_b, dst_b)
        blk_load(b + 2, src_a, dst_a)
        do_block(src_b, dst_b)
        blk_wait(src_a, dst_a)
        blk_load(b + 3, src_b, dst_b)
        return 0
    lax.fori_loop(0, nblk // 2, block_pair, 0)

    blk_wait(src_b, dst_b)

    plsc.subcore_barrier()

    pltpu.sync_copy(seg_sh.at[pl.ds(base_n, ROWS_PER_TILE)],
                    seg_out.at[cid, pl.ds(base_n, ROWS_PER_TILE)])
    pltpu.sync_copy(cnt_sh.at[pl.ds(base_n, ROWS_PER_TILE)],
                    cnt_out.at[cid, pl.ds(base_n, ROWS_PER_TILE)])


def _segment_sum_sc(features, src, dst, chunks_per_tile):
    mesh = plsc.VectorSubcoreMesh(core_axis_name="c", subcore_axis_name="s")
    body = functools.partial(_sc_body, chunks_per_tile=chunks_per_tile)
    cpt_max = max(chunks_per_tile)
    return pl.kernel(
        body,
        out_type=[
            jax.ShapeDtypeStruct((2, NPAD, IN_FEAT), jnp.float32),
            jax.ShapeDtypeStruct((2, NPAD), jnp.float32),
        ],
        mesh=mesh,
        scratch_types=[
            pltpu.VMEM((KBLK, CHUNK), jnp.int32),
            pltpu.VMEM((KBLK, CHUNK), jnp.int32),
            pltpu.VMEM((KBLK, CHUNK), jnp.int32),
            pltpu.VMEM((KBLK, CHUNK), jnp.int32),
            pltpu.VMEM((CHUNK, IN_FEAT), jnp.float32),
            pltpu.VMEM((CHUNK, IN_FEAT), jnp.float32),
            pltpu.VMEM((CHUNK,), jnp.float32),
            pltpu.VMEM((ROWS_PER_TILE,), jnp.float32),
            pltpu.VMEM_SHARED((NPAD, IN_FEAT), jnp.float32),
            pltpu.VMEM_SHARED((NPAD,), jnp.float32),
            pltpu.SemaphoreType.DMA,
            pltpu.SemaphoreType.DMA,
            pltpu.SemaphoreType.DMA,
        ],
    )(features, src, dst)


def _tc_body(feat_ref, w_ref, seg_ref, cnt_ref, out_ref):
    i = pl.program_id(0)
    blk = feat_ref.shape[0]
    w = w_ref[...]
    nodes_rep = jnp.dot(feat_ref[...], w, preferred_element_type=jnp.float32)
    seg = seg_ref[0] + seg_ref[1]
    cnt = cnt_ref[0, pl.ds(i * blk, blk)] + cnt_ref[1, pl.ds(i * blk, blk)]
    agg = seg / jnp.maximum(cnt, 1.0)[:, None]
    msgs = jnp.dot(agg, w, preferred_element_type=jnp.float32)
    out_ref[:, :OUT_FEAT] = jnp.maximum(nodes_rep, 0.0)
    out_ref[:, OUT_FEAT:] = jnp.maximum(msgs, 0.0)


def _combine_tc(feat_pad, W, seg_p, cnt_p):
    blk = 1024
    grid = (NPAD // blk,)
    return pl.pallas_call(
        _tc_body,
        grid=grid,
        in_specs=[
            pl.BlockSpec((blk, IN_FEAT), lambda i: (i, 0)),
            pl.BlockSpec((IN_FEAT, OUT_FEAT), lambda i: (0, 0)),
            pl.BlockSpec((2, blk, IN_FEAT), lambda i: (0, i, 0)),
            pl.BlockSpec((2, NPAD), lambda i: (0, 0)),
        ],
        out_specs=pl.BlockSpec((blk, 2 * OUT_FEAT), lambda i: (i, 0)),
        out_shape=jax.ShapeDtypeStruct((NPAD, 2 * OUT_FEAT), jnp.float32),
    )(feat_pad, W, seg_p, cnt_p)



def kernel(features, edge_index, W):
    n_edges = edge_index.shape[1]
    cpt = -(-n_edges // (NW * CHUNK))
    cpt = -(-cpt // (2 * KBLK)) * (2 * KBLK)
    total_chunks = cpt * NW
    cpt0 = cpt1 = cpt
    epad = total_chunks * CHUNK
    ei = edge_index.astype(jnp.int32)
    pad = epad - n_edges
    pad_ar = jnp.arange(pad, dtype=jnp.int32)
    src = jnp.concatenate([ei[1], (pad_ar * 37) % N_NODES])
    dst = jnp.concatenate([ei[0], N_NODES + pad_ar % (NPAD - N_NODES)])
    src = src.reshape(total_chunks, CHUNK)
    dst = dst.reshape(total_chunks, CHUNK)

    seg_p, cnt_p = _segment_sum_sc(features, src, dst, (cpt0, cpt1))

    feat_pad = jnp.pad(features, ((0, NPAD - N_NODES), (0, 0)))
    out = _combine_tc(feat_pad, W, seg_p, cnt_p)
    return out[:N_NODES]

# --- scband reference (transcript-rebuilt; emitter-appended) ---
"""Pipeline reference for scband-graph-conv-72078141161881 (READ-ONLY COPY).

The authoritative reference and input builder live on the scoring server;
editing this copy changes nothing except your own understanding.
"""

import jax, jax.numpy as jnp
import numpy as np

N_NODES = 10000
N_EDGES = 320000
IN_FEAT = 128
OUT_FEAT = 128


def setup_inputs(seed: int = 0) -> dict:
    key = jax.random.key(seed)
    k1, k2, k3 = jax.random.split(key, 3)
    features = jax.random.normal(k1, (N_NODES, IN_FEAT), dtype=jnp.float32)
    edge_index = jax.random.randint(k2, (2, N_EDGES), 0, N_NODES, dtype=jnp.int64)
    # glorot uniform for weight (in_feat, out_feat)
    limit = float(np.sqrt(6.0 / (IN_FEAT + OUT_FEAT)))
    W = jax.random.uniform(k3, (IN_FEAT, OUT_FEAT), dtype=jnp.float32, minval=-limit, maxval=limit)
    return {"features": features, "edge_index": edge_index, "W": W}


def reference(features, edge_index, W):
    # compute_nodes_representation: features @ W
    nodes_representation = jnp.matmul(features, W)
    # compute_aggregated_messages: gather neighbour features by edges[1]
    neighbour_representations = jnp.take(features, edge_index[1], axis=0)
    # unsorted_segment_mean over edges[0] with num_segments = num_nodes
    seg_sum = jax.ops.segment_sum(neighbour_representations, edge_index[0], num_segments=N_NODES)
    counts = jax.ops.segment_sum(jnp.ones((edge_index.shape[1],), dtype=jnp.float32), edge_index[0], num_segments=N_NODES)
    agg = seg_sum / jnp.maximum(counts, 1.0)[:, None]
    aggregated_messages = jnp.matmul(agg, W)
    # update: concat + relu activation
    h = jnp.concatenate([nodes_representation, aggregated_messages], axis=-1)
    return jax.nn.relu(h)

if __name__ == "__main__":
    import jax
    _d = setup_inputs()
    print(jax.jit(kernel)(*tuple(_d.values())))

</pallas_src>

<mosaic_0001>
#map = affine_map<(d0, d1) -> (0, 0)>
#map1 = affine_map<(d0, d1) -> (0, 0, 0)>
module attributes {stable_mosaic.version = 14 : i64} {
  func.func @_sc_body(%arg0: i32, %arg1: i32, %arg2: memref<10000x128xf32, #tpu.memory_space<hbm>>, %arg3: memref<2560x128xi32, #tpu.memory_space<hbm>>, %arg4: memref<2560x128xi32, #tpu.memory_space<hbm>>, %arg5: memref<2x10240x128xf32, #tpu.memory_space<hbm>>, %arg6: memref<2x10240xf32, #tpu.memory_space<hbm>>, %arg7: memref<8x128xi32, #tpu.memory_space<vmem>>, %arg8: memref<8x128xi32, #tpu.memory_space<vmem>>, %arg9: memref<8x128xi32, #tpu.memory_space<vmem>>, %arg10: memref<8x128xi32, #tpu.memory_space<vmem>>, %arg11: memref<128x128xf32, #tpu.memory_space<vmem>>, %arg12: memref<128x128xf32, #tpu.memory_space<vmem>>, %arg13: memref<128xf32, #tpu.memory_space<vmem>>, %arg14: memref<640xf32, #tpu.memory_space<vmem>>, %arg15: memref<10240x128xf32, #tpu.memory_space<vmem_shared>>, %arg16: memref<10240xf32, #tpu.memory_space<vmem_shared>>, %arg17: memref<!tpu.dma_semaphore, #tpu.memory_space<semaphore_mem>>, %arg18: memref<!tpu.dma_semaphore, #tpu.memory_space<semaphore_mem>>, %arg19: memref<!tpu.dma_semaphore, #tpu.memory_space<semaphore_mem>>) attributes {dimension_semantics = [#tpu.dimension_semantics<core_parallel>, #tpu.dimension_semantics<subcore_parallel>], iteration_bounds = array<i64: 2, 16>, scalar_prefetch = 0 : i64, scratch_operands = 13 : i64, tpu.core_type = #tpu.core_type<sc_vector_subcore>, window_params = [{transform_indices = #map}, {transform_indices = #map}, {transform_indices = #map}, {transform_indices = #map1}, {transform_indices = #map}]} {
    %mul3A = arith.constant 2 : i32
    %mul3A_0 = arith.muli %arg1, %mul3A : i32
    %add3A = arith.addi %mul3A_0, %arg0 : i32
    %mul3A_1 = arith.constant 80 : i32
    %mul3A_2 = arith.muli %add3A, %mul3A_1 : i32
    %broadcast_in_dim3A = arith.constant 0.000000e+00 : f32
    %broadcast_in_dim3A_3 = vector.broadcast %broadcast_in_dim3A : f32 to vector<16xf32>
    %scan3A = arith.constant 0 : i32
    %scan3A_4 = arith.constant 0 : i32
    %scan3A_5 = arith.constant 128 : i32
    %scan3A_6 = arith.addi %scan3A_4, %scan3A_5 : i32
    %scan3A_7 = arith.constant 1 : i32
    %scan3A_8 = scf.for %scan3A_133 = %scan3A_4 to %scan3A_6 step %scan3A_7 iter_args(%scan3A_134 = %scan3A) -> (i32)  : i32 {
      %swap3A_135 = arith.index_cast %scan3A_133 : i32 to index
      %swap3A_136 = arith.constant 0 : index
      %swap3A_137 = tpu.vector_load %arg11[%swap3A_135, %swap3A_136] {strides = array<i32>} : memref<128x128xf32, #tpu.memory_space<vmem>>, vector<1x16xf32>,
      %swap3A_138 = vector.shape_cast %swap3A_137 : vector<1x16xf32> to vector<16xf32>
      %swap3A_139 = vector.shape_cast %broadcast_in_dim3A_3 : vector<16xf32> to vector<1x16xf32>
      tpu.vector_store %arg11[%swap3A_135, %swap3A_136], %swap3A_139 {strides = array<i32>} : memref<128x128xf32, #tpu.memory_space<vmem>>, vector<1x16xf32>,
      %swap3A_140 = arith.index_cast %scan3A_133 : i32 to index
      %swap3A_141 = arith.constant 16 : index
      %swap3A_142 = tpu.vector_load %arg11[%swap3A_140, %swap3A_141] {strides = array<i32>} : memref<128x128xf32, #tpu.memory_space<vmem>>, vector<1x16xf32>,
      %swap3A_143 = vector.shape_cast %swap3A_142 : vector<1x16xf32> to vector<16xf32>
      %swap3A_144 = vector.shape_cast %broadcast_in_dim3A_3 : vector<16xf32> to vector<1x16xf32>
      tpu.vector_store %arg11[%swap3A_140, %swap3A_141], %swap3A_144 {strides = array<i32>} : memref<128x128xf32, #tpu.memory_space<vmem>>, vector<1x16xf32>,
      %swap3A_145 = arith.index_cast %scan3A_133 : i32 to index
      %swap3A_146 = arith.constant 32 : index
      %swap3A_147 = tpu.vector_load %arg11[%swap3A_145, %swap3A_146] {strides = array<i32>} : memref<128x128xf32, #tpu.memory_space<vmem>>, vector<1x16xf32>,
      %swap3A_148 = vector.shape_cast %swap3A_147 : vector<1x16xf32> to vector<16xf32>
      %swap3A_149 = vector.shape_cast %broadcast_in_dim3A_3 : vector<16xf32> to vector<1x16xf32>
      tpu.vector_store %arg11[%swap3A_145, %swap3A_146], %swap3A_149 {strides = array<i32>} : memref<128x128xf32, #tpu.memory_space<vmem>>, vector<1x16xf32>,
      %swap3A_150 = arith.index_cast %scan3A_133 : i32 to index
      %swap3A_151 = arith.constant 48 : index
      %swap3A_152 = tpu.vector_load %arg11[%swap3A_150, %swap3A_151] {strides = array<i32>} : memref<128x128xf32, #tpu.memory_space<vmem>>, vector<1x16xf32>,
      %swap3A_153 = vector.shape_cast %swap3A_152 : vector<1x16xf32> to vector<16xf32>
      %swap3A_154 = vector.shape_cast %broadcast_in_dim3A_3 : vector<16xf32> to vector<1x16xf32>
      tpu.vector_store %arg11[%swap3A_150, %swap3A_151], %swap3A_154 {strides = array<i32>} : memref<128x128xf32, #tpu.memory_space<vmem>>, vector<1x16xf32>,
      %swap3A_155 = arith.index_cast %scan3A_133 : i32 to index
      %swap3A_156 = arith.constant 64 : index
      %swap3A_157 = tpu.vector_load %arg11[%swap3A_155, %swap3A_156] {strides = array<i32>} : memref<128x128xf32, #tpu.memory_space<vmem>>, vector<1x16xf32>,
      %swap3A_158 = vector.shape_cast %swap3A_157 : vector<1x16xf32> to vector<16xf32>
      %swap3A_159 = vector.shape_cast %broadcast_in_dim3A_3 : vector<16xf32> to vector<1x16xf32>
      tpu.vector_store %arg11[%swap3A_155, %swap3A_156], %swap3A_159 {strides = array<i32>} : memref<128x128xf32, #tpu.memory_space<vmem>>, vector<1x16xf32>,
      %swap3A_160 = arith.index_cast %scan3A_133 : i32 to index
      %swap3A_161 = arith.constant 80 : index
      %swap3A_162 = tpu.vector_load %arg11[%swap3A_160, %swap3A_161] {strides = array<i32>} : memref<128x128xf32, #tpu.memory_space<vmem>>, vector<1x16xf32>,
      %swap3A_163 = vector.shape_cast %swap3A_162 : vector<1x16xf32> to vector<16xf32>
      %swap3A_164 = vector.shape_cast %broadcast_in_dim3A_3 : vector<16xf32> to vector<1x16xf32>
      tpu.vector_store %arg11[%swap3A_160, %swap3A_161], %swap3A_164 {strides = array<i32>} : memref<128x128xf32, #tpu.memory_space<vmem>>, vector<1x16xf32>,
      %swap3A_165 = arith.index_cast %scan3A_133 : i32 to index
      %swap3A_166 = arith.constant 96 : index
      %swap3A_167 = tpu.vector_load %arg11[%swap3A_165, %swap3A_166] {strides = array<i32>} : memref<128x128xf32, #tpu.memory_space<vmem>>, vector<1x16xf32>,
      %swap3A_168 = vector.shape_cast %swap3A_167 : vector<1x16xf32> to vector<16xf32>
      %swap3A_169 = vector.shape_cast %broadcast_in_dim3A_3 : vector<16xf32> to vector<1x16xf32>
      tpu.vector_store %arg11[%swap3A_165, %swap3A_166], %swap3A_169 {strides = array<i32>} : memref<128x128xf32, #tpu.memory_space<vmem>>, vector<1x16xf32>,
      %swap3A_170 = arith.index_cast %scan3A_133 : i32 to index
      %swap3A_171 = arith.constant 112 : index
      %swap3A_172 = tpu.vector_load %arg11[%swap3A_170, %swap3A_171] {strides = array<i32>} : memref<128x128xf32, #tpu.memory_space<vmem>>, vector<1x16xf32>,
      %swap3A_173 = vector.shape_cast %swap3A_172 : vector<1x16xf32> to vector<16xf32>
      %swap3A_174 = vector.shape_cast %broadcast_in_dim3A_3 : vector<16xf32> to vector<1x16xf32>
      tpu.vector_store %arg11[%swap3A_170, %swap3A_171], %swap3A_174 {strides = array<i32>} : memref<128x128xf32, #tpu.memory_space<vmem>>, vector<1x16xf32>,
      %scan3A_175 = arith.constant 0 : i32
      scf.yield %scan3A_175 : i32
    }
    %scan3A_9 = arith.constant 128 : i32
    %scan3A_10 = arith.constant 0 : i32
    %scan3A_11 = arith.constant 0 : i32
    %scan3A_12 = arith.constant 40 : i32
    %scan3A_13 = arith.addi %scan3A_11, %scan3A_12 : i32
    %scan3A_14 = arith.constant 1 : i32
    %scan3A_15 = scf.for %scan3A_133 = %scan3A_11 to %scan3A_13 step %scan3A_14 iter_args(%scan3A_134 = %scan3A_10) -> (i32)  : i32 {
      %mul3A_135 = arith.constant 16 : i32
      %mul3A_136 = arith.muli %scan3A_133, %mul3A_135 : i32
      %swap3A_137 = arith.index_cast %mul3A_136 : i32 to index
      %swap3A_138 = tpu.vector_load %arg14[%swap3A_137] {strides = array<i32>} : memref<640xf32, #tpu.memory_space<vmem>>, vector<16xf32>,
      %swap3A_139 = vector.shape_cast %swap3A_138 : vector<16xf32> to vector<16xf32>
      %swap3A_140 = vector.shape_cast %broadcast_in_dim3A_3 : vector<16xf32> to vector<16xf32>
      tpu.vector_store %arg14[%swap3A_137], %swap3A_140 {strides = array<i32>} : memref<640xf32, #tpu.memory_space<vmem>>, vector<16xf32>,
      %scan3A_141 = arith.constant 0 : i32
      scf.yield %scan3A_141 : i32
    }
    %scan3A_16 = arith.constant 40 : i32
    %broadcast_in_dim3A_17 = arith.constant 1.000000e+00 : f32
    %broadcast_in_dim3A_18 = vector.broadcast %broadcast_in_dim3A_17 : f32 to vector<16xf32>
    %swap3A = arith.constant 0 : index
    %swap3A_19 = tpu.vector_load %arg13[%swap3A] {strides = array<i32>} : memref<128xf32, #tpu.memory_space<vmem>>, vector<16xf32>,
    %swap3A_20 = vector.shape_cast %swap3A_19 : vector<16xf32> to vector<16xf32>
    %swap3A_21 = vector.shape_cast %broadcast_in_dim3A_18 : vector<16xf32> to vector<16xf32>
    tpu.vector_store %arg13[%swap3A], %swap3A_21 {strides = array<i32>} : memref<128xf32, #tpu.memory_space<vmem>>, vector<16xf32>,
    %broadcast_in_dim3A_22 = arith.constant 1.000000e+00 : f32
    %broadcast_in_dim3A_23 = vector.broadcast %broadcast_in_dim3A_22 : f32 to vector<16xf32>
    %swap3A_24 = arith.constant 16 : index
    %swap3A_25 = tpu.vector_load %arg13[%swap3A_24] {strides = array<i32>} : memref<128xf32, #tpu.memory_space<vmem>>, vector<16xf32>,
    %swap3A_26 = vector.shape_cast %swap3A_25 : vector<16xf32> to vector<16xf32>
    %swap3A_27 = vector.shape_cast %broadcast_in_dim3A_23 : vector<16xf32> to vector<16xf32>
    tpu.vector_store %arg13[%swap3A_24], %swap3A_27 {strides = array<i32>} : memref<128xf32, #tpu.memory_space<vmem>>, vector<16xf32>,
    %broadcast_in_dim3A_28 = arith.constant 1.000000e+00 : f32
    %broadcast_in_dim3A_29 = vector.broadcast %broadcast_in_dim3A_28 : f32 to vector<16xf32>
    %swap3A_30 = arith.constant 32 : index
    %swap3A_31 = tpu.vector_load %arg13[%swap3A_30] {strides = array<i32>} : memref<128xf32, #tpu.memory_space<vmem>>, vector<16xf32>,
    %swap3A_32 = vector.shape_cast %swap3A_31 : vector<16xf32> to vector<16xf32>
    %swap3A_33 = vector.shape_cast %broadcast_in_dim3A_29 : vector<16xf32> to vector<16xf32>
    tpu.vector_store %arg13[%swap3A_30], %swap3A_33 {strides = array<i32>} : memref<128xf32, #tpu.memory_space<vmem>>, vector<16xf32>,
    %broadcast_in_dim3A_34 = arith.constant 1.000000e+00 : f32
    %broadcast_in_dim3A_35 = vector.broadcast %broadcast_in_dim3A_34 : f32 to vector<16xf32>
    %swap3A_36 = arith.constant 48 : index
    %swap3A_37 = tpu.vector_load %arg13[%swap3A_36] {strides = array<i32>} : memref<128xf32, #tpu.memory_space<vmem>>, vector<16xf32>,
    %swap3A_38 = vector.shape_cast %swap3A_37 : vector<16xf32> to vector<16xf32>
    %swap3A_39 = vector.shape_cast %broadcast_in_dim3A_35 : vector<16xf32> to vector<16xf32>
    tpu.vector_store %arg13[%swap3A_36], %swap3A_39 {strides = array<i32>} : memref<128xf32, #tpu.memory_space<vmem>>, vector<16xf32>,
    %broadcast_in_dim3A_40 = arith.constant 1.000000e+00 : f32
    %broadcast_in_dim3A_41 = vector.broadcast %broadcast_in_dim3A_40 : f32 to vector<16xf32>
    %swap3A_42 = arith.constant 64 : index
    %swap3A_43 = tpu.vector_load %arg13[%swap3A_42] {strides = array<i32>} : memref<128xf32, #tpu.memory_space<vmem>>, vector<16xf32>,
    %swap3A_44 = vector.shape_cast %swap3A_43 : vector<16xf32> to vector<16xf32>
    %swap3A_45 = vector.shape_cast %broadcast_in_dim3A_41 : vector<16xf32> to vector<16xf32>
    tpu.vector_store %arg13[%swap3A_42], %swap3A_45 {strides = array<i32>} : memref<128xf32, #tpu.memory_space<vmem>>, vector<16xf32>,
    %broadcast_in_dim3A_46 = arith.constant 1.000000e+00 : f32
    %broadcast_in_dim3A_47 = vector.broadcast %broadcast_in_dim3A_46 : f32 to vector<16xf32>
    %swap3A_48 = arith.constant 80 : index
    %swap3A_49 = tpu.vector_load %arg13[%swap3A_48] {strides = array<i32>} : memref<128xf32, #tpu.memory_space<vmem>>, vector<16xf32>,
    %swap3A_50 = vector.shape_cast %swap3A_49 : vector<16xf32> to vector<16xf32>
    %swap3A_51 = vector.shape_cast %broadcast_in_dim3A_47 : vector<16xf32> to vector<16xf32>
    tpu.vector_store %arg13[%swap3A_48], %swap3A_51 {strides = array<i32>} : memref<128xf32, #tpu.memory_space<vmem>>, vector<16xf32>,
    %broadcast_in_dim3A_52 = arith.constant 1.000000e+00 : f32
    %broadcast_in_dim3A_53 = vector.broadcast %broadcast_in_dim3A_52 : f32 to vector<16xf32>
    %swap3A_54 = arith.constant 96 : index
    %swap3A_55 = tpu.vector_load %arg13[%swap3A_54] {strides = array<i32>} : memref<128xf32, #tpu.memory_space<vmem>>, vector<16xf32>,
    %swap3A_56 = vector.shape_cast %swap3A_55 : vector<16xf32> to vector<16xf32>
    %swap3A_57 = vector.shape_cast %broadcast_in_dim3A_53 : vector<16xf32> to vector<16xf32>
    tpu.vector_store %arg13[%swap3A_54], %swap3A_57 {strides = array<i32>} : memref<128xf32, #tpu.memory_space<vmem>>, vector<16xf32>,
    %broadcast_in_dim3A_58 = arith.constant 1.000000e+00 : f32
    %broadcast_in_dim3A_59 = vector.broadcast %broadcast_in_dim3A_58 : f32 to vector<16xf32>
    %swap3A_60 = arith.constant 112 : index
    %swap3A_61 = tpu.vector_load %arg13[%swap3A_60] {strides = array<i32>} : memref<128xf32, #tpu.memory_space<vmem>>, vector<16xf32>,
    %swap3A_62 = vector.shape_cast %swap3A_61 : vector<16xf32> to vector<16xf32>
    %swap3A_63 = vector.shape_cast %broadcast_in_dim3A_59 : vector<16xf32> to vector<16xf32>
    tpu.vector_store %arg13[%swap3A_60], %swap3A_63 {strides = array<i32>} : memref<128xf32, #tpu.memory_space<vmem>>, vector<16xf32>,
    %mul3A_64 = arith.constant 640 : i32
    %mul3A_65 = arith.muli %arg1, %mul3A_64 : i32
    %add3A_66 = arith.constant 0 : i32
    %add3A_67 = arith.addi %mul3A_65, %add3A_66 : i32
    "tpu.region"() ({
      %run_scoped3A = tpu.sem_alloc : memref<!tpu.dma_semaphore, #tpu.memory_space<semaphore_mem>>
      %dma_start3A_133 = arith.constant 0 : i32
      %dma_start3A_134 = tpu.memref_slice %arg15[%add3A_67, %dma_start3A_133] : memref<10240x128xf32, #tpu.memory_space<vmem_shared>> -> memref<128x128xf32, #tpu.memory_space<vmem_shared>>
      %dma_start3A_135 = arith.constant 0 : i32
      %dma_start3A_136 = tpu.memref_slice %arg15[%add3A_67, %dma_start3A_135] : memref<10240x128xf32, #tpu.memory_space<vmem_shared>> -> memref<128x128xf32, #tpu.memory_space<vmem_shared>>
      tpu.enqueue_dma source(%arg11 : memref<128x128xf32, #tpu.memory_space<vmem>>) target(%dma_start3A_136 : memref<128x128xf32, #tpu.memory_space<vmem_shared>>) target_semaphore(%run_scoped3A : memref<!tpu.dma_semaphore, #tpu.memory_space<semaphore_mem>>)
      %dma_wait3A_137 = arith.constant 0 : i32
      %dma_wait3A_138 = tpu.memref_slice %arg15[%add3A_67, %dma_wait3A_137] : memref<10240x128xf32, #tpu.memory_space<vmem_shared>> -> memref<128x128xf32, #tpu.memory_space<vmem_shared>>
      %dma_wait3A_139 = arith.constant 0 : i32
      %dma_wait3A_140 = tpu.memref_slice %arg15[%add3A_67, %dma_wait3A_139] : memref<10240x128xf32, #tpu.memory_space<vmem_shared>> -> memref<128x128xf32, #tpu.memory_space<vmem_shared>>
      tpu.wait_dma2 semaphore(%run_scoped3A : memref<!tpu.dma_semaphore, #tpu.memory_space<semaphore_mem>>) src(%arg11 : memref<128x128xf32, #tpu.memory_space<vmem>>) dst(%dma_wait3A_140 : memref<128x128xf32, #tpu.memory_space<vmem_shared>>)
      tpu.yield
    }) : () -> ()
    %add3A_68 = arith.constant 128 : i32
    %add3A_69 = arith.addi %mul3A_65, %add3A_68 : i32
    "tpu.region"() ({
      %run_scoped3A = tpu.sem_alloc : memref<!tpu.dma_semaphore, #tpu.memory_space<semaphore_mem>>
      %dma_start3A_133 = arith.constant 0 : i32
      %dma_start3A_134 = tpu.memref_slice %arg15[%add3A_69, %dma_start3A_133] : memref<10240x128xf32, #tpu.memory_space<vmem_shared>> -> memref<128x128xf32, #tpu.memory_space<vmem_shared>>
      %dma_start3A_135 = arith.constant 0 : i32
      %dma_start3A_136 = tpu.memref_slice %arg15[%add3A_69, %dma_start3A_135] : memref<10240x128xf32, #tpu.memory_space<vmem_shared>> -> memref<128x128xf32, #tpu.memory_space<vmem_shared>>
      tpu.enqueue_dma source(%arg11 : memref<128x128xf32, #tpu.memory_space<vmem>>) target(%dma_start3A_136 : memref<128x128xf32, #tpu.memory_space<vmem_shared>>) target_semaphore(%run_scoped3A : memref<!tpu.dma_semaphore, #tpu.memory_space<semaphore_mem>>)
      %dma_wait3A_137 = arith.constant 0 : i32
      %dma_wait3A_138 = tpu.memref_slice %arg15[%add3A_69, %dma_wait3A_137] : memref<10240x128xf32, #tpu.memory_space<vmem_shared>> -> memref<128x128xf32, #tpu.memory_space<vmem_shared>>
      %dma_wait3A_139 = arith.constant 0 : i32
      %dma_wait3A_140 = tpu.memref_slice %arg15[%add3A_69, %dma_wait3A_139] : memref<10240x128xf32, #tpu.memory_space<vmem_shared>> -> memref<128x128xf32, #tpu.memory_space<vmem_shared>>
      tpu.wait_dma2 semaphore(%run_scoped3A : memref<!tpu.dma_semaphore, #tpu.memory_space<semaphore_mem>>) src(%arg11 : memref<128x128xf32, #tpu.memory_space<vmem>>) dst(%dma_wait3A_140 : memref<128x128xf32, #tpu.memory_space<vmem_shared>>)
      tpu.yield
    }) : () -> ()
    %add3A_70 = arith.constant 256 : i32
    %add3A_71 = arith.addi %mul3A_65, %add3A_70 : i32
    "tpu.region"() ({
      %run_scoped3A = tpu.sem_alloc : memref<!tpu.dma_semaphore, #tpu.memory_space<semaphore_mem>>
      %dma_start3A_133 = arith.constant 0 : i32
      %dma_start3A_134 = tpu.memref_slice %arg15[%add3A_71, %dma_start3A_133] : memref<10240x128xf32, #tpu.memory_space<vmem_shared>> -> memref<128x128xf32, #tpu.memory_space<vmem_shared>>
      %dma_start3A_135 = arith.constant 0 : i32
      %dma_start3A_136 = tpu.memref_slice %arg15[%add3A_71, %dma_start3A_135] : memref<10240x128xf32, #tpu.memory_space<vmem_shared>> -> memref<128x128xf32, #tpu.memory_space<vmem_shared>>
      tpu.enqueue_dma source(%arg11 : memref<128x128xf32, #tpu.memory_space<vmem>>) target(%dma_start3A_136 : memref<128x128xf32, #tpu.memory_space<vmem_shared>>) target_semaphore(%run_scoped3A : memref<!tpu.dma_semaphore, #tpu.memory_space<semaphore_mem>>)
      %dma_wait3A_137 = arith.constant 0 : i32
      %dma_wait3A_138 = tpu.memref_slice %arg15[%add3A_71, %dma_wait3A_137] : memref<10240x128xf32, #tpu.memory_space<vmem_shared>> -> memref<128x128xf32, #tpu.memory_space<vmem_shared>>
      %dma_wait3A_139 = arith.constant 0 : i32
      %dma_wait3A_140 = tpu.memref_slice %arg15[%add3A_71, %dma_wait3A_139] : memref<10240x128xf32, #tpu.memory_space<vmem_shared>> -> memref<128x128xf32, #tpu.memory_space<vmem_shared>>
      tpu.wait_dma2 semaphore(%run_scoped3A : memref<!tpu.dma_semaphore, #tpu.memory_space<semaphore_mem>>) src(%arg11 : memref<128x128xf32, #tpu.memory_space<vmem>>) dst(%dma_wait3A_140 : memref<128x128xf32, #tpu.memory_space<vmem_shared>>)
      tpu.yield
    }) : () -> ()
    %add3A_72 = arith.constant 384 : i32
    %add3A_73 = arith.addi %mul3A_65, %add3A_72 : i32
    "tpu.region"() ({
      %run_scoped3A = tpu.sem_alloc : memref<!tpu.dma_semaphore, #tpu.memory_space<semaphore_mem>>
      %dma_start3A_133 = arith.constant 0 : i32
      %dma_start3A_134 = tpu.memref_slice %arg15[%add3A_73, %dma_start3A_133] : memref<10240x128xf32, #tpu.memory_space<vmem_shared>> -> memref<128x128xf32, #tpu.memory_space<vmem_shared>>
      %dma_start3A_135 = arith.constant 0 : i32
      %dma_start3A_136 = tpu.memref_slice %arg15[%add3A_73, %dma_start3A_135] : memref<10240x128xf32, #tpu.memory_space<vmem_shared>> -> memref<128x128xf32, #tpu.memory_space<vmem_shared>>
      tpu.enqueue_dma source(%arg11 : memref<128x128xf32, #tpu.memory_space<vmem>>) target(%dma_start3A_136 : memref<128x128xf32, #tpu.memory_space<vmem_shared>>) target_semaphore(%run_scoped3A : memref<!tpu.dma_semaphore, #tpu.memory_space<semaphore_mem>>)
      %dma_wait3A_137 = arith.constant 0 : i32
      %dma_wait3A_138 = tpu.memref_slice %arg15[%add3A_73, %dma_wait3A_137] : memref<10240x128xf32, #tpu.memory_space<vmem_shared>> -> memref<128x128xf32, #tpu.memory_space<vmem_shared>>
      %dma_wait3A_139 = arith.constant 0 : i32
      %dma_wait3A_140 = tpu.memref_slice %arg15[%add3A_73, %dma_wait3A_139] : memref<10240x128xf32, #tpu.memory_space<vmem_shared>> -> memref<128x128xf32, #tpu.memory_space<vmem_shared>>
      tpu.wait_dma2 semaphore(%run_scoped3A : memref<!tpu.dma_semaphore, #tpu.memory_space<semaphore_mem>>) src(%arg11 : memref<128x128xf32, #tpu.memory_space<vmem>>) dst(%dma_wait3A_140 : memref<128x128xf32, #tpu.memory_space<vmem_shared>>)
      tpu.yield
    }) : () -> ()
    %add3A_74 = arith.constant 512 : i32
    %add3A_75 = arith.addi %mul3A_65, %add3A_74 : i32
    "tpu.region"() ({
      %run_scoped3A = tpu.sem_alloc : memref<!tpu.dma_semaphore, #tpu.memory_space<semaphore_mem>>
      %dma_start3A_133 = arith.constant 0 : i32
      %dma_start3A_134 = tpu.memref_slice %arg15[%add3A_75, %dma_start3A_133] : memref<10240x128xf32, #tpu.memory_space<vmem_shared>> -> memref<128x128xf32, #tpu.memory_space<vmem_shared>>
      %dma_start3A_135 = arith.constant 0 : i32
      %dma_start3A_136 = tpu.memref_slice %arg15[%add3A_75, %dma_start3A_135] : memref<10240x128xf32, #tpu.memory_space<vmem_shared>> -> memref<128x128xf32, #tpu.memory_space<vmem_shared>>
      tpu.enqueue_dma source(%arg11 : memref<128x128xf32, #tpu.memory_space<vmem>>) target(%dma_start3A_136 : memref<128x128xf32, #tpu.memory_space<vmem_shared>>) target_semaphore(%run_scoped3A : memref<!tpu.dma_semaphore, #tpu.memory_space<semaphore_mem>>)
      %dma_wait3A_137 = arith.constant 0 : i32
      %dma_wait3A_138 = tpu.memref_slice %arg15[%add3A_75, %dma_wait3A_137] : memref<10240x128xf32, #tpu.memory_space<vmem_shared>> -> memref<128x128xf32, #tpu.memory_space<vmem_shared>>
      %dma_wait3A_139 = arith.constant 0 : i32
      %dma_wait3A_140 = tpu.memref_slice %arg15[%add3A_75, %dma_wait3A_139] : memref<10240x128xf32, #tpu.memory_space<vmem_shared>> -> memref<128x128xf32, #tpu.memory_space<vmem_shared>>
      tpu.wait_dma2 semaphore(%run_scoped3A : memref<!tpu.dma_semaphore, #tpu.memory_space<semaphore_mem>>) src(%arg11 : memref<128x128xf32, #tpu.memory_space<vmem>>) dst(%dma_wait3A_140 : memref<128x128xf32, #tpu.memory_space<vmem_shared>>)
      tpu.yield
    }) : () -> ()
    "tpu.region"() ({
      %run_scoped3A = tpu.sem_alloc : memref<!tpu.dma_semaphore, #tpu.memory_space<semaphore_mem>>
      %dma_start3A_133 = tpu.memref_slice %arg16[%mul3A_65] : memref<10240xf32, #tpu.memory_space<vmem_shared>> -> memref<640xf32, #tpu.memory_space<vmem_shared>>
      %dma_start3A_134 = tpu.memref_slice %arg16[%mul3A_65] : memref<10240xf32, #tpu.memory_space<vmem_shared>> -> memref<640xf32, #tpu.memory_space<vmem_shared>>
      tpu.enqueue_dma source(%arg14 : memref<640xf32, #tpu.memory_space<vmem>>) target(%dma_start3A_134 : memref<640xf32, #tpu.memory_space<vmem_shared>>) target_semaphore(%run_scoped3A : memref<!tpu.dma_semaphore, #tpu.memory_space<semaphore_mem>>)
      %dma_wait3A_135 = tpu.memref_slice %arg16[%mul3A_65] : memref<10240xf32, #tpu.memory_space<vmem_shared>> -> memref<640xf32, #tpu.memory_space<vmem_shared>>
      %dma_wait3A_136 = tpu.memref_slice %arg16[%mul3A_65] : memref<10240xf32, #tpu.memory_space<vmem_shared>> -> memref<640xf32, #tpu.memory_space<vmem_shared>>
      tpu.wait_dma2 semaphore(%run_scoped3A : memref<!tpu.dma_semaphore, #tpu.memory_space<semaphore_mem>>) src(%arg14 : memref<640xf32, #tpu.memory_space<vmem>>) dst(%dma_wait3A_136 : memref<640xf32, #tpu.memory_space<vmem_shared>>)
      tpu.yield
    }) : () -> ()
    %barrier3A = arith.constant 0 : index
    tpu.barrier barrier_id(%barrier3A)
    %min3A = arith.constant 0 : i32
    %min3A_76 = arith.constant 9 : i32
    %min3A_77 = arith.minsi %min3A, %min3A_76 : i32
    %mul3A_78 = arith.constant 8 : i32
    %mul3A_79 = arith.muli %min3A_77, %mul3A_78 : i32
    %add3A_80 = arith.addi %mul3A_2, %mul3A_79 : i32
    %dma_start3A = arith.constant 0 : i32
    %dma_start3A_81 = tpu.memref_slice %arg3[%add3A_80, %dma_start3A] : memref<2560x128xi32, #tpu.memory_space<hbm>> -> memref<8x128xi32, #tpu.memory_space<hbm>>
    %dma_start3A_82 = arith.constant 0 : i32
    %dma_start3A_83 = tpu.memref_slice %arg3[%add3A_80, %dma_start3A_82] : memref<2560x128xi32, #tpu.memory_space<hbm>> -> memref<8x128xi32, #tpu.memory_space<hbm>>
    tpu.enqueue_dma source(%dma_start3A_83 : memref<8x128xi32, #tpu.memory_space<hbm>>) target(%arg7 : memref<8x128xi32, #tpu.memory_space<vmem>>) target_semaphore(%arg19 : memref<!tpu.dma_semaphore, #tpu.memory_space<semaphore_mem>>)
    %dma_start3A_84 = arith.constant 0 : i32
    %dma_start3A_85 = tpu.memref_slice %arg4[%add3A_80, %dma_start3A_84] : memref<2560x128xi32, #tpu.memory_space<hbm>> -> memref<8x128xi32, #tpu.memory_space<hbm>>
    %dma_start3A_86 = arith.constant 0 : i32
    %dma_start3A_87 = tpu.memref_slice %arg4[%add3A_80, %dma_start3A_86] : memref<2560x128xi32, #tpu.memory_space<hbm>> -> memref<8x128xi32, #tpu.memory_space<hbm>>
    tpu.enqueue_dma source(%dma_start3A_87 : memref<8x128xi32, #tpu.memory_space<hbm>>) target(%arg9 : memref<8x128xi32, #tpu.memory_space<vmem>>) target_semaphore(%arg19 : memref<!tpu.dma_semaphore, #tpu.memory_space<semaphore_mem>>)
    %dma_wait3A = arith.constant 0 : i32
    %dma_wait3A_88 = arith.constant 0 : i32
    %dma_wait3A_89 = tpu.memref_slice %arg3[%dma_wait3A, %dma_wait3A_88] : memref<2560x128xi32, #tpu.memory_space<hbm>> -> memref<8x128xi32, #tpu.memory_space<hbm>>
    %dma_wait3A_90 = arith.constant 0 : i32
    %dma_wait3A_91 = arith.constant 0 : i32
    %dma_wait3A_92 = tpu.memref_slice %arg3[%dma_wait3A_90, %dma_wait3A_91] : memref<2560x128xi32, #tpu.memory_space<hbm>> -> memref<8x128xi32, #tpu.memory_space<hbm>>
    tpu.wait_dma2 semaphore(%arg19 : memref<!tpu.dma_semaphore, #tpu.memory_space<semaphore_mem>>) src(%dma_wait3A_92 : memref<8x128xi32, #tpu.memory_space<hbm>>) dst(%arg7 : memref<8x128xi32, #tpu.memory_space<vmem>>)
    %dma_wait3A_93 = arith.constant 0 : i32
    %dma_wait3A_94 = arith.constant 0 : i32
    %dma_wait3A_95 = tpu.memref_slice %arg4[%dma_wait3A_93, %dma_wait3A_94] : memref<2560x128xi32, #tpu.memory_space<hbm>> -> memref<8x128xi32, #tpu.memory_space<hbm>>
    %dma_wait3A_96 = arith.constant 0 : i32
    %dma_wait3A_97 = arith.constant 0 : i32
    %dma_wait3A_98 = tpu.memref_slice %arg4[%dma_wait3A_96, %dma_wait3A_97] : memref<2560x128xi32, #tpu.memory_space<hbm>> -> memref<8x128xi32, #tpu.memory_space<hbm>>
    tpu.wait_dma2 semaphore(%arg19 : memref<!tpu.dma_semaphore, #tpu.memory_space<semaphore_mem>>) src(%dma_wait3A_98 : memref<8x128xi32, #tpu.memory_space<hbm>>) dst(%arg9 : memref<8x128xi32, #tpu.memory_space<vmem>>)
    %min3A_99 = arith.constant 1 : i32
    %min3A_100 = arith.constant 9 : i32
    %min3A_101 = arith.minsi %min3A_99, %min3A_100 : i32
    %mul3A_102 = arith.constant 8 : i32
    %mul3A_103 = arith.muli %min3A_101, %mul3A_102 : i32
    %add3A_104 = arith.addi %mul3A_2, %mul3A_103 : i32
    %dma_start3A_105 = arith.constant 0 : i32
    %dma_start3A_106 = tpu.memref_slice %arg3[%add3A_104, %dma_start3A_105] : memref<2560x128xi32, #tpu.memory_space<hbm>> -> memref<8x128xi32, #tpu.memory_space<hbm>>
    %dma_start3A_107 = arith.constant 0 : i32
    %dma_start3A_108 = tpu.memref_slice %arg3[%add3A_104, %dma_start3A_107] : memref<2560x128xi32, #tpu.memory_space<hbm>> -> memref<8x128xi32, #tpu.memory_space<hbm>>
    tpu.enqueue_dma source(%dma_start3A_108 : memref<8x128xi32, #tpu.memory_space<hbm>>) target(%arg8 : memref<8x128xi32, #tpu.memory_space<vmem>>) target_semaphore(%arg19 : memref<!tpu.dma_semaphore, #tpu.memory_space<semaphore_mem>>)
    %dma_start3A_109 = arith.constant 0 : i32
    %dma_start3A_110 = tpu.memref_slice %arg4[%add3A_104, %dma_start3A_109] : memref<2560x128xi32, #tpu.memory_space<hbm>> -> memref<8x128xi32, #tpu.memory_space<hbm>>
    %dma_start3A_111 = arith.constant 0 : i32
    %dma_start3A_112 = tpu.memref_slice %arg4[%add3A_104, %dma_start3A_111] : memref<2560x128xi32, #tpu.memory_space<hbm>> -> memref<8x128xi32, #tpu.memory_space<hbm>>
    tpu.enqueue_dma source(%dma_start3A_112 : memref<8x128xi32, #tpu.memory_space<hbm>>) target(%arg10 : memref<8x128xi32, #tpu.memory_space<vmem>>) target_semaphore(%arg19 : memref<!tpu.dma_semaphore, #tpu.memory_space<semaphore_mem>>)
    %scan3A_113 = arith.constant 0 : i32
    %scan3A_114 = arith.constant 0 : i32
    %scan3A_115 = arith.constant 5 : i32
    %scan3A_116 = arith.addi %scan3A_114, %scan3A_115 : i32
    %scan3A_117 = arith.constant 1 : i32
    %scan3A_118 = scf.for %scan3A_133 = %scan3A_114 to %scan3A_116 step %scan3A_117 iter_args(%scan3A_134 = %scan3A_113) -> (i32)  : i32 {
      %mul3A_135 = arith.constant 2 : i32
      %mul3A_136 = arith.muli %mul3A_135, %scan3A_133 : i32
      %dma_start3A_137 = arith.constant 0 : i32
      %dma_start3A_138 = arith.constant 0 : i32
      %dma_start3A_139 = tpu.memref_slice %arg7[%dma_start3A_137, %dma_start3A_138] : memref<8x128xi32, #tpu.memory_space<vmem>> -> memref<1x128xi32, #tpu.memory_space<vmem>>
      %dma_start3A_140 = tpu.memref_squeeze %dma_start3A_139 : memref<1x128xi32, #tpu.memory_space<vmem>> -> memref<128xi32, #tpu.memory_space<vmem>>
      %dma_start3A_141 = arith.constant 0 : i32
      %dma_start3A_142 = arith.constant 0 : i32
      %dma_start3A_143 = tpu.memref_slice %arg2[%dma_start3A_141, %dma_start3A_142] : memref<10000x128xf32, #tpu.memory_space<hbm>> -> memref<10000x128xf32, #tpu.memory_space<hbm>>
      tpu.enqueue_indirect_dma source(%dma_start3A_143 : memref<10000x128xf32, #tpu.memory_space<hbm>>) target(%arg11 : memref<128x128xf32, #tpu.memory_space<vmem>>) offsets(%dma_start3A_140 : memref<128xi32, #tpu.memory_space<vmem>>) semaphore(%arg17 : memref<!tpu.dma_semaphore, #tpu.memory_space<semaphore_mem>>)
      %dma_wait3A_144 = arith.constant 0 : i32
      %dma_wait3A_145 = arith.constant 0 : i32
      %dma_wait3A_146 = tpu.memref_slice %arg7[%dma_wait3A_144, %dma_wait3A_145] : memref<8x128xi32, #tpu.memory_space<vmem>> -> memref<1x128xi32, #tpu.memory_space<vmem>>
      %dma_wait3A_147 = tpu.memref_squeeze %dma_wait3A_146 : memref<1x128xi32, #tpu.memory_space<vmem>> -> memref<128xi32, #tpu.memory_space<vmem>>
      %dma_wait3A_148 = arith.constant 0 : i32
      %dma_wait3A_149 = arith.constant 0 : i32
      %dma_wait3A_150 = tpu.memref_slice %arg2[%dma_wait3A_148, %dma_wait3A_149] : memref<10000x128xf32, #tpu.memory_space<hbm>> -> memref<10000x128xf32, #tpu.memory_space<hbm>>
      tpu.wait_indirect_dma semaphore(%arg17 : memref<!tpu.dma_semaphore, #tpu.memory_space<semaphore_mem>>) src(%dma_wait3A_150 : memref<10000x128xf32, #tpu.memory_space<hbm>>) dst(%arg11 : memref<128x128xf32, #tpu.memory_space<vmem>>)
      %dma_start3A_151 = arith.constant 1 : i32
      %dma_start3A_152 = arith.constant 0 : i32
      %dma_start3A_153 = tpu.memref_slice %arg7[%dma_start3A_151, %dma_start3A_152] : memref<8x128xi32, #tpu.memory_space<vmem>> -> memref<1x128xi32, #tpu.memory_space<vmem>>
      %dma_start3A_154 = tpu.memref_squeeze %dma_start3A_153 : memref<1x128xi32, #tpu.memory_space<vmem>> -> memref<128xi32, #tpu.memory_space<vmem>>
      %dma_start3A_155 = arith.constant 0 : i32
      %dma_start3A_156 = arith.constant 0 : i32
      %dma_start3A_157 = tpu.memref_slice %arg2[%dma_start3A_155, %dma_start3A_156] : memref<10000x128xf32, #tpu.memory_space<hbm>> -> memref<10000x128xf32, #tpu.memory_space<hbm>>
      tpu.enqueue_indirect_dma source(%dma_start3A_157 : memref<10000x128xf32, #tpu.memory_space<hbm>>) target(%arg12 : memref<128x128xf32, #tpu.memory_space<vmem>>) offsets(%dma_start3A_154 : memref<128xi32, #tpu.memory_space<vmem>>) semaphore(%arg18 : memref<!tpu.dma_semaphore, #tpu.memory_space<semaphore_mem>>)
      %run_scoped3A = arith.constant 0 : i32
      "tpu.region"() ({
        %run_scoped3A_447 = tpu.sem_alloc : memref<!tpu.dma_semaphore, #tpu.memory_space<semaphore_mem>>
        %dma_start3A_448 = arith.constant 0 : i32
        %dma_start3A_449 = tpu.memref_slice %arg9[%run_scoped3A, %dma_start3A_448] : memref<8x128xi32, #tpu.memory_space<vmem>> -> memref<1x128xi32, #tpu.memory_space<vmem>>
        %dma_start3A_450 = tpu.memref_squeeze %dma_start3A_449 : memref<1x128xi32, #tpu.memory_space<vmem>> -> memref<128xi32, #tpu.memory_space<vmem>>
        %dma_start3A_451 = arith.constant 0 : i32
        %dma_start3A_452 = arith.constant 0 : i32
        %dma_start3A_453 = tpu.memref_slice %arg15[%dma_start3A_451, %dma_start3A_452] : memref<10240x128xf32, #tpu.memory_space<vmem_shared>> -> memref<10240x128xf32, #tpu.memory_space<vmem_shared>>
        tpu.enqueue_indirect_dma source(%arg11 : memref<128x128xf32, #tpu.memory_space<vmem>>) target(%dma_start3A_453 : memref<10240x128xf32, #tpu.memory_space<vmem_shared>>) offsets(%dma_start3A_450 : memref<128xi32, #tpu.memory_space<vmem>>) semaphore(%run_scoped3A_447 : memref<!tpu.dma_semaphore, #tpu.memory_space<semaphore_mem>>) {add = true}
        %dma_wait3A_454 = arith.constant 0 : i32
        %dma_wait3A_455 = tpu.memref_slice %arg9[%run_scoped3A, %dma_wait3A_454] : memref<8x128xi32, #tpu.memory_space<vmem>> -> memref<1x128xi32, #tpu.memory_space<vmem>>
        %dma_wait3A_456 = tpu.memref_squeeze %dma_wait3A_455 : memref<1x128xi32, #tpu.memory_space<vmem>> -> memref<128xi32, #tpu.memory_space<vmem>>
        %dma_wait3A_457 = arith.constant 0 : i32
        %dma_wait3A_458 = arith.constant 0 : i32
        %dma_wait3A_459 = tpu.memref_slice %arg15[%dma_wait3A_457, %dma_wait3A_458] : memref<10240x128xf32, #tpu.memory_space<vmem_shared>> -> memref<10240x128xf32, #tpu.memory_space<vmem_shared>>
        tpu.wait_indirect_dma semaphore(%run_scoped3A_447 : memref<!tpu.dma_semaphore, #tpu.memory_space<semaphore_mem>>) src(%arg11 : memref<128x128xf32, #tpu.memory_space<vmem>>) dst(%dma_wait3A_459 : memref<10240x128xf32, #tpu.memory_space<vmem_shared>>)
        tpu.yield
      }) : () -> ()
      %run_scoped3A_158 = arith.constant 0 : i32
      "tpu.region"() ({
        %run_scoped3A_447 = tpu.sem_alloc : memref<!tpu.dma_semaphore, #tpu.memory_space<semaphore_mem>>
        %dma_start3A_448 = arith.constant 0 : i32
        %dma_start3A_449 = tpu.memref_slice %arg9[%run_scoped3A_158, %dma_start3A_448] : memref<8x128xi32, #tpu.memory_space<vmem>> -> memref<1x128xi32, #tpu.memory_space<vmem>>
        %dma_start3A_450 = tpu.memref_squeeze %dma_start3A_449 : memref<1x128xi32, #tpu.memory_space<vmem>> -> memref<128xi32, #tpu.memory_space<vmem>>
        %dma_start3A_451 = arith.constant 0 : i32
        %dma_start3A_452 = tpu.memref_slice %arg16[%dma_start3A_451] : memref<10240xf32, #tpu.memory_space<vmem_shared>> -> memref<10240xf32, #tpu.memory_space<vmem_shared>>
        tpu.enqueue_indirect_dma source(%arg13 : memref<128xf32, #tpu.memory_space<vmem>>) target(%dma_start3A_452 : memref<10240xf32, #tpu.memory_space<vmem_shared>>) offsets(%dma_start3A_450 : memref<128xi32, #tpu.memory_space<vmem>>) semaphore(%run_scoped3A_447 : memref<!tpu.dma_semaphore, #tpu.memory_space<semaphore_mem>>) {add = true}
        %dma_wait3A_453 = arith.constant 0 : i32
        %dma_wait3A_454 = tpu.memref_slice %arg9[%run_scoped3A_158, %dma_wait3A_453] : memref<8x128xi32, #tpu.memory_space<vmem>> -> memref<1x128xi32, #tpu.memory_space<vmem>>
        %dma_wait3A_455 = tpu.memref_squeeze %dma_wait3A_454 : memref<1x128xi32, #tpu.memory_space<vmem>> -> memref<128xi32, #tpu.memory_space<vmem>>
        %dma_wait3A_456 = arith.constant 0 : i32
        %dma_wait3A_457 = tpu.memref_slice %arg16[%dma_wait3A_456] : memref<10240xf32, #tpu.memory_space<vmem_shared>> -> memref<10240xf32, #tpu.memory_space<vmem_shared>>
        tpu.wait_indirect_dma semaphore(%run_scoped3A_447 : memref<!tpu.dma_semaphore, #tpu.memory_space<semaphore_mem>>) src(%arg13 : memref<128xf32, #tpu.memory_space<vmem>>) dst(%dma_wait3A_457 : memref<10240xf32, #tpu.memory_space<vmem_shared>>)
        tpu.yield
      }) : () -> ()
      %dma_wait3A_159 = arith.constant 1 : i32
      %dma_wait3A_160 = arith.constant 0 : i32
      %dma_wait3A_161 = tpu.memref_slice %arg7[%dma_wait3A_159, %dma_wait3A_160] : memref<8x128xi32, #tpu.memory_space<vmem>> -> memref<1x128xi32, #tpu.memory_space<vmem>>
      %dma_wait3A_162 = tpu.memref_squeeze %dma_wait3A_161 : memref<1x128xi32, #tpu.memory_space<vmem>> -> memref<128xi32, #tpu.memory_space<vmem>>
      %dma_wait3A_163 = arith.constant 0 : i32
      %dma_wait3A_164 = arith.constant 0 : i32
      %dma_wait3A_165 = tpu.memref_slice %arg2[%dma_wait3A_163, %dma_wait3A_164] : memref<10000x128xf32, #tpu.memory_space<hbm>> -> memref<10000x128xf32, #tpu.memory_space<hbm>>
      tpu.wait_indirect_dma semaphore(%arg18 : memref<!tpu.dma_semaphore, #tpu.memory_space<semaphore_mem>>) src(%dma_wait3A_165 : memref<10000x128xf32, #tpu.memory_space<hbm>>) dst(%arg12 : memref<128x128xf32, #tpu.memory_space<vmem>>)
      %dma_start3A_166 = arith.constant 2 : i32
      %dma_start3A_167 = arith.constant 0 : i32
      %dma_start3A_168 = tpu.memref_slice %arg7[%dma_start3A_166, %dma_start3A_167] : memref<8x128xi32, #tpu.memory_space<vmem>> -> memref<1x128xi32, #tpu.memory_space<vmem>>
      %dma_start3A_169 = tpu.memref_squeeze %dma_start3A_168 : memref<1x128xi32, #tpu.memory_space<vmem>> -> memref<128xi32, #tpu.memory_space<vmem>>
      %dma_start3A_170 = arith.constant 0 : i32
      %dma_start3A_171 = arith.constant 0 : i32
      %dma_start3A_172 = tpu.memref_slice %arg2[%dma_start3A_170, %dma_start3A_171] : memref<10000x128xf32, #tpu.memory_space<hbm>> -> memref<10000x128xf32, #tpu.memory_space<hbm>>
      tpu.enqueue_indirect_dma source(%dma_start3A_172 : memref<10000x128xf32, #tpu.memory_space<hbm>>) target(%arg11 : memref<128x128xf32, #tpu.memory_space<vmem>>) offsets(%dma_start3A_169 : memref<128xi32, #tpu.memory_space<vmem>>) semaphore(%arg17 : memref<!tpu.dma_semaphore, #tpu.memory_space<semaphore_mem>>)
      %run_scoped3A_173 = arith.constant 1 : i32
      "tpu.region"() ({
        %run_scoped3A_447 = tpu.sem_alloc : memref<!tpu.dma_semaphore, #tpu.memory_space<semaphore_mem>>
        %dma_start3A_448 = arith.constant 0 : i32
        %dma_start3A_449 = tpu.memref_slice %arg9[%run_scoped3A_173, %dma_start3A_448] : memref<8x128xi32, #tpu.memory_space<vmem>> -> memref<1x128xi32, #tpu.memory_space<vmem>>
        %dma_start3A_450 = tpu.memref_squeeze %dma_start3A_449 : memref<1x128xi32, #tpu.memory_space<vmem>> -> memref<128xi32, #tpu.memory_space<vmem>>
        %dma_start3A_451 = arith.constant 0 : i32
        %dma_start3A_452 = arith.constant 0 : i32
        %dma_start3A_453 = tpu.memref_slice %arg15[%dma_start3A_451, %dma_start3A_452] : memref<10240x128xf32, #tpu.memory_space<vmem_shared>> -> memref<10240x128xf32, #tpu.memory_space<vmem_shared>>
        tpu.enqueue_indirect_dma source(%arg12 : memref<128x128xf32, #tpu.memory_space<vmem>>) target(%dma_start3A_453 : memref<10240x128xf32, #tpu.memory_space<vmem_shared>>) offsets(%dma_start3A_450 : memref<128xi32, #tpu.memory_space<vmem>>) semaphore(%run_scoped3A_447 : memref<!tpu.dma_semaphore, #tpu.memory_space<semaphore_mem>>) {add = true}
        %dma_wait3A_454 = arith.constant 0 : i32
        %dma_wait3A_455 = tpu.memref_slice %arg9[%run_scoped3A_173, %dma_wait3A_454] : memref<8x128xi32, #tpu.memory_space<vmem>> -> memref<1x128xi32, #tpu.memory_space<vmem>>
        %dma_wait3A_456 = tpu.memref_squeeze %dma_wait3A_455 : memref<1x128xi32, #tpu.memory_space<vmem>> -> memref<128xi32, #tpu.memory_space<vmem>>
        %dma_wait3A_457 = arith.constant 0 : i32
        %dma_wait3A_458 = arith.constant 0 : i32
        %dma_wait3A_459 = tpu.memref_slice %arg15[%dma_wait3A_457, %dma_wait3A_458] : memref<10240x128xf32, #tpu.memory_space<vmem_shared>> -> memref<10240x128xf32, #tpu.memory_space<vmem_shared>>
        tpu.wait_indirect_dma semaphore(%run_scoped3A_447 : memref<!tpu.dma_semaphore, #tpu.memory_space<semaphore_mem>>) src(%arg12 : memref<128x128xf32, #tpu.memory_space<vmem>>) dst(%dma_wait3A_459 : memref<10240x128xf32, #tpu.memory_space<vmem_shared>>)
        tpu.yield
      }) : () -> ()
      %run_scoped3A_174 = arith.constant 1 : i32
      "tpu.region"() ({
        %run_scoped3A_447 = tpu.sem_alloc : memref<!tpu.dma_semaphore, #tpu.memory_space<semaphore_mem>>
        %dma_start3A_448 = arith.constant 0 : i32
        %dma_start3A_449 = tpu.memref_slice %arg9[%run_scoped3A_174, %dma_start3A_448] : memref<8x128xi32, #tpu.memory_space<vmem>> -> memref<1x128xi32, #tpu.memory_space<vmem>>
        %dma_start3A_450 = tpu.memref_squeeze %dma_start3A_449 : memref<1x128xi32, #tpu.memory_space<vmem>> -> memref<128xi32, #tpu.memory_space<vmem>>
        %dma_start3A_451 = arith.constant 0 : i32
        %dma_start3A_452 = tpu.memref_slice %arg16[%dma_start3A_451] : memref<10240xf32, #tpu.memory_space<vmem_shared>> -> memref<10240xf32, #tpu.memory_space<vmem_shared>>
        tpu.enqueue_indirect_dma source(%arg13 : memref<128xf32, #tpu.memory_space<vmem>>) target(%dma_start3A_452 : memref<10240xf32, #tpu.memory_space<vmem_shared>>) offsets(%dma_start3A_450 : memref<128xi32, #tpu.memory_space<vmem>>) semaphore(%run_scoped3A_447 : memref<!tpu.dma_semaphore, #tpu.memory_space<semaphore_mem>>) {add = true}
        %dma_wait3A_453 = arith.constant 0 : i32
        %dma_wait3A_454 = tpu.memref_slice %arg9[%run_scoped3A_174, %dma_wait3A_453] : memref<8x128xi32, #tpu.memory_space<vmem>> -> memref<1x128xi32, #tpu.memory_space<vmem>>
        %dma_wait3A_455 = tpu.memref_squeeze %dma_wait3A_454 : memref<1x128xi32, #tpu.memory_space<vmem>> -> memref<128xi32, #tpu.memory_space<vmem>>
        %dma_wait3A_456 = arith.constant 0 : i32
        %dma_wait3A_457 = tpu.memref_slice %arg16[%dma_wait3A_456] : memref<10240xf32, #tpu.memory_space<vmem_shared>> -> memref<10240xf32, #tpu.memory_space<vmem_shared>>
        tpu.wait_indirect_dma semaphore(%run_scoped3A_447 : memref<!tpu.dma_semaphore, #tpu.memory_space<semaphore_mem>>) src(%arg13 : memref<128xf32, #tpu.memory_space<vmem>>) dst(%dma_wait3A_457 : memref<10240xf32, #tpu.memory_space<vmem_shared>>)
        tpu.yield
      }) : () -> ()
      %dma_wait3A_175 = arith.constant 2 : i32
      %dma_wait3A_176 = arith.constant 0 : i32
      %dma_wait3A_177 = tpu.memref_slice %arg7[%dma_wait3A_175, %dma_wait3A_176] : memref<8x128xi32, #tpu.memory_space<vmem>> -> memref<1x128xi32, #tpu.memory_space<vmem>>
      %dma_wait3A_178 = tpu.memref_squeeze %dma_wait3A_177 : memref<1x128xi32, #tpu.memory_space<vmem>> -> memref<128xi32, #tpu.memory_space<vmem>>
      %dma_wait3A_179 = arith.constant 0 : i32
      %dma_wait3A_180 = arith.constant 0 : i32
      %dma_wait3A_181 = tpu.memref_slice %arg2[%dma_wait3A_179, %dma_wait3A_180] : memref<10000x128xf32, #tpu.memory_space<hbm>> -> memref<10000x128xf32, #tpu.memory_space<hbm>>
      tpu.wait_indirect_dma semaphore(%arg17 : memref<!tpu.dma_semaphore, #tpu.memory_space<semaphore_mem>>) src(%dma_wait3A_181 : memref<10000x128xf32, #tpu.memory_space<hbm>>) dst(%arg11 : memref<128x128xf32, #tpu.memory_space<vmem>>)
      %dma_start3A_182 = arith.constant 3 : i32
      %dma_start3A_183 = arith.constant 0 : i32
      %dma_start3A_184 = tpu.memref_slice %arg7[%dma_start3A_182, %dma_start3A_183] : memref<8x128xi32, #tpu.memory_space<vmem>> -> memref<1x128xi32, #tpu.memory_space<vmem>>
      %dma_start3A_185 = tpu.memref_squeeze %dma_start3A_184 : memref<1x128xi32, #tpu.memory_space<vmem>> -> memref<128xi32, #tpu.memory_space<vmem>>
      %dma_start3A_186 = arith.constant 0 : i32
      %dma_start3A_187 = arith.constant 0 : i32
      %dma_start3A_188 = tpu.memref_slice %arg2[%dma_start3A_186, %dma_start3A_187] : memref<10000x128xf32, #tpu.memory_space<hbm>> -> memref<10000x128xf32, #tpu.memory_space<hbm>>
      tpu.enqueue_indirect_dma source(%dma_start3A_188 : memref<10000x128xf32, #tpu.memory_space<hbm>>) target(%arg12 : memref<128x128xf32, #tpu.memory_space<vmem>>) offsets(%dma_start3A_185 : memref<128xi32, #tpu.memory_space<vmem>>) semaphore(%arg18 : memref<!tpu.dma_semaphore, #tpu.memory_space<semaphore_mem>>)
      %run_scoped3A_189 = arith.constant 2 : i32
      "tpu.region"() ({
        %run_scoped3A_447 = tpu.sem_alloc : memref<!tpu.dma_semaphore, #tpu.memory_space<semaphore_mem>>
        %dma_start3A_448 = arith.constant 0 : i32
        %dma_start3A_449 = tpu.memref_slice %arg9[%run_scoped3A_189, %dma_start3A_448] : memref<8x128xi32, #tpu.memory_space<vmem>> -> memref<1x128xi32, #tpu.memory_space<vmem>>
        %dma_start3A_450 = tpu.memref_squeeze %dma_start3A_449 : memref<1x128xi32, #tpu.memory_space<vmem>> -> memref<128xi32, #tpu.memory_space<vmem>>
        %dma_start3A_451 = arith.constant 0 : i32
        %dma_start3A_452 = arith.constant 0 : i32
        %dma_start3A_453 = tpu.memref_slice %arg15[%dma_start3A_451, %dma_start3A_452] : memref<10240x128xf32, #tpu.memory_space<vmem_shared>> -> memref<10240x128xf32, #tpu.memory_space<vmem_shared>>
        tpu.enqueue_indirect_dma source(%arg11 : memref<128x128xf32, #tpu.memory_space<vmem>>) target(%dma_start3A_453 : memref<10240x128xf32, #tpu.memory_space<vmem_shared>>) offsets(%dma_start3A_450 : memref<128xi32, #tpu.memory_space<vmem>>) semaphore(%run_scoped3A_447 : memref<!tpu.dma_semaphore, #tpu.memory_space<semaphore_mem>>) {add = true}
        %dma_wait3A_454 = arith.constant 0 : i32
        %dma_wait3A_455 = tpu.memref_slice %arg9[%run_scoped3A_189, %dma_wait3A_454] : memref<8x128xi32, #tpu.memory_space<vmem>> -> memref<1x128xi32, #tpu.memory_space<vmem>>
        %dma_wait3A_456 = tpu.memref_squeeze %dma_wait3A_455 : memref<1x128xi32, #tpu.memory_space<vmem>> -> memref<128xi32, #tpu.memory_space<vmem>>
        %dma_wait3A_457 = arith.constant 0 : i32
        %dma_wait3A_458 = arith.constant 0 : i32
        %dma_wait3A_459 = tpu.memref_slice %arg15[%dma_wait3A_457, %dma_wait3A_458] : memref<10240x128xf32, #tpu.memory_space<vmem_shared>> -> memref<10240x128xf32, #tpu.memory_space<vmem_shared>>
        tpu.wait_indirect_dma semaphore(%run_scoped3A_447 : memref<!tpu.dma_semaphore, #tpu.memory_space<semaphore_mem>>) src(%arg11 : memref<128x128xf32, #tpu.memory_space<vmem>>) dst(%dma_wait3A_459 : memref<10240x128xf32, #tpu.memory_space<vmem_shared>>)
        tpu.yield
      }) : () -> ()
      %run_scoped3A_190 = arith.constant 2 : i32
      "tpu.region"() ({
        %run_scoped3A_447 = tpu.sem_alloc : memref<!tpu.dma_semaphore, #tpu.memory_space<semaphore_mem>>
        %dma_start3A_448 = arith.constant 0 : i32
        %dma_start3A_449 = tpu.memref_slice %arg9[%run_scoped3A_190, %dma_start3A_448] : memref<8x128xi32, #tpu.memory_space<vmem>> -> memref<1x128xi32, #tpu.memory_space<vmem>>
        %dma_start3A_450 = tpu.memref_squeeze %dma_start3A_449 : memref<1x128xi32, #tpu.memory_space<vmem>> -> memref<128xi32, #tpu.memory_space<vmem>>
        %dma_start3A_451 = arith.constant 0 : i32
        %dma_start3A_452 = tpu.memref_slice %arg16[%dma_start3A_451] : memref<10240xf32, #tpu.memory_space<vmem_shared>> -> memref<10240xf32, #tpu.memory_space<vmem_shared>>
        tpu.enqueue_indirect_dma source(%arg13 : memref<128xf32, #tpu.memory_space<vmem>>) target(%dma_start3A_452 : memref<10240xf32, #tpu.memory_space<vmem_shared>>) offsets(%dma_start3A_450 : memref<128xi32, #tpu.memory_space<vmem>>) semaphore(%run_scoped3A_447 : memref<!tpu.dma_semaphore, #tpu.memory_space<semaphore_mem>>) {add = true}
        %dma_wait3A_453 = arith.constant 0 : i32
        %dma_wait3A_454 = tpu.memref_slice %arg9[%run_scoped3A_190, %dma_wait3A_453] : memref<8x128xi32, #tpu.memory_space<vmem>> -> memref<1x128xi32, #tpu.memory_space<vmem>>
        %dma_wait3A_455 = tpu.memref_squeeze %dma_wait3A_454 : memref<1x128xi32, #tpu.memory_space<vmem>> -> memref<128xi32, #tpu.memory_space<vmem>>
        %dma_wait3A_456 = arith.constant 0 : i32
        %dma_wait3A_457 = tpu.memref_slice %arg16[%dma_wait3A_456] : memref<10240xf32, #tpu.memory_space<vmem_shared>> -> memref<10240xf32, #tpu.memory_space<vmem_shared>>
        tpu.wait_indirect_dma semaphore(%run_scoped3A_447 : memref<!tpu.dma_semaphore, #tpu.memory_space<semaphore_mem>>) src(%arg13 : memref<128xf32, #tpu.memory_space<vmem>>) dst(%dma_wait3A_457 : memref<10240xf32, #tpu.memory_space<vmem_shared>>)
        tpu.yield
      }) : () -> ()
      %dma_wait3A_191 = arith.constant 3 : i32
      %dma_wait3A_192 = arith.constant 0 : i32
      %dma_wait3A_193 = tpu.memref_slice %arg7[%dma_wait3A_191, %dma_wait3A_192] : memref<8x128xi32, #tpu.memory_space<vmem>> -> memref<1x128xi32, #tpu.memory_space<vmem>>
      %dma_wait3A_194 = tpu.memref_squeeze %dma_wait3A_193 : memref<1x128xi32, #tpu.memory_space<vmem>> -> memref<128xi32, #tpu.memory_space<vmem>>
      %dma_wait3A_195 = arith.constant 0 : i32
      %dma_wait3A_196 = arith.constant 0 : i32
      %dma_wait3A_197 = tpu.memref_slice %arg2[%dma_wait3A_195, %dma_wait3A_196] : memref<10000x128xf32, #tpu.memory_space<hbm>> -> memref<10000x128xf32, #tpu.memory_space<hbm>>
      tpu.wait_indirect_dma semaphore(%arg18 : memref<!tpu.dma_semaphore, #tpu.memory_space<semaphore_mem>>) src(%dma_wait3A_197 : memref<10000x128xf32, #tpu.memory_space<hbm>>) dst(%arg12 : memref<128x128xf32, #tpu.memory_space<vmem>>)
      %dma_start3A_198 = arith.constant 4 : i32
      %dma_start3A_199 = arith.constant 0 : i32
      %dma_start3A_200 = tpu.memref_slice %arg7[%dma_start3A_198, %dma_start3A_199] : memref<8x128xi32, #tpu.memory_space<vmem>> -> memref<1x128xi32, #tpu.memory_space<vmem>>
      %dma_start3A_201 = tpu.memref_squeeze %dma_start3A_200 : memref<1x128xi32, #tpu.memory_space<vmem>> -> memref<128xi32, #tpu.memory_space<vmem>>
      %dma_start3A_202 = arith.constant 0 : i32
      %dma_start3A_203 = arith.constant 0 : i32
      %dma_start3A_204 = tpu.memref_slice %arg2[%dma_start3A_202, %dma_start3A_203] : memref<10000x128xf32, #tpu.memory_space<hbm>> -> memref<10000x128xf32, #tpu.memory_space<hbm>>
      tpu.enqueue_indirect_dma source(%dma_start3A_204 : memref<10000x128xf32, #tpu.memory_space<hbm>>) target(%arg11 : memref<128x128xf32, #tpu.memory_space<vmem>>) offsets(%dma_start3A_201 : memref<128xi32, #tpu.memory_space<vmem>>) semaphore(%arg17 : memref<!tpu.dma_semaphore, #tpu.memory_space<semaphore_mem>>)
      %run_scoped3A_205 = arith.constant 3 : i32
      "tpu.region"() ({
        %run_scoped3A_447 = tpu.sem_alloc : memref<!tpu.dma_semaphore, #tpu.memory_space<semaphore_mem>>
        %dma_start3A_448 = arith.constant 0 : i32
        %dma_start3A_449 = tpu.memref_slice %arg9[%run_scoped3A_205, %dma_start3A_448] : memref<8x128xi32, #tpu.memory_space<vmem>> -> memref<1x128xi32, #tpu.memory_space<vmem>>
        %dma_start3A_450 = tpu.memref_squeeze %dma_start3A_449 : memref<1x128xi32, #tpu.memory_space<vmem>> -> memref<128xi32, #tpu.memory_space<vmem>>
        %dma_start3A_451 = arith.constant 0 : i32
        %dma_start3A_452 = arith.constant 0 : i32
        %dma_start3A_453 = tpu.memref_slice %arg15[%dma_start3A_451, %dma_start3A_452] : memref<10240x128xf32, #tpu.memory_space<vmem_shared>> -> memref<10240x128xf32, #tpu.memory_space<vmem_shared>>
        tpu.enqueue_indirect_dma source(%arg12 : memref<128x128xf32, #tpu.memory_space<vmem>>) target(%dma_start3A_453 : memref<10240x128xf32, #tpu.memory_space<vmem_shared>>) offsets(%dma_start3A_450 : memref<128xi32, #tpu.memory_space<vmem>>) semaphore(%run_scoped3A_447 : memref<!tpu.dma_semaphore, #tpu.memory_space<semaphore_mem>>) {add = true}
        %dma_wait3A_454 = arith.constant 0 : i32
        %dma_wait3A_455 = tpu.memref_slice %arg9[%run_scoped3A_205, %dma_wait3A_454] : memref<8x128xi32, #tpu.memory_space<vmem>> -> memref<1x128xi32, #tpu.memory_space<vmem>>
        %dma_wait3A_456 = tpu.memref_squeeze %dma_wait3A_455 : memref<1x128xi32, #tpu.memory_space<vmem>> -> memref<128xi32, #tpu.memory_space<vmem>>
        %dma_wait3A_457 = arith.constant 0 : i32
        %dma_wait3A_458 = arith.constant 0 : i32
        %dma_wait3A_459 = tpu.memref_slice %arg15[%dma_wait3A_457, %dma_wait3A_458] : memref<10240x128xf32, #tpu.memory_space<vmem_shared>> -> memref<10240x128xf32, #tpu.memory_space<vmem_shared>>
        tpu.wait_indirect_dma semaphore(%run_scoped3A_447 : memref<!tpu.dma_semaphore, #tpu.memory_space<semaphore_mem>>) src(%arg12 : memref<128x128xf32, #tpu.memory_space<vmem>>) dst(%dma_wait3A_459 : memref<10240x128xf32, #tpu.memory_space<vmem_shared>>)
        tpu.yield
      }) : () -> ()
      %run_scoped3A_206 = arith.constant 3 : i32
      "tpu.region"() ({
        %run_scoped3A_447 = tpu.sem_alloc : memref<!tpu.dma_semaphore, #tpu.memory_space<semaphore_mem>>
        %dma_start3A_448 = arith.constant 0 : i32
        %dma_start3A_449 = tpu.memref_slice %arg9[%run_scoped3A_206, %dma_start3A_448] : memref<8x128xi32, #tpu.memory_space<vmem>> -> memref<1x128xi32, #tpu.memory_space<vmem>>
        %dma_start3A_450 = tpu.memref_squeeze %dma_start3A_449 : memref<1x128xi32, #tpu.memory_space<vmem>> -> memref<128xi32, #tpu.memory_space<vmem>>
        %dma_start3A_451 = arith.constant 0 : i32
        %dma_start3A_452 = tpu.memref_slice %arg16[%dma_start3A_451] : memref<10240xf32, #tpu.memory_space<vmem_shared>> -> memref<10240xf32, #tpu.memory_space<vmem_shared>>
        tpu.enqueue_indirect_dma source(%arg13 : memref<128xf32, #tpu.memory_space<vmem>>) target(%dma_start3A_452 : memref<10240xf32, #tpu.memory_space<vmem_shared>>) offsets(%dma_start3A_450 : memref<128xi32, #tpu.memory_space<vmem>>) semaphore(%run_scoped3A_447 : memref<!tpu.dma_semaphore, #tpu.memory_space<semaphore_mem>>) {add = true}
        %dma_wait3A_453 = arith.constant 0 : i32
        %dma_wait3A_454 = tpu.memref_slice %arg9[%run_scoped3A_206, %dma_wait3A_453] : memref<8x128xi32, #tpu.memory_space<vmem>> -> memref<1x128xi32, #tpu.memory_space<vmem>>
        %dma_wait3A_455 = tpu.memref_squeeze %dma_wait3A_454 : memref<1x128xi32, #tpu.memory_space<vmem>> -> memref<128xi32, #tpu.memory_space<vmem>>
        %dma_wait3A_456 = arith.constant 0 : i32
        %dma_wait3A_457 = tpu.memref_slice %arg16[%dma_wait3A_456] : memref<10240xf32, #tpu.memory_space<vmem_shared>> -> memref<10240xf32, #tpu.memory_space<vmem_shared>>
        tpu.wait_indirect_dma semaphore(%run_scoped3A_447 : memref<!tpu.dma_semaphore, #tpu.memory_space<semaphore_mem>>) src(%arg13 : memref<128xf32, #tpu.memory_space<vmem>>) dst(%dma_wait3A_457 : memref<10240xf32, #tpu.memory_space<vmem_shared>>)
        tpu.yield
      }) : () -> ()
      %dma_wait3A_207 = arith.constant 4 : i32
      %dma_wait3A_208 = arith.constant 0 : i32
      %dma_wait3A_209 = tpu.memref_slice %arg7[%dma_wait3A_207, %dma_wait3A_208] : memref<8x128xi32, #tpu.memory_space<vmem>> -> memref<1x128xi32, #tpu.memory_space<vmem>>
      %dma_wait3A_210 = tpu.memref_squeeze %dma_wait3A_209 : memref<1x128xi32, #tpu.memory_space<vmem>> -> memref<128xi32, #tpu.memory_space<vmem>>
      %dma_wait3A_211 = arith.constant 0 : i32
      %dma_wait3A_212 = arith.constant 0 : i32
      %dma_wait3A_213 = tpu.memref_slice %arg2[%dma_wait3A_211, %dma_wait3A_212] : memref<10000x128xf32, #tpu.memory_space<hbm>> -> memref<10000x128xf32, #tpu.memory_space<hbm>>
      tpu.wait_indirect_dma semaphore(%arg17 : memref<!tpu.dma_semaphore, #tpu.memory_space<semaphore_mem>>) src(%dma_wait3A_213 : memref<10000x128xf32, #tpu.memory_space<hbm>>) dst(%arg11 : memref<128x128xf32, #tpu.memory_space<vmem>>)
      %dma_start3A_214 = arith.constant 5 : i32
      %dma_start3A_215 = arith.constant 0 : i32
      %dma_start3A_216 = tpu.memref_slice %arg7[%dma_start3A_214, %dma_start3A_215] : memref<8x128xi32, #tpu.memory_space<vmem>> -> memref<1x128xi32, #tpu.memory_space<vmem>>
      %dma_start3A_217 = tpu.memref_squeeze %dma_start3A_216 : memref<1x128xi32, #tpu.memory_space<vmem>> -> memref<128xi32, #tpu.memory_space<vmem>>
      %dma_start3A_218 = arith.constant 0 : i32
      %dma_start3A_219 = arith.constant 0 : i32
      %dma_start3A_220 = tpu.memref_slice %arg2[%dma_start3A_218, %dma_start3A_219] : memref<10000x128xf32, #tpu.memory_space<hbm>> -> memref<10000x128xf32, #tpu.memory_space<hbm>>
      tpu.enqueue_indirect_dma source(%dma_start3A_220 : memref<10000x128xf32, #tpu.memory_space<hbm>>) target(%arg12 : memref<128x128xf32, #tpu.memory_space<vmem>>) offsets(%dma_start3A_217 : memref<128xi32, #tpu.memory_space<vmem>>) semaphore(%arg18 : memref<!tpu.dma_semaphore, #tpu.memory_space<semaphore_mem>>)
      %run_scoped3A_221 = arith.constant 4 : i32
      "tpu.region"() ({
        %run_scoped3A_447 = tpu.sem_alloc : memref<!tpu.dma_semaphore, #tpu.memory_space<semaphore_mem>>
        %dma_start3A_448 = arith.constant 0 : i32
        %dma_start3A_449 = tpu.memref_slice %arg9[%run_scoped3A_221, %dma_start3A_448] : memref<8x128xi32, #tpu.memory_space<vmem>> -> memref<1x128xi32, #tpu.memory_space<vmem>>
        %dma_start3A_450 = tpu.memref_squeeze %dma_start3A_449 : memref<1x128xi32, #tpu.memory_space<vmem>> -> memref<128xi32, #tpu.memory_space<vmem>>
        %dma_start3A_451 = arith.constant 0 : i32
        %dma_start3A_452 = arith.constant 0 : i32
        %dma_start3A_453 = tpu.memref_slice %arg15[%dma_start3A_451, %dma_start3A_452] : memref<10240x128xf32, #tpu.memory_space<vmem_shared>> -> memref<10240x128xf32, #tpu.memory_space<vmem_shared>>
        tpu.enqueue_indirect_dma source(%arg11 : memref<128x128xf32, #tpu.memory_space<vmem>>) target(%dma_start3A_453 : memref<10240x128xf32, #tpu.memory_space<vmem_shared>>) offsets(%dma_start3A_450 : memref<128xi32, #tpu.memory_space<vmem>>) semaphore(%run_scoped3A_447 : memref<!tpu.dma_semaphore, #tpu.memory_space<semaphore_mem>>) {add = true}
        %dma_wait3A_454 = arith.constant 0 : i32
        %dma_wait3A_455 = tpu.memref_slice %arg9[%run_scoped3A_221, %dma_wait3A_454] : memref<8x128xi32, #tpu.memory_space<vmem>> -> memref<1x128xi32, #tpu.memory_space<vmem>>
        %dma_wait3A_456 = tpu.memref_squeeze %dma_wait3A_455 : memref<1x128xi32, #tpu.memory_space<vmem>> -> memref<128xi32, #tpu.memory_space<vmem>>
        %dma_wait3A_457 = arith.constant 0 : i32
        %dma_wait3A_458 = arith.constant 0 : i32
        %dma_wait3A_459 = tpu.memref_slice %arg15[%dma_wait3A_457, %dma_wait3A_458] : memref<10240x128xf32, #tpu.memory_space<vmem_shared>> -> memref<10240x128xf32, #tpu.memory_space<vmem_shared>>
        tpu.wait_indirect_dma semaphore(%run_scoped3A_447 : memref<!tpu.dma_semaphore, #tpu.memory_space<semaphore_mem>>) src(%arg11 : memref<128x128xf32, #tpu.memory_space<vmem>>) dst(%dma_wait3A_459 : memref<10240x128xf32, #tpu.memory_space<vmem_shared>>)
        tpu.yield
      }) : () -> ()
      %run_scoped3A_222 = arith.constant 4 : i32
      "tpu.region"() ({
        %run_scoped3A_447 = tpu.sem_alloc : memref<!tpu.dma_semaphore, #tpu.memory_space<semaphore_mem>>
        %dma_start3A_448 = arith.constant 0 : i32
        %dma_start3A_449 = tpu.memref_slice %arg9[%run_scoped3A_222, %dma_start3A_448] : memref<8x128xi32, #tpu.memory_space<vmem>> -> memref<1x128xi32, #tpu.memory_space<vmem>>
        %dma_start3A_450 = tpu.memref_squeeze %dma_start3A_449 : memref<1x128xi32, #tpu.memory_space<vmem>> -> memref<128xi32, #tpu.memory_space<vmem>>
        %dma_start3A_451 = arith.constant 0 : i32
        %dma_start3A_452 = tpu.memref_slice %arg16[%dma_start3A_451] : memref<10240xf32, #tpu.memory_space<vmem_shared>> -> memref<10240xf32, #tpu.memory_space<vmem_shared>>
        tpu.enqueue_indirect_dma source(%arg13 : memref<128xf32, #tpu.memory_space<vmem>>) target(%dma_start3A_452 : memref<10240xf32, #tpu.memory_space<vmem_shared>>) offsets(%dma_start3A_450 : memref<128xi32, #tpu.memory_space<vmem>>) semaphore(%run_scoped3A_447 : memref<!tpu.dma_semaphore, #tpu.memory_space<semaphore_mem>>) {add = true}
        %dma_wait3A_453 = arith.constant 0 : i32
        %dma_wait3A_454 = tpu.memref_slice %arg9[%run_scoped3A_222, %dma_wait3A_453] : memref<8x128xi32, #tpu.memory_space<vmem>> -> memref<1x128xi32, #tpu.memory_space<vmem>>
        %dma_wait3A_455 = tpu.memref_squeeze %dma_wait3A_454 : memref<1x128xi32, #tpu.memory_space<vmem>> -> memref<128xi32, #tpu.memory_space<vmem>>
        %dma_wait3A_456 = arith.constant 0 : i32
        %dma_wait3A_457 = tpu.memref_slice %arg16[%dma_wait3A_456] : memref<10240xf32, #tpu.memory_space<vmem_shared>> -> memref<10240xf32, #tpu.memory_space<vmem_shared>>
        tpu.wait_indirect_dma semaphore(%run_scoped3A_447 : memref<!tpu.dma_semaphore, #tpu.memory_space<semaphore_mem>>) src(%arg13 : memref<128xf32, #tpu.memory_space<vmem>>) dst(%dma_wait3A_457 : memref<10240xf32, #tpu.memory_space<vmem_shared>>)
        tpu.yield
      }) : () -> ()
      %dma_wait3A_223 = arith.constant 5 : i32
      %dma_wait3A_224 = arith.constant 0 : i32
      %dma_wait3A_225 = tpu.memref_slice %arg7[%dma_wait3A_223, %dma_wait3A_224] : memref<8x128xi32, #tpu.memory_space<vmem>> -> memref<1x128xi32, #tpu.memory_space<vmem>>
      %dma_wait3A_226 = tpu.memref_squeeze %dma_wait3A_225 : memref<1x128xi32, #tpu.memory_space<vmem>> -> memref<128xi32, #tpu.memory_space<vmem>>
      %dma_wait3A_227 = arith.constant 0 : i32
      %dma_wait3A_228 = arith.constant 0 : i32
      %dma_wait3A_229 = tpu.memref_slice %arg2[%dma_wait3A_227, %dma_wait3A_228] : memref<10000x128xf32, #tpu.memory_space<hbm>> -> memref<10000x128xf32, #tpu.memory_space<hbm>>
      tpu.wait_indirect_dma semaphore(%arg18 : memref<!tpu.dma_semaphore, #tpu.memory_space<semaphore_mem>>) src(%dma_wait3A_229 : memref<10000x128xf32, #tpu.memory_space<hbm>>) dst(%arg12 : memref<128x128xf32, #tpu.memory_space<vmem>>)
      %dma_start3A_230 = arith.constant 6 : i32
      %dma_start3A_231 = arith.constant 0 : i32
      %dma_start3A_232 = tpu.memref_slice %arg7[%dma_start3A_230, %dma_start3A_231] : memref<8x128xi32, #tpu.memory_space<vmem>> -> memref<1x128xi32, #tpu.memory_space<vmem>>
      %dma_start3A_233 = tpu.memref_squeeze %dma_start3A_232 : memref<1x128xi32, #tpu.memory_space<vmem>> -> memref<128xi32, #tpu.memory_space<vmem>>
      %dma_start3A_234 = arith.constant 0 : i32
      %dma_start3A_235 = arith.constant 0 : i32
      %dma_start3A_236 = tpu.memref_slice %arg2[%dma_start3A_234, %dma_start3A_235] : memref<10000x128xf32, #tpu.memory_space<hbm>> -> memref<10000x128xf32, #tpu.memory_space<hbm>>
      tpu.enqueue_indirect_dma source(%dma_start3A_236 : memref<10000x128xf32, #tpu.memory_space<hbm>>) target(%arg11 : memref<128x128xf32, #tpu.memory_space<vmem>>) offsets(%dma_start3A_233 : memref<128xi32, #tpu.memory_space<vmem>>) semaphore(%arg17 : memref<!tpu.dma_semaphore, #tpu.memory_space<semaphore_mem>>)
      %run_scoped3A_237 = arith.constant 5 : i32
      "tpu.region"() ({
        %run_scoped3A_447 = tpu.sem_alloc : memref<!tpu.dma_semaphore, #tpu.memory_space<semaphore_mem>>
        %dma_start3A_448 = arith.constant 0 : i32
        %dma_start3A_449 = tpu.memref_slice %arg9[%run_scoped3A_237, %dma_start3A_448] : memref<8x128xi32, #tpu.memory_space<vmem>> -> memref<1x128xi32, #tpu.memory_space<vmem>>
        %dma_start3A_450 = tpu.memref_squeeze %dma_start3A_449 : memref<1x128xi32, #tpu.memory_space<vmem>> -> memref<128xi32, #tpu.memory_space<vmem>>
        %dma_start3A_451 = arith.constant 0 : i32
        %dma_start3A_452 = arith.constant 0 : i32
        %dma_start3A_453 = tpu.memref_slice %arg15[%dma_start3A_451, %dma_start3A_452] : memref<10240x128xf32, #tpu.memory_space<vmem_shared>> -> memref<10240x128xf32, #tpu.memory_space<vmem_shared>>
        tpu.enqueue_indirect_dma source(%arg12 : memref<128x128xf32, #tpu.memory_space<vmem>>) target(%dma_start3A_453 : memref<10240x128xf32, #tpu.memory_space<vmem_shared>>) offsets(%dma_start3A_450 : memref<128xi32, #tpu.memory_space<vmem>>) semaphore(%run_scoped3A_447 : memref<!tpu.dma_semaphore, #tpu.memory_space<semaphore_mem>>) {add = true}
        %dma_wait3A_454 = arith.constant 0 : i32
        %dma_wait3A_455 = tpu.memref_slice %arg9[%run_scoped3A_237, %dma_wait3A_454] : memref<8x128xi32, #tpu.memory_space<vmem>> -> memref<1x128xi32, #tpu.memory_space<vmem>>
        %dma_wait3A_456 = tpu.memref_squeeze %dma_wait3A_455 : memref<1x128xi32, #tpu.memory_space<vmem>> -> memref<128xi32, #tpu.memory_space<vmem>>
        %dma_wait3A_457 = arith.constant 0 : i32
        %dma_wait3A_458 = arith.constant 0 : i32
        %dma_wait3A_459 = tpu.memref_slice %arg15[%dma_wait3A_457, %dma_wait3A_458] : memref<10240x128xf32, #tpu.memory_space<vmem_shared>> -> memref<10240x128xf32, #tpu.memory_space<vmem_shared>>
        tpu.wait_indirect_dma semaphore(%run_scoped3A_447 : memref<!tpu.dma_semaphore, #tpu.memory_space<semaphore_mem>>) src(%arg12 : memref<128x128xf32, #tpu.memory_space<vmem>>) dst(%dma_wait3A_459 : memref<10240x128xf32, #tpu.memory_space<vmem_shared>>)
        tpu.yield
      }) : () -> ()
      %run_scoped3A_238 = arith.constant 5 : i32
      "tpu.region"() ({
        %run_scoped3A_447 = tpu.sem_alloc : memref<!tpu.dma_semaphore, #tpu.memory_space<semaphore_mem>>
        %dma_start3A_448 = arith.constant 0 : i32
        %dma_start3A_449 = tpu.memref_slice %arg9[%run_scoped3A_238, %dma_start3A_448] : memref<8x128xi32, #tpu.memory_space<vmem>> -> memref<1x128xi32, #tpu.memory_space<vmem>>
        %dma_start3A_450 = tpu.memref_squeeze %dma_start3A_449 : memref<1x128xi32, #tpu.memory_space<vmem>> -> memref<128xi32, #tpu.memory_space<vmem>>
        %dma_start3A_451 = arith.constant 0 : i32
        %dma_start3A_452 = tpu.memref_slice %arg16[%dma_start3A_451] : memref<10240xf32, #tpu.memory_space<vmem_shared>> -> memref<10240xf32, #tpu.memory_space<vmem_shared>>
        tpu.enqueue_indirect_dma source(%arg13 : memref<128xf32, #tpu.memory_space<vmem>>) target(%dma_start3A_452 : memref<10240xf32, #tpu.memory_space<vmem_shared>>) offsets(%dma_start3A_450 : memref<128xi32, #tpu.memory_space<vmem>>) semaphore(%run_scoped3A_447 : memref<!tpu.dma_semaphore, #tpu.memory_space<semaphore_mem>>) {add = true}
        %dma_wait3A_453 = arith.constant 0 : i32
        %dma_wait3A_454 = tpu.memref_slice %arg9[%run_scoped3A_238, %dma_wait3A_453] : memref<8x128xi32, #tpu.memory_space<vmem>> -> memref<1x128xi32, #tpu.memory_space<vmem>>
        %dma_wait3A_455 = tpu.memref_squeeze %dma_wait3A_454 : memref<1x128xi32, #tpu.memory_space<vmem>> -> memref<128xi32, #tpu.memory_space<vmem>>
        %dma_wait3A_456 = arith.constant 0 : i32
        %dma_wait3A_457 = tpu.memref_slice %arg16[%dma_wait3A_456] : memref<10240xf32, #tpu.memory_space<vmem_shared>> -> memref<10240xf32, #tpu.memory_space<vmem_shared>>
        tpu.wait_indirect_dma semaphore(%run_scoped3A_447 : memref<!tpu.dma_semaphore, #tpu.memory_space<semaphore_mem>>) src(%arg13 : memref<128xf32, #tpu.memory_space<vmem>>) dst(%dma_wait3A_457 : memref<10240xf32, #tpu.memory_space<vmem_shared>>)
        tpu.yield
      }) : () -> ()
      %dma_wait3A_239 = arith.constant 6 : i32
      %dma_wait3A_240 = arith.constant 0 : i32
      %dma_wait3A_241 = tpu.memref_slice %arg7[%dma_wait3A_239, %dma_wait3A_240] : memref<8x128xi32, #tpu.memory_space<vmem>> -> memref<1x128xi32, #tpu.memory_space<vmem>>
      %dma_wait3A_242 = tpu.memref_squeeze %dma_wait3A_241 : memref<1x128xi32, #tpu.memory_space<vmem>> -> memref<128xi32, #tpu.memory_space<vmem>>
      %dma_wait3A_243 = arith.constant 0 : i32
      %dma_wait3A_244 = arith.constant 0 : i32
      %dma_wait3A_245 = tpu.memref_slice %arg2[%dma_wait3A_243, %dma_wait3A_244] : memref<10000x128xf32, #tpu.memory_space<hbm>> -> memref<10000x128xf32, #tpu.memory_space<hbm>>
      tpu.wait_indirect_dma semaphore(%arg17 : memref<!tpu.dma_semaphore, #tpu.memory_space<semaphore_mem>>) src(%dma_wait3A_245 : memref<10000x128xf32, #tpu.memory_space<hbm>>) dst(%arg11 : memref<128x128xf32, #tpu.memory_space<vmem>>)
      %dma_start3A_246 = arith.constant 7 : i32
      %dma_start3A_247 = arith.constant 0 : i32
      %dma_start3A_248 = tpu.memref_slice %arg7[%dma_start3A_246, %dma_start3A_247] : memref<8x128xi32, #tpu.memory_space<vmem>> -> memref<1x128xi32, #tpu.memory_space<vmem>>
      %dma_start3A_249 = tpu.memref_squeeze %dma_start3A_248 : memref<1x128xi32, #tpu.memory_space<vmem>> -> memref<128xi32, #tpu.memory_space<vmem>>
      %dma_start3A_250 = arith.constant 0 : i32
      %dma_start3A_251 = arith.constant 0 : i32
      %dma_start3A_252 = tpu.memref_slice %arg2[%dma_start3A_250, %dma_start3A_251] : memref<10000x128xf32, #tpu.memory_space<hbm>> -> memref<10000x128xf32, #tpu.memory_space<hbm>>
      tpu.enqueue_indirect_dma source(%dma_start3A_252 : memref<10000x128xf32, #tpu.memory_space<hbm>>) target(%arg12 : memref<128x128xf32, #tpu.memory_space<vmem>>) offsets(%dma_start3A_249 : memref<128xi32, #tpu.memory_space<vmem>>) semaphore(%arg18 : memref<!tpu.dma_semaphore, #tpu.memory_space<semaphore_mem>>)
      %run_scoped3A_253 = arith.constant 6 : i32
      "tpu.region"() ({
        %run_scoped3A_447 = tpu.sem_alloc : memref<!tpu.dma_semaphore, #tpu.memory_space<semaphore_mem>>
        %dma_start3A_448 = arith.constant 0 : i32
        %dma_start3A_449 = tpu.memref_slice %arg9[%run_scoped3A_253, %dma_start3A_448] : memref<8x128xi32, #tpu.memory_space<vmem>> -> memref<1x128xi32, #tpu.memory_space<vmem>>
        %dma_start3A_450 = tpu.memref_squeeze %dma_start3A_449 : memref<1x128xi32, #tpu.memory_space<vmem>> -> memref<128xi32, #tpu.memory_space<vmem>>
        %dma_start3A_451 = arith.constant 0 : i32
        %dma_start3A_452 = arith.constant 0 : i32
        %dma_start3A_453 = tpu.memref_slice %arg15[%dma_start3A_451, %dma_start3A_452] : memref<10240x128xf32, #tpu.memory_space<vmem_shared>> -> memref<10240x128xf32, #tpu.memory_space<vmem_shared>>
        tpu.enqueue_indirect_dma source(%arg11 : memref<128x128xf32, #tpu.memory_space<vmem>>) target(%dma_start3A_453 : memref<10240x128xf32, #tpu.memory_space<vmem_shared>>) offsets(%dma_start3A_450 : memref<128xi32, #tpu.memory_space<vmem>>) semaphore(%run_scoped3A_447 : memref<!tpu.dma_semaphore, #tpu.memory_space<semaphore_mem>>) {add = true}
        %dma_wait3A_454 = arith.constant 0 : i32
        %dma_wait3A_455 = tpu.memref_slice %arg9[%run_scoped3A_253, %dma_wait3A_454] : memref<8x128xi32, #tpu.memory_space<vmem>> -> memref<1x128xi32, #tpu.memory_space<vmem>>
        %dma_wait3A_456 = tpu.memref_squeeze %dma_wait3A_455 : memref<1x128xi32, #tpu.memory_space<vmem>> -> memref<128xi32, #tpu.memory_space<vmem>>
        %dma_wait3A_457 = arith.constant 0 : i32
        %dma_wait3A_458 = arith.constant 0 : i32
        %dma_wait3A_459 = tpu.memref_slice %arg15[%dma_wait3A_457, %dma_wait3A_458] : memref<10240x128xf32, #tpu.memory_space<vmem_shared>> -> memref<10240x128xf32, #tpu.memory_space<vmem_shared>>
        tpu.wait_indirect_dma semaphore(%run_scoped3A_447 : memref<!tpu.dma_semaphore, #tpu.memory_space<semaphore_mem>>) src(%arg11 : memref<128x128xf32, #tpu.memory_space<vmem>>) dst(%dma_wait3A_459 : memref<10240x128xf32, #tpu.memory_space<vmem_shared>>)
        tpu.yield
      }) : () -> ()
      %run_scoped3A_254 = arith.constant 6 : i32
      "tpu.region"() ({
        %run_scoped3A_447 = tpu.sem_alloc : memref<!tpu.dma_semaphore, #tpu.memory_space<semaphore_mem>>
        %dma_start3A_448 = arith.constant 0 : i32
        %dma_start3A_449 = tpu.memref_slice %arg9[%run_scoped3A_254, %dma_start3A_448] : memref<8x128xi32, #tpu.memory_space<vmem>> -> memref<1x128xi32, #tpu.memory_space<vmem>>
        %dma_start3A_450 = tpu.memref_squeeze %dma_start3A_449 : memref<1x128xi32, #tpu.memory_space<vmem>> -> memref<128xi32, #tpu.memory_space<vmem>>
        %dma_start3A_451 = arith.constant 0 : i32
        %dma_start3A_452 = tpu.memref_slice %arg16[%dma_start3A_451] : memref<10240xf32, #tpu.memory_space<vmem_shared>> -> memref<10240xf32, #tpu.memory_space<vmem_shared>>
        tpu.enqueue_indirect_dma source(%arg13 : memref<128xf32, #tpu.memory_space<vmem>>) target(%dma_start3A_452 : memref<10240xf32, #tpu.memory_space<vmem_shared>>) offsets(%dma_start3A_450 : memref<128xi32, #tpu.memory_space<vmem>>) semaphore(%run_scoped3A_447 : memref<!tpu.dma_semaphore, #tpu.memory_space<semaphore_mem>>) {add = true}
        %dma_wait3A_453 = arith.constant 0 : i32
        %dma_wait3A_454 = tpu.memref_slice %arg9[%run_scoped3A_254, %dma_wait3A_453] : memref<8x128xi32, #tpu.memory_space<vmem>> -> memref<1x128xi32, #tpu.memory_space<vmem>>
        %dma_wait3A_455 = tpu.memref_squeeze %dma_wait3A_454 : memref<1x128xi32, #tpu.memory_space<vmem>> -> memref<128xi32, #tpu.memory_space<vmem>>
        %dma_wait3A_456 = arith.constant 0 : i32
        %dma_wait3A_457 = tpu.memref_slice %arg16[%dma_wait3A_456] : memref<10240xf32, #tpu.memory_space<vmem_shared>> -> memref<10240xf32, #tpu.memory_space<vmem_shared>>
        tpu.wait_indirect_dma semaphore(%run_scoped3A_447 : memref<!tpu.dma_semaphore, #tpu.memory_space<semaphore_mem>>) src(%arg13 : memref<128xf32, #tpu.memory_space<vmem>>) dst(%dma_wait3A_457 : memref<10240xf32, #tpu.memory_space<vmem_shared>>)
        tpu.yield
      }) : () -> ()
      %dma_wait3A_255 = arith.constant 7 : i32
      %dma_wait3A_256 = arith.constant 0 : i32
      %dma_wait3A_257 = tpu.memref_slice %arg7[%dma_wait3A_255, %dma_wait3A_256] : memref<8x128xi32, #tpu.memory_space<vmem>> -> memref<1x128xi32, #tpu.memory_space<vmem>>
      %dma_wait3A_258 = tpu.memref_squeeze %dma_wait3A_257 : memref<1x128xi32, #tpu.memory_space<vmem>> -> memref<128xi32, #tpu.memory_space<vmem>>
      %dma_wait3A_259 = arith.constant 0 : i32
      %dma_wait3A_260 = arith.constant 0 : i32
      %dma_wait3A_261 = tpu.memref_slice %arg2[%dma_wait3A_259, %dma_wait3A_260] : memref<10000x128xf32, #tpu.memory_space<hbm>> -> memref<10000x128xf32, #tpu.memory_space<hbm>>
      tpu.wait_indirect_dma semaphore(%arg18 : memref<!tpu.dma_semaphore, #tpu.memory_space<semaphore_mem>>) src(%dma_wait3A_261 : memref<10000x128xf32, #tpu.memory_space<hbm>>) dst(%arg12 : memref<128x128xf32, #tpu.memory_space<vmem>>)
      %run_scoped3A_262 = arith.constant 7 : i32
      "tpu.region"() ({
        %run_scoped3A_447 = tpu.sem_alloc : memref<!tpu.dma_semaphore, #tpu.memory_space<semaphore_mem>>
        %dma_start3A_448 = arith.constant 0 : i32
        %dma_start3A_449 = tpu.memref_slice %arg9[%run_scoped3A_262, %dma_start3A_448] : memref<8x128xi32, #tpu.memory_space<vmem>> -> memref<1x128xi32, #tpu.memory_space<vmem>>
        %dma_start3A_450 = tpu.memref_squeeze %dma_start3A_449 : memref<1x128xi32, #tpu.memory_space<vmem>> -> memref<128xi32, #tpu.memory_space<vmem>>
        %dma_start3A_451 = arith.constant 0 : i32
        %dma_start3A_452 = arith.constant 0 : i32
        %dma_start3A_453 = tpu.memref_slice %arg15[%dma_start3A_451, %dma_start3A_452] : memref<10240x128xf32, #tpu.memory_space<vmem_shared>> -> memref<10240x128xf32, #tpu.memory_space<vmem_shared>>
        tpu.enqueue_indirect_dma source(%arg12 : memref<128x128xf32, #tpu.memory_space<vmem>>) target(%dma_start3A_453 : memref<10240x128xf32, #tpu.memory_space<vmem_shared>>) offsets(%dma_start3A_450 : memref<128xi32, #tpu.memory_space<vmem>>) semaphore(%run_scoped3A_447 : memref<!tpu.dma_semaphore, #tpu.memory_space<semaphore_mem>>) {add = true}
        %dma_wait3A_454 = arith.constant 0 : i32
        %dma_wait3A_455 = tpu.memref_slice %arg9[%run_scoped3A_262, %dma_wait3A_454] : memref<8x128xi32, #tpu.memory_space<vmem>> -> memref<1x128xi32, #tpu.memory_space<vmem>>
        %dma_wait3A_456 = tpu.memref_squeeze %dma_wait3A_455 : memref<1x128xi32, #tpu.memory_space<vmem>> -> memref<128xi32, #tpu.memory_space<vmem>>
        %dma_wait3A_457 = arith.constant 0 : i32
        %dma_wait3A_458 = arith.constant 0 : i32
        %dma_wait3A_459 = tpu.memref_slice %arg15[%dma_wait3A_457, %dma_wait3A_458] : memref<10240x128xf32, #tpu.memory_space<vmem_shared>> -> memref<10240x128xf32, #tpu.memory_space<vmem_shared>>
        tpu.wait_indirect_dma semaphore(%run_scoped3A_447 : memref<!tpu.dma_semaphore, #tpu.memory_space<semaphore_mem>>) src(%arg12 : memref<128x128xf32, #tpu.memory_space<vmem>>) dst(%dma_wait3A_459 : memref<10240x128xf32, #tpu.memory_space<vmem_shared>>)
        tpu.yield
      }) : () -> ()
      %run_scoped3A_263 = arith.constant 7 : i32
      "tpu.region"() ({
        %run_scoped3A_447 = tpu.sem_alloc : memref<!tpu.dma_semaphore, #tpu.memory_space<semaphore_mem>>
        %dma_start3A_448 = arith.constant 0 : i32
        %dma_start3A_449 = tpu.memref_slice %arg9[%run_scoped3A_263, %dma_start3A_448] : memref<8x128xi32, #tpu.memory_space<vmem>> -> memref<1x128xi32, #tpu.memory_space<vmem>>
        %dma_start3A_450 = tpu.memref_squeeze %dma_start3A_449 : memref<1x128xi32, #tpu.memory_space<vmem>> -> memref<128xi32, #tpu.memory_space<vmem>>
        %dma_start3A_451 = arith.constant 0 : i32
        %dma_start3A_452 = tpu.memref_slice %arg16[%dma_start3A_451] : memref<10240xf32, #tpu.memory_space<vmem_shared>> -> memref<10240xf32, #tpu.memory_space<vmem_shared>>
        tpu.enqueue_indirect_dma source(%arg13 : memref<128xf32, #tpu.memory_space<vmem>>) target(%dma_start3A_452 : memref<10240xf32, #tpu.memory_space<vmem_shared>>) offsets(%dma_start3A_450 : memref<128xi32, #tpu.memory_space<vmem>>) semaphore(%run_scoped3A_447 : memref<!tpu.dma_semaphore, #tpu.memory_space<semaphore_mem>>) {add = true}
        %dma_wait3A_453 = arith.constant 0 : i32
        %dma_wait3A_454 = tpu.memref_slice %arg9[%run_scoped3A_263, %dma_wait3A_453] : memref<8x128xi32, #tpu.memory_space<vmem>> -> memref<1x128xi32, #tpu.memory_space<vmem>>
        %dma_wait3A_455 = tpu.memref_squeeze %dma_wait3A_454 : memref<1x128xi32, #tpu.memory_space<vmem>> -> memref<128xi32, #tpu.memory_space<vmem>>
        %dma_wait3A_456 = arith.constant 0 : i32
        %dma_wait3A_457 = tpu.memref_slice %arg16[%dma_wait3A_456] : memref<10240xf32, #tpu.memory_space<vmem_shared>> -> memref<10240xf32, #tpu.memory_space<vmem_shared>>
        tpu.wait_indirect_dma semaphore(%run_scoped3A_447 : memref<!tpu.dma_semaphore, #tpu.memory_space<semaphore_mem>>) src(%arg13 : memref<128xf32, #tpu.memory_space<vmem>>) dst(%dma_wait3A_457 : memref<10240xf32, #tpu.memory_space<vmem_shared>>)
        tpu.yield
      }) : () -> ()
      %dma_wait3A_264 = arith.constant 0 : i32
      %dma_wait3A_265 = arith.constant 0 : i32
      %dma_wait3A_266 = tpu.memref_slice %arg3[%dma_wait3A_264, %dma_wait3A_265] : memref<2560x128xi32, #tpu.memory_space<hbm>> -> memref<8x128xi32, #tpu.memory_space<hbm>>
      %dma_wait3A_267 = arith.constant 0 : i32
      %dma_wait3A_268 = arith.constant 0 : i32
      %dma_wait3A_269 = tpu.memref_slice %arg3[%dma_wait3A_267, %dma_wait3A_268] : memref<2560x128xi32, #tpu.memory_space<hbm>> -> memref<8x128xi32, #tpu.memory_space<hbm>>
      tpu.wait_dma2 semaphore(%arg19 : memref<!tpu.dma_semaphore, #tpu.memory_space<semaphore_mem>>) src(%dma_wait3A_269 : memref<8x128xi32, #tpu.memory_space<hbm>>) dst(%arg8 : memref<8x128xi32, #tpu.memory_space<vmem>>)
      %dma_wait3A_270 = arith.constant 0 : i32
      %dma_wait3A_271 = arith.constant 0 : i32
      %dma_wait3A_272 = tpu.memref_slice %arg4[%dma_wait3A_270, %dma_wait3A_271] : memref<2560x128xi32, #tpu.memory_space<hbm>> -> memref<8x128xi32, #tpu.memory_space<hbm>>
      %dma_wait3A_273 = arith.constant 0 : i32
      %dma_wait3A_274 = arith.constant 0 : i32
      %dma_wait3A_275 = tpu.memref_slice %arg4[%dma_wait3A_273, %dma_wait3A_274] : memref<2560x128xi32, #tpu.memory_space<hbm>> -> memref<8x128xi32, #tpu.memory_space<hbm>>
      tpu.wait_dma2 semaphore(%arg19 : memref<!tpu.dma_semaphore, #tpu.memory_space<semaphore_mem>>) src(%dma_wait3A_275 : memref<8x128xi32, #tpu.memory_space<hbm>>) dst(%arg10 : memref<8x128xi32, #tpu.memory_space<vmem>>)
      %add3A_276 = arith.constant 2 : i32
      %add3A_277 = arith.addi %mul3A_136, %add3A_276 : i32
      %min3A_278 = arith.constant 9 : i32
      %min3A_279 = arith.minsi %add3A_277, %min3A_278 : i32
      %mul3A_280 = arith.constant 8 : i32
      %mul3A_281 = arith.muli %min3A_279, %mul3A_280 : i32
      %add3A_282 = arith.addi %mul3A_2, %mul3A_281 : i32
      %dma_start3A_283 = arith.constant 0 : i32
      %dma_start3A_284 = tpu.memref_slice %arg3[%add3A_282, %dma_start3A_283] : memref<2560x128xi32, #tpu.memory_space<hbm>> -> memref<8x128xi32, #tpu.memory_space<hbm>>
      %dma_start3A_285 = arith.constant 0 : i32
      %dma_start3A_286 = tpu.memref_slice %arg3[%add3A_282, %dma_start3A_285] : memref<2560x128xi32, #tpu.memory_space<hbm>> -> memref<8x128xi32, #tpu.memory_space<hbm>>
      tpu.enqueue_dma source(%dma_start3A_286 : memref<8x128xi32, #tpu.memory_space<hbm>>) target(%arg7 : memref<8x128xi32, #tpu.memory_space<vmem>>) target_semaphore(%arg19 : memref<!tpu.dma_semaphore, #tpu.memory_space<semaphore_mem>>)
      %dma_start3A_287 = arith.constant 0 : i32
      %dma_start3A_288 = tpu.memref_slice %arg4[%add3A_282, %dma_start3A_287] : memref<2560x128xi32, #tpu.memory_space<hbm>> -> memref<8x128xi32, #tpu.memory_space<hbm>>
      %dma_start3A_289 = arith.constant 0 : i32
      %dma_start3A_290 = tpu.memref_slice %arg4[%add3A_282, %dma_start3A_289] : memref<2560x128xi32, #tpu.memory_space<hbm>> -> memref<8x128xi32, #tpu.memory_space<hbm>>
      tpu.enqueue_dma source(%dma_start3A_290 : memref<8x128xi32, #tpu.memory_space<hbm>>) target(%arg9 : memref<8x128xi32, #tpu.memory_space<vmem>>) target_semaphore(%arg19 : memref<!tpu.dma_semaphore, #tpu.memory_space<semaphore_mem>>)
      %dma_start3A_291 = arith.constant 0 : i32
      %dma_start3A_292 = arith.constant 0 : i32
      %dma_start3A_293 = tpu.memref_slice %arg8[%dma_start3A_291, %dma_start3A_292] : memref<8x128xi32, #tpu.memory_space<vmem>> -> memref<1x128xi32, #tpu.memory_space<vmem>>
      %dma_start3A_294 = tpu.memref_squeeze %dma_start3A_293 : memref<1x128xi32, #tpu.memory_space<vmem>> -> memref<128xi32, #tpu.memory_space<vmem>>
      %dma_start3A_295 = arith.constant 0 : i32
      %dma_start3A_296 = arith.constant 0 : i32
      %dma_start3A_297 = tpu.memref_slice %arg2[%dma_start3A_295, %dma_start3A_296] : memref<10000x128xf32, #tpu.memory_space<hbm>> -> memref<10000x128xf32, #tpu.memory_space<hbm>>
      tpu.enqueue_indirect_dma source(%dma_start3A_297 : memref<10000x128xf32, #tpu.memory_space<hbm>>) target(%arg11 : memref<128x128xf32, #tpu.memory_space<vmem>>) offsets(%dma_start3A_294 : memref<128xi32, #tpu.memory_space<vmem>>) semaphore(%arg17 : memref<!tpu.dma_semaphore, #tpu.memory_space<semaphore_mem>>)
      %dma_wait3A_298 = arith.constant 0 : i32
      %dma_wait3A_299 = arith.constant 0 : i32
      %dma_wait3A_300 = tpu.memref_slice %arg8[%dma_wait3A_298, %dma_wait3A_299] : memref<8x128xi32, #tpu.memory_space<vmem>> -> memref<1x128xi32, #tpu.memory_space<vmem>>
      %dma_wait3A_301 = tpu.memref_squeeze %dma_wait3A_300 : memref<1x128xi32, #tpu.memory_space<vmem>> -> memref<128xi32, #tpu.memory_space<vmem>>
      %dma_wait3A_302 = arith.constant 0 : i32
      %dma_wait3A_303 = arith.constant 0 : i32
      %dma_wait3A_304 = tpu.memref_slice %arg2[%dma_wait3A_302, %dma_wait3A_303] : memref<10000x128xf32, #tpu.memory_space<hbm>> -> memref<10000x128xf32, #tpu.memory_space<hbm>>
      tpu.wait_indirect_dma semaphore(%arg17 : memref<!tpu.dma_semaphore, #tpu.memory_space<semaphore_mem>>) src(%dma_wait3A_304 : memref<10000x128xf32, #tpu.memory_space<hbm>>) dst(%arg11 : memref<128x128xf32, #tpu.memory_space<vmem>>)
      %dma_start3A_305 = arith.constant 1 : i32
      %dma_start3A_306 = arith.constant 0 : i32
      %dma_start3A_307 = tpu.memref_slice %arg8[%dma_start3A_305, %dma_start3A_306] : memref<8x128xi32, #tpu.memory_space<vmem>> -> memref<1x128xi32, #tpu.memory_space<vmem>>
      %dma_start3A_308 = tpu.memref_squeeze %dma_start3A_307 : memref<1x128xi32, #tpu.memory_space<vmem>> -> memref<128xi32, #tpu.memory_space<vmem>>
      %dma_start3A_309 = arith.constant 0 : i32
      %dma_start3A_310 = arith.constant 0 : i32
      %dma_start3A_311 = tpu.memref_slice %arg2[%dma_start3A_309, %dma_start3A_310] : memref<10000x128xf32, #tpu.memory_space<hbm>> -> memref<10000x128xf32, #tpu.memory_space<hbm>>
      tpu.enqueue_indirect_dma source(%dma_start3A_311 : memref<10000x128xf32, #tpu.memory_space<hbm>>) target(%arg12 : memref<128x128xf32, #tpu.memory_space<vmem>>) offsets(%dma_start3A_308 : memref<128xi32, #tpu.memory_space<vmem>>) semaphore(%arg18 : memref<!tpu.dma_semaphore, #tpu.memory_space<semaphore_mem>>)
      %run_scoped3A_312 = arith.constant 0 : i32
      "tpu.region"() ({
        %run_scoped3A_447 = tpu.sem_alloc : memref<!tpu.dma_semaphore, #tpu.memory_space<semaphore_mem>>
        %dma_start3A_448 = arith.constant 0 : i32
        %dma_start3A_449 = tpu.memref_slice %arg10[%run_scoped3A_312, %dma_start3A_448] : memref<8x128xi32, #tpu.memory_space<vmem>> -> memref<1x128xi32, #tpu.memory_space<vmem>>
        %dma_start3A_450 = tpu.memref_squeeze %dma_start3A_449 : memref<1x128xi32, #tpu.memory_space<vmem>> -> memref<128xi32, #tpu.memory_space<vmem>>
        %dma_start3A_451 = arith.constant 0 : i32
        %dma_start3A_452 = arith.constant 0 : i32
        %dma_start3A_453 = tpu.memref_slice %arg15[%dma_start3A_451, %dma_start3A_452] : memref<10240x128xf32, #tpu.memory_space<vmem_shared>> -> memref<10240x128xf32, #tpu.memory_space<vmem_shared>>
        tpu.enqueue_indirect_dma source(%arg11 : memref<128x128xf32, #tpu.memory_space<vmem>>) target(%dma_start3A_453 : memref<10240x128xf32, #tpu.memory_space<vmem_shared>>) offsets(%dma_start3A_450 : memref<128xi32, #tpu.memory_space<vmem>>) semaphore(%run_scoped3A_447 : memref<!tpu.dma_semaphore, #tpu.memory_space<semaphore_mem>>) {add = true}
        %dma_wait3A_454 = arith.constant 0 : i32
        %dma_wait3A_455 = tpu.memref_slice %arg10[%run_scoped3A_312, %dma_wait3A_454] : memref<8x128xi32, #tpu.memory_space<vmem>> -> memref<1x128xi32, #tpu.memory_space<vmem>>
        %dma_wait3A_456 = tpu.memref_squeeze %dma_wait3A_455 : memref<1x128xi32, #tpu.memory_space<vmem>> -> memref<128xi32, #tpu.memory_space<vmem>>
        %dma_wait3A_457 = arith.constant 0 : i32
        %dma_wait3A_458 = arith.constant 0 : i32
        %dma_wait3A_459 = tpu.memref_slice %arg15[%dma_wait3A_457, %dma_wait3A_458] : memref<10240x128xf32, #tpu.memory_space<vmem_shared>> -> memref<10240x128xf32, #tpu.memory_space<vmem_shared>>
        tpu.wait_indirect_dma semaphore(%run_scoped3A_447 : memref<!tpu.dma_semaphore, #tpu.memory_space<semaphore_mem>>) src(%arg11 : memref<128x128xf32, #tpu.memory_space<vmem>>) dst(%dma_wait3A_459 : memref<10240x128xf32, #tpu.memory_space<vmem_shared>>)
        tpu.yield
      }) : () -> ()
      %run_scoped3A_313 = arith.constant 0 : i32
      "tpu.region"() ({
        %run_scoped3A_447 = tpu.sem_alloc : memref<!tpu.dma_semaphore, #tpu.memory_space<semaphore_mem>>
        %dma_start3A_448 = arith.constant 0 : i32
        %dma_start3A_449 = tpu.memref_slice %arg10[%run_scoped3A_313, %dma_start3A_448] : memref<8x128xi32, #tpu.memory_space<vmem>> -> memref<1x128xi32, #tpu.memory_space<vmem>>
        %dma_start3A_450 = tpu.memref_squeeze %dma_start3A_449 : memref<1x128xi32, #tpu.memory_space<vmem>> -> memref<128xi32, #tpu.memory_space<vmem>>
        %dma_start3A_451 = arith.constant 0 : i32
        %dma_start3A_452 = tpu.memref_slice %arg16[%dma_start3A_451] : memref<10240xf32, #tpu.memory_space<vmem_shared>> -> memref<10240xf32, #tpu.memory_space<vmem_shared>>
        tpu.enqueue_indirect_dma source(%arg13 : memref<128xf32, #tpu.memory_space<vmem>>) target(%dma_start3A_452 : memref<10240xf32, #tpu.memory_space<vmem_shared>>) offsets(%dma_start3A_450 : memref<128xi32, #tpu.memory_space<vmem>>) semaphore(%run_scoped3A_447 : memref<!tpu.dma_semaphore, #tpu.memory_space<semaphore_mem>>) {add = true}
        %dma_wait3A_453 = arith.constant 0 : i32
        %dma_wait3A_454 = tpu.memref_slice %arg10[%run_scoped3A_313, %dma_wait3A_453] : memref<8x128xi32, #tpu.memory_space<vmem>> -> memref<1x128xi32, #tpu.memory_space<vmem>>
        %dma_wait3A_455 = tpu.memref_squeeze %dma_wait3A_454 : memref<1x128xi32, #tpu.memory_space<vmem>> -> memref<128xi32, #tpu.memory_space<vmem>>
        %dma_wait3A_456 = arith.constant 0 : i32
        %dma_wait3A_457 = tpu.memref_slice %arg16[%dma_wait3A_456] : memref<10240xf32, #tpu.memory_space<vmem_shared>> -> memref<10240xf32, #tpu.memory_space<vmem_shared>>
        tpu.wait_indirect_dma semaphore(%run_scoped3A_447 : memref<!tpu.dma_semaphore, #tpu.memory_space<semaphore_mem>>) src(%arg13 : memref<128xf32, #tpu.memory_space<vmem>>) dst(%dma_wait3A_457 : memref<10240xf32, #tpu.memory_space<vmem_shared>>)
        tpu.yield
      }) : () -> ()
      %dma_wait3A_314 = arith.constant 1 : i32
      %dma_wait3A_315 = arith.constant 0 : i32
      %dma_wait3A_316 = tpu.memref_slice %arg8[%dma_wait3A_314, %dma_wait3A_315] : memref<8x128xi32, #tpu.memory_space<vmem>> -> memref<1x128xi32, #tpu.memory_space<vmem>>
      %dma_wait3A_317 = tpu.memref_squeeze %dma_wait3A_316 : memref<1x128xi32, #tpu.memory_space<vmem>> -> memref<128xi32, #tpu.memory_space<vmem>>
      %dma_wait3A_318 = arith.constant 0 : i32
      %dma_wait3A_319 = arith.constant 0 : i32
      %dma_wait3A_320 = tpu.memref_slice %arg2[%dma_wait3A_318, %dma_wait3A_319] : memref<10000x128xf32, #tpu.memory_space<hbm>> -> memref<10000x128xf32, #tpu.memory_space<hbm>>
      tpu.wait_indirect_dma semaphore(%arg18 : memref<!tpu.dma_semaphore, #tpu.memory_space<semaphore_mem>>) src(%dma_wait3A_320 : memref<10000x128xf32, #tpu.memory_space<hbm>>) dst(%arg12 : memref<128x128xf32, #tpu.memory_space<vmem>>)
      %dma_start3A_321 = arith.constant 2 : i32
      %dma_start3A_322 = arith.constant 0 : i32
      %dma_start3A_323 = tpu.memref_slice %arg8[%dma_start3A_321, %dma_start3A_322] : memref<8x128xi32, #tpu.memory_space<vmem>> -> memref<1x128xi32, #tpu.memory_space<vmem>>
      %dma_start3A_324 = tpu.memref_squeeze %dma_start3A_323 : memref<1x128xi32, #tpu.memory_space<vmem>> -> memref<128xi32, #tpu.memory_space<vmem>>
      %dma_start3A_325 = arith.constant 0 : i32
      %dma_start3A_326 = arith.constant 0 : i32
      %dma_start3A_327 = tpu.memref_slice %arg2[%dma_start3A_325, %dma_start3A_326] : memref<10000x128xf32, #tpu.memory_space<hbm>> -> memref<10000x128xf32, #tpu.memory_space<hbm>>
      tpu.enqueue_indirect_dma source(%dma_start3A_327 : memref<10000x128xf32, #tpu.memory_space<hbm>>) target(%arg11 : memref<128x128xf32, #tpu.memory_space<vmem>>) offsets(%dma_start3A_324 : memref<128xi32, #tpu.memory_space<vmem>>) semaphore(%arg17 : memref<!tpu.dma_semaphore, #tpu.memory_space<semaphore_mem>>)
      %run_scoped3A_328 = arith.constant 1 : i32
      "tpu.region"() ({
        %run_scoped3A_447 = tpu.sem_alloc : memref<!tpu.dma_semaphore, #tpu.memory_space<semaphore_mem>>
        %dma_start3A_448 = arith.constant 0 : i32
        %dma_start3A_449 = tpu.memref_slice %arg10[%run_scoped3A_328, %dma_start3A_448] : memref<8x128xi32, #tpu.memory_space<vmem>> -> memref<1x128xi32, #tpu.memory_space<vmem>>
        %dma_start3A_450 = tpu.memref_squeeze %dma_start3A_449 : memref<1x128xi32, #tpu.memory_space<vmem>> -> memref<128xi32, #tpu.memory_space<vmem>>
        %dma_start3A_451 = arith.constant 0 : i32
        %dma_start3A_452 = arith.constant 0 : i32
        %dma_start3A_453 = tpu.memref_slice %arg15[%dma_start3A_451, %dma_start3A_452] : memref<10240x128xf32, #tpu.memory_space<vmem_shared>> -> memref<10240x128xf32, #tpu.memory_space<vmem_shared>>
        tpu.enqueue_indirect_dma source(%arg12 : memref<128x128xf32, #tpu.memory_space<vmem>>) target(%dma_start3A_453 : memref<10240x128xf32, #tpu.memory_space<vmem_shared>>) offsets(%dma_start3A_450 : memref<128xi32, #tpu.memory_space<vmem>>) semaphore(%run_scoped3A_447 : memref<!tpu.dma_semaphore, #tpu.memory_space<semaphore_mem>>) {add = true}
        %dma_wait3A_454 = arith.constant 0 : i32
        %dma_wait3A_455 = tpu.memref_slice %arg10[%run_scoped3A_328, %dma_wait3A_454] : memref<8x128xi32, #tpu.memory_space<vmem>> -> memref<1x128xi32, #tpu.memory_space<vmem>>
        %dma_wait3A_456 = tpu.memref_squeeze %dma_wait3A_455 : memref<1x128xi32, #tpu.memory_space<vmem>> -> memref<128xi32, #tpu.memory_space<vmem>>
        %dma_wait3A_457 = arith.constant 0 : i32
        %dma_wait3A_458 = arith.constant 0 : i32
        %dma_wait3A_459 = tpu.memref_slice %arg15[%dma_wait3A_457, %dma_wait3A_458] : memref<10240x128xf32, #tpu.memory_space<vmem_shared>> -> memref<10240x128xf32, #tpu.memory_space<vmem_shared>>
        tpu.wait_indirect_dma semaphore(%run_scoped3A_447 : memref<!tpu.dma_semaphore, #tpu.memory_space<semaphore_mem>>) src(%arg12 : memref<128x128xf32, #tpu.memory_space<vmem>>) dst(%dma_wait3A_459 : memref<10240x128xf32, #tpu.memory_space<vmem_shared>>)
        tpu.yield
      }) : () -> ()
      %run_scoped3A_329 = arith.constant 1 : i32
      "tpu.region"() ({
        %run_scoped3A_447 = tpu.sem_alloc : memref<!tpu.dma_semaphore, #tpu.memory_space<semaphore_mem>>
        %dma_start3A_448 = arith.constant 0 : i32
        %dma_start3A_449 = tpu.memref_slice %arg10[%run_scoped3A_329, %dma_start3A_448] : memref<8x128xi32, #tpu.memory_space<vmem>> -> memref<1x128xi32, #tpu.memory_space<vmem>>
        %dma_start3A_450 = tpu.memref_squeeze %dma_start3A_449 : memref<1x128xi32, #tpu.memory_space<vmem>> -> memref<128xi32, #tpu.memory_space<vmem>>
        %dma_start3A_451 = arith.constant 0 : i32
        %dma_start3A_452 = tpu.memref_slice %arg16[%dma_start3A_451] : memref<10240xf32, #tpu.memory_space<vmem_shared>> -> memref<10240xf32, #tpu.memory_space<vmem_shared>>
        tpu.enqueue_indirect_dma source(%arg13 : memref<128xf32, #tpu.memory_space<vmem>>) target(%dma_start3A_452 : memref<10240xf32, #tpu.memory_space<vmem_shared>>) offsets(%dma_start3A_450 : memref<128xi32, #tpu.memory_space<vmem>>) semaphore(%run_scoped3A_447 : memref<!tpu.dma_semaphore, #tpu.memory_space<semaphore_mem>>) {add = true}
        %dma_wait3A_453 = arith.constant 0 : i32
        %dma_wait3A_454 = tpu.memref_slice %arg10[%run_scoped3A_329, %dma_wait3A_453] : memref<8x128xi32, #tpu.memory_space<vmem>> -> memref<1x128xi32, #tpu.memory_space<vmem>>
        %dma_wait3A_455 = tpu.memref_squeeze %dma_wait3A_454 : memref<1x128xi32, #tpu.memory_space<vmem>> -> memref<128xi32, #tpu.memory_space<vmem>>
        %dma_wait3A_456 = arith.constant 0 : i32
        %dma_wait3A_457 = tpu.memref_slice %arg16[%dma_wait3A_456] : memref<10240xf32, #tpu.memory_space<vmem_shared>> -> memref<10240xf32, #tpu.memory_space<vmem_shared>>
        tpu.wait_indirect_dma semaphore(%run_scoped3A_447 : memref<!tpu.dma_semaphore, #tpu.memory_space<semaphore_mem>>) src(%arg13 : memref<128xf32, #tpu.memory_space<vmem>>) dst(%dma_wait3A_457 : memref<10240xf32, #tpu.memory_space<vmem_shared>>)
        tpu.yield
      }) : () -> ()
      %dma_wait3A_330 = arith.constant 2 : i32
      %dma_wait3A_331 = arith.constant 0 : i32
      %dma_wait3A_332 = tpu.memref_slice %arg8[%dma_wait3A_330, %dma_wait3A_331] : memref<8x128xi32, #tpu.memory_space<vmem>> -> memref<1x128xi32, #tpu.memory_space<vmem>>
      %dma_wait3A_333 = tpu.memref_squeeze %dma_wait3A_332 : memref<1x128xi32, #tpu.memory_space<vmem>> -> memref<128xi32, #tpu.memory_space<vmem>>
      %dma_wait3A_334 = arith.constant 0 : i32
      %dma_wait3A_335 = arith.constant 0 : i32
      %dma_wait3A_336 = tpu.memref_slice %arg2[%dma_wait3A_334, %dma_wait3A_335] : memref<10000x128xf32, #tpu.memory_space<hbm>> -> memref<10000x128xf32, #tpu.memory_space<hbm>>
      tpu.wait_indirect_dma semaphore(%arg17 : memref<!tpu.dma_semaphore, #tpu.memory_space<semaphore_mem>>) src(%dma_wait3A_336 : memref<10000x128xf32, #tpu.memory_space<hbm>>) dst(%arg11 : memref<128x128xf32, #tpu.memory_space<vmem>>)
      %dma_start3A_337 = arith.constant 3 : i32
      %dma_start3A_338 = arith.constant 0 : i32
      %dma_start3A_339 = tpu.memref_slice %arg8[%dma_start3A_337, %dma_start3A_338] : memref<8x128xi32, #tpu.memory_space<vmem>> -> memref<1x128xi32, #tpu.memory_space<vmem>>
      %dma_start3A_340 = tpu.memref_squeeze %dma_start3A_339 : memref<1x128xi32, #tpu.memory_space<vmem>> -> memref<128xi32, #tpu.memory_space<vmem>>
      %dma_start3A_341 = arith.constant 0 : i32
      %dma_start3A_342 = arith.constant 0 : i32
      %dma_start3A_343 = tpu.memref_slice %arg2[%dma_start3A_341, %dma_start3A_342] : memref<10000x128xf32, #tpu.memory_space<hbm>> -> memref<10000x128xf32, #tpu.memory_space<hbm>>
      tpu.enqueue_indirect_dma source(%dma_start3A_343 : memref<10000x128xf32, #tpu.memory_space<hbm>>) target(%arg12 : memref<128x128xf32, #tpu.memory_space<vmem>>) offsets(%dma_start3A_340 : memref<128xi32, #tpu.memory_space<vmem>>) semaphore(%arg18 : memref<!tpu.dma_semaphore, #tpu.memory_space<semaphore_mem>>)
      %run_scoped3A_344 = arith.constant 2 : i32
      "tpu.region"() ({
        %run_scoped3A_447 = tpu.sem_alloc : memref<!tpu.dma_semaphore, #tpu.memory_space<semaphore_mem>>
        %dma_start3A_448 = arith.constant 0 : i32
        %dma_start3A_449 = tpu.memref_slice %arg10[%run_scoped3A_344, %dma_start3A_448] : memref<8x128xi32, #tpu.memory_space<vmem>> -> memref<1x128xi32, #tpu.memory_space<vmem>>
        %dma_start3A_450 = tpu.memref_squeeze %dma_start3A_449 : memref<1x128xi32, #tpu.memory_space<vmem>> -> memref<128xi32, #tpu.memory_space<vmem>>
        %dma_start3A_451 = arith.constant 0 : i32
        %dma_start3A_452 = arith.constant 0 : i32
        %dma_start3A_453 = tpu.memref_slice %arg15[%dma_start3A_451, %dma_start3A_452] : memref<10240x128xf32, #tpu.memory_space<vmem_shared>> -> memref<10240x128xf32, #tpu.memory_space<vmem_shared>>
        tpu.enqueue_indirect_dma source(%arg11 : memref<128x128xf32, #tpu.memory_space<vmem>>) target(%dma_start3A_453 : memref<10240x128xf32, #tpu.memory_space<vmem_shared>>) offsets(%dma_start3A_450 : memref<128xi32, #tpu.memory_space<vmem>>) semaphore(%run_scoped3A_447 : memref<!tpu.dma_semaphore, #tpu.memory_space<semaphore_mem>>) {add = true}
        %dma_wait3A_454 = arith.constant 0 : i32
        %dma_wait3A_455 = tpu.memref_slice %arg10[%run_scoped3A_344, %dma_wait3A_454] : memref<8x128xi32, #tpu.memory_space<vmem>> -> memref<1x128xi32, #tpu.memory_space<vmem>>
        %dma_wait3A_456 = tpu.memref_squeeze %dma_wait3A_455 : memref<1x128xi32, #tpu.memory_space<vmem>> -> memref<128xi32, #tpu.memory_space<vmem>>
        %dma_wait3A_457 = arith.constant 0 : i32
        %dma_wait3A_458 = arith.constant 0 : i32
        %dma_wait3A_459 = tpu.memref_slice %arg15[%dma_wait3A_457, %dma_wait3A_458] : memref<10240x128xf32, #tpu.memory_space<vmem_shared>> -> memref<10240x128xf32, #tpu.memory_space<vmem_shared>>
        tpu.wait_indirect_dma semaphore(%run_scoped3A_447 : memref<!tpu.dma_semaphore, #tpu.memory_space<semaphore_mem>>) src(%arg11 : memref<128x128xf32, #tpu.memory_space<vmem>>) dst(%dma_wait3A_459 : memref<10240x128xf32, #tpu.memory_space<vmem_shared>>)
        tpu.yield
      }) : () -> ()
      %run_scoped3A_345 = arith.constant 2 : i32
      "tpu.region"() ({
        %run_scoped3A_447 = tpu.sem_alloc : memref<!tpu.dma_semaphore, #tpu.memory_space<semaphore_mem>>
        %dma_start3A_448 = arith.constant 0 : i32
        %dma_start3A_449 = tpu.memref_slice %arg10[%run_scoped3A_345, %dma_start3A_448] : memref<8x128xi32, #tpu.memory_space<vmem>> -> memref<1x128xi32, #tpu.memory_space<vmem>>
        %dma_start3A_450 = tpu.memref_squeeze %dma_start3A_449 : memref<1x128xi32, #tpu.memory_space<vmem>> -> memref<128xi32, #tpu.memory_space<vmem>>
        %dma_start3A_451 = arith.constant 0 : i32
        %dma_start3A_452 = tpu.memref_slice %arg16[%dma_start3A_451] : memref<10240xf32, #tpu.memory_space<vmem_shared>> -> memref<10240xf32, #tpu.memory_space<vmem_shared>>
        tpu.enqueue_indirect_dma source(%arg13 : memref<128xf32, #tpu.memory_space<vmem>>) target(%dma_start3A_452 : memref<10240xf32, #tpu.memory_space<vmem_shared>>) offsets(%dma_start3A_450 : memref<128xi32, #tpu.memory_space<vmem>>) semaphore(%run_scoped3A_447 : memref<!tpu.dma_semaphore, #tpu.memory_space<semaphore_mem>>) {add = true}
        %dma_wait3A_453 = arith.constant 0 : i32
        %dma_wait3A_454 = tpu.memref_slice %arg10[%run_scoped3A_345, %dma_wait3A_453] : memref<8x128xi32, #tpu.memory_space<vmem>> -> memref<1x128xi32, #tpu.memory_space<vmem>>
        %dma_wait3A_455 = tpu.memref_squeeze %dma_wait3A_454 : memref<1x128xi32, #tpu.memory_space<vmem>> -> memref<128xi32, #tpu.memory_space<vmem>>
        %dma_wait3A_456 = arith.constant 0 : i32
        %dma_wait3A_457 = tpu.memref_slice %arg16[%dma_wait3A_456] : memref<10240xf32, #tpu.memory_space<vmem_shared>> -> memref<10240xf32, #tpu.memory_space<vmem_shared>>
        tpu.wait_indirect_dma semaphore(%run_scoped3A_447 : memref<!tpu.dma_semaphore, #tpu.memory_space<semaphore_mem>>) src(%arg13 : memref<128xf32, #tpu.memory_space<vmem>>) dst(%dma_wait3A_457 : memref<10240xf32, #tpu.memory_space<vmem_shared>>)
        tpu.yield
      }) : () -> ()
      %dma_wait3A_346 = arith.constant 3 : i32
      %dma_wait3A_347 = arith.constant 0 : i32
      %dma_wait3A_348 = tpu.memref_slice %arg8[%dma_wait3A_346, %dma_wait3A_347] : memref<8x128xi32, #tpu.memory_space<vmem>> -> memref<1x128xi32, #tpu.memory_space<vmem>>
      %dma_wait3A_349 = tpu.memref_squeeze %dma_wait3A_348 : memref<1x128xi32, #tpu.memory_space<vmem>> -> memref<128xi32, #tpu.memory_space<vmem>>
      %dma_wait3A_350 = arith.constant 0 : i32
      %dma_wait3A_351 = arith.constant 0 : i32
      %dma_wait3A_352 = tpu.memref_slice %arg2[%dma_wait3A_350, %dma_wait3A_351] : memref<10000x128xf32, #tpu.memory_space<hbm>> -> memref<10000x128xf32, #tpu.memory_space<hbm>>
      tpu.wait_indirect_dma semaphore(%arg18 : memref<!tpu.dma_semaphore, #tpu.memory_space<semaphore_mem>>) src(%dma_wait3A_352 : memref<10000x128xf32, #tpu.memory_space<hbm>>) dst(%arg12 : memref<128x128xf32, #tpu.memory_space<vmem>>)
      %dma_start3A_353 = arith.constant 4 : i32
      %dma_start3A_354 = arith.constant 0 : i32
      %dma_start3A_355 = tpu.memref_slice %arg8[%dma_start3A_353, %dma_start3A_354] : memref<8x128xi32, #tpu.memory_space<vmem>> -> memref<1x128xi32, #tpu.memory_space<vmem>>
      %dma_start3A_356 = tpu.memref_squeeze %dma_start3A_355 : memref<1x128xi32, #tpu.memory_space<vmem>> -> memref<128xi32, #tpu.memory_space<vmem>>
      %dma_start3A_357 = arith.constant 0 : i32
      %dma_start3A_358 = arith.constant 0 : i32
      %dma_start3A_359 = tpu.memref_slice %arg2[%dma_start3A_357, %dma_start3A_358] : memref<10000x128xf32, #tpu.memory_space<hbm>> -> memref<10000x128xf32, #tpu.memory_space<hbm>>
      tpu.enqueue_indirect_dma source(%dma_start3A_359 : memref<10000x128xf32, #tpu.memory_space<hbm>>) target(%arg11 : memref<128x128xf32, #tpu.memory_space<vmem>>) offsets(%dma_start3A_356 : memref<128xi32, #tpu.memory_space<vmem>>) semaphore(%arg17 : memref<!tpu.dma_semaphore, #tpu.memory_space<semaphore_mem>>)
      %run_scoped3A_360 = arith.constant 3 : i32
      "tpu.region"() ({
        %run_scoped3A_447 = tpu.sem_alloc : memref<!tpu.dma_semaphore, #tpu.memory_space<semaphore_mem>>
        %dma_start3A_448 = arith.constant 0 : i32
        %dma_start3A_449 = tpu.memref_slice %arg10[%run_scoped3A_360, %dma_start3A_448] : memref<8x128xi32, #tpu.memory_space<vmem>> -> memref<1x128xi32, #tpu.memory_space<vmem>>
        %dma_start3A_450 = tpu.memref_squeeze %dma_start3A_449 : memref<1x128xi32, #tpu.memory_space<vmem>> -> memref<128xi32, #tpu.memory_space<vmem>>
        %dma_start3A_451 = arith.constant 0 : i32
        %dma_start3A_452 = arith.constant 0 : i32
        %dma_start3A_453 = tpu.memref_slice %arg15[%dma_start3A_451, %dma_start3A_452] : memref<10240x128xf32, #tpu.memory_space<vmem_shared>> -> memref<10240x128xf32, #tpu.memory_space<vmem_shared>>
        tpu.enqueue_indirect_dma source(%arg12 : memref<128x128xf32, #tpu.memory_space<vmem>>) target(%dma_start3A_453 : memref<10240x128xf32, #tpu.memory_space<vmem_shared>>) offsets(%dma_start3A_450 : memref<128xi32, #tpu.memory_space<vmem>>) semaphore(%run_scoped3A_447 : memref<!tpu.dma_semaphore, #tpu.memory_space<semaphore_mem>>) {add = true}
        %dma_wait3A_454 = arith.constant 0 : i32
        %dma_wait3A_455 = tpu.memref_slice %arg10[%run_scoped3A_360, %dma_wait3A_454] : memref<8x128xi32, #tpu.memory_space<vmem>> -> memref<1x128xi32, #tpu.memory_space<vmem>>
        %dma_wait3A_456 = tpu.memref_squeeze %dma_wait3A_455 : memref<1x128xi32, #tpu.memory_space<vmem>> -> memref<128xi32, #tpu.memory_space<vmem>>
        %dma_wait3A_457 = arith.constant 0 : i32
        %dma_wait3A_458 = arith.constant 0 : i32
        %dma_wait3A_459 = tpu.memref_slice %arg15[%dma_wait3A_457, %dma_wait3A_458] : memref<10240x128xf32, #tpu.memory_space<vmem_shared>> -> memref<10240x128xf32, #tpu.memory_space<vmem_shared>>
        tpu.wait_indirect_dma semaphore(%run_scoped3A_447 : memref<!tpu.dma_semaphore, #tpu.memory_space<semaphore_mem>>) src(%arg12 : memref<128x128xf32, #tpu.memory_space<vmem>>) dst(%dma_wait3A_459 : memref<10240x128xf32, #tpu.memory_space<vmem_shared>>)
        tpu.yield
      }) : () -> ()
      %run_scoped3A_361 = arith.constant 3 : i32
      "tpu.region"() ({
        %run_scoped3A_447 = tpu.sem_alloc : memref<!tpu.dma_semaphore, #tpu.memory_space<semaphore_mem>>
        %dma_start3A_448 = arith.constant 0 : i32
        %dma_start3A_449 = tpu.memref_slice %arg10[%run_scoped3A_361, %dma_start3A_448] : memref<8x128xi32, #tpu.memory_space<vmem>> -> memref<1x128xi32, #tpu.memory_space<vmem>>
        %dma_start3A_450 = tpu.memref_squeeze %dma_start3A_449 : memref<1x128xi32, #tpu.memory_space<vmem>> -> memref<128xi32, #tpu.memory_space<vmem>>
        %dma_start3A_451 = arith.constant 0 : i32
        %dma_start3A_452 = tpu.memref_slice %arg16[%dma_start3A_451] : memref<10240xf32, #tpu.memory_space<vmem_shared>> -> memref<10240xf32, #tpu.memory_space<vmem_shared>>
        tpu.enqueue_indirect_dma source(%arg13 : memref<128xf32, #tpu.memory_space<vmem>>) target(%dma_start3A_452 : memref<10240xf32, #tpu.memory_space<vmem_shared>>) offsets(%dma_start3A_450 : memref<128xi32, #tpu.memory_space<vmem>>) semaphore(%run_scoped3A_447 : memref<!tpu.dma_semaphore, #tpu.memory_space<semaphore_mem>>) {add = true}
        %dma_wait3A_453 = arith.constant 0 : i32
        %dma_wait3A_454 = tpu.memref_slice %arg10[%run_scoped3A_361, %dma_wait3A_453] : memref<8x128xi32, #tpu.memory_space<vmem>> -> memref<1x128xi32, #tpu.memory_space<vmem>>
        %dma_wait3A_455 = tpu.memref_squeeze %dma_wait3A_454 : memref<1x128xi32, #tpu.memory_space<vmem>> -> memref<128xi32, #tpu.memory_space<vmem>>
        %dma_wait3A_456 = arith.constant 0 : i32
        %dma_wait3A_457 = tpu.memref_slice %arg16[%dma_wait3A_456] : memref<10240xf32, #tpu.memory_space<vmem_shared>> -> memref<10240xf32, #tpu.memory_space<vmem_shared>>
        tpu.wait_indirect_dma semaphore(%run_scoped3A_447 : memref<!tpu.dma_semaphore, #tpu.memory_space<semaphore_mem>>) src(%arg13 : memref<128xf32, #tpu.memory_space<vmem>>) dst(%dma_wait3A_457 : memref<10240xf32, #tpu.memory_space<vmem_shared>>)
        tpu.yield
      }) : () -> ()
      %dma_wait3A_362 = arith.constant 4 : i32
      %dma_wait3A_363 = arith.constant 0 : i32
      %dma_wait3A_364 = tpu.memref_slice %arg8[%dma_wait3A_362, %dma_wait3A_363] : memref<8x128xi32, #tpu.memory_space<vmem>> -> memref<1x128xi32, #tpu.memory_space<vmem>>
      %dma_wait3A_365 = tpu.memref_squeeze %dma_wait3A_364 : memref<1x128xi32, #tpu.memory_space<vmem>> -> memref<128xi32, #tpu.memory_space<vmem>>
      %dma_wait3A_366 = arith.constant 0 : i32
      %dma_wait3A_367 = arith.constant 0 : i32
      %dma_wait3A_368 = tpu.memref_slice %arg2[%dma_wait3A_366, %dma_wait3A_367] : memref<10000x128xf32, #tpu.memory_space<hbm>> -> memref<10000x128xf32, #tpu.memory_space<hbm>>
      tpu.wait_indirect_dma semaphore(%arg17 : memref<!tpu.dma_semaphore, #tpu.memory_space<semaphore_mem>>) src(%dma_wait3A_368 : memref<10000x128xf32, #tpu.memory_space<hbm>>) dst(%arg11 : memref<128x128xf32, #tpu.memory_space<vmem>>)
      %dma_start3A_369 = arith.constant 5 : i32
      %dma_start3A_370 = arith.constant 0 : i32
      %dma_start3A_371 = tpu.memref_slice %arg8[%dma_start3A_369, %dma_start3A_370] : memref<8x128xi32, #tpu.memory_space<vmem>> -> memref<1x128xi32, #tpu.memory_space<vmem>>
      %dma_start3A_372 = tpu.memref_squeeze %dma_start3A_371 : memref<1x128xi32, #tpu.memory_space<vmem>> -> memref<128xi32, #tpu.memory_space<vmem>>
      %dma_start3A_373 = arith.constant 0 : i32
      %dma_start3A_374 = arith.constant 0 : i32
      %dma_start3A_375 = tpu.memref_slice %arg2[%dma_start3A_373, %dma_start3A_374] : memref<10000x128xf32, #tpu.memory_space<hbm>> -> memref<10000x128xf32, #tpu.memory_space<hbm>>
      tpu.enqueue_indirect_dma source(%dma_start3A_375 : memref<10000x128xf32, #tpu.memory_space<hbm>>) target(%arg12 : memref<128x128xf32, #tpu.memory_space<vmem>>) offsets(%dma_start3A_372 : memref<128xi32, #tpu.memory_space<vmem>>) semaphore(%arg18 : memref<!tpu.dma_semaphore, #tpu.memory_space<semaphore_mem>>)
      %run_scoped3A_376 = arith.constant 4 : i32
      "tpu.region"() ({
        %run_scoped3A_447 = tpu.sem_alloc : memref<!tpu.dma_semaphore, #tpu.memory_space<semaphore_mem>>
        %dma_start3A_448 = arith.constant 0 : i32
        %dma_start3A_449 = tpu.memref_slice %arg10[%run_scoped3A_376, %dma_start3A_448] : memref<8x128xi32, #tpu.memory_space<vmem>> -> memref<1x128xi32, #tpu.memory_space<vmem>>
        %dma_start3A_450 = tpu.memref_squeeze %dma_start3A_449 : memref<1x128xi32, #tpu.memory_space<vmem>> -> memref<128xi32, #tpu.memory_space<vmem>>
        %dma_start3A_451 = arith.constant 0 : i32
        %dma_start3A_452 = arith.constant 0 : i32
        %dma_start3A_453 = tpu.memref_slice %arg15[%dma_start3A_451, %dma_start3A_452] : memref<10240x128xf32, #tpu.memory_space<vmem_shared>> -> memref<10240x128xf32, #tpu.memory_space<vmem_shared>>
        tpu.enqueue_indirect_dma source(%arg11 : memref<128x128xf32, #tpu.memory_space<vmem>>) target(%dma_start3A_453 : memref<10240x128xf32, #tpu.memory_space<vmem_shared>>) offsets(%dma_start3A_450 : memref<128xi32, #tpu.memory_space<vmem>>) semaphore(%run_scoped3A_447 : memref<!tpu.dma_semaphore, #tpu.memory_space<semaphore_mem>>) {add = true}
        %dma_wait3A_454 = arith.constant 0 : i32
        %dma_wait3A_455 = tpu.memref_slice %arg10[%run_scoped3A_376, %dma_wait3A_454] : memref<8x128xi32, #tpu.memory_space<vmem>> -> memref<1x128xi32, #tpu.memory_space<vmem>>
        %dma_wait3A_456 = tpu.memref_squeeze %dma_wait3A_455 : memref<1x128xi32, #tpu.memory_space<vmem>> -> memref<128xi32, #tpu.memory_space<vmem>>
        %dma_wait3A_457 = arith.constant 0 : i32
        %dma_wait3A_458 = arith.constant 0 : i32
        %dma_wait3A_459 = tpu.memref_slice %arg15[%dma_wait3A_457, %dma_wait3A_458] : memref<10240x128xf32, #tpu.memory_space<vmem_shared>> -> memref<10240x128xf32, #tpu.memory_space<vmem_shared>>
        tpu.wait_indirect_dma semaphore(%run_scoped3A_447 : memref<!tpu.dma_semaphore, #tpu.memory_space<semaphore_mem>>) src(%arg11 : memref<128x128xf32, #tpu.memory_space<vmem>>) dst(%dma_wait3A_459 : memref<10240x128xf32, #tpu.memory_space<vmem_shared>>)
        tpu.yield
      }) : () -> ()
      %run_scoped3A_377 = arith.constant 4 : i32
      "tpu.region"() ({
        %run_scoped3A_447 = tpu.sem_alloc : memref<!tpu.dma_semaphore, #tpu.memory_space<semaphore_mem>>
        %dma_start3A_448 = arith.constant 0 : i32
        %dma_start3A_449 = tpu.memref_slice %arg10[%run_scoped3A_377, %dma_start3A_448] : memref<8x128xi32, #tpu.memory_space<vmem>> -> memref<1x128xi32, #tpu.memory_space<vmem>>
        %dma_start3A_450 = tpu.memref_squeeze %dma_start3A_449 : memref<1x128xi32, #tpu.memory_space<vmem>> -> memref<128xi32, #tpu.memory_space<vmem>>
        %dma_start3A_451 = arith.constant 0 : i32
        %dma_start3A_452 = tpu.memref_slice %arg16[%dma_start3A_451] : memref<10240xf32, #tpu.memory_space<vmem_shared>> -> memref<10240xf32, #tpu.memory_space<vmem_shared>>
        tpu.enqueue_indirect_dma source(%arg13 : memref<128xf32, #tpu.memory_space<vmem>>) target(%dma_start3A_452 : memref<10240xf32, #tpu.memory_space<vmem_shared>>) offsets(%dma_start3A_450 : memref<128xi32, #tpu.memory_space<vmem>>) semaphore(%run_scoped3A_447 : memref<!tpu.dma_semaphore, #tpu.memory_space<semaphore_mem>>) {add = true}
        %dma_wait3A_453 = arith.constant 0 : i32
        %dma_wait3A_454 = tpu.memref_slice %arg10[%run_scoped3A_377, %dma_wait3A_453] : memref<8x128xi32, #tpu.memory_space<vmem>> -> memref<1x128xi32, #tpu.memory_space<vmem>>
        %dma_wait3A_455 = tpu.memref_squeeze %dma_wait3A_454 : memref<1x128xi32, #tpu.memory_space<vmem>> -> memref<128xi32, #tpu.memory_space<vmem>>
        %dma_wait3A_456 = arith.constant 0 : i32
        %dma_wait3A_457 = tpu.memref_slice %arg16[%dma_wait3A_456] : memref<10240xf32, #tpu.memory_space<vmem_shared>> -> memref<10240xf32, #tpu.memory_space<vmem_shared>>
        tpu.wait_indirect_dma semaphore(%run_scoped3A_447 : memref<!tpu.dma_semaphore, #tpu.memory_space<semaphore_mem>>) src(%arg13 : memref<128xf32, #tpu.memory_space<vmem>>) dst(%dma_wait3A_457 : memref<10240xf32, #tpu.memory_space<vmem_shared>>)
        tpu.yield
      }) : () -> ()
      %dma_wait3A_378 = arith.constant 5 : i32
      %dma_wait3A_379 = arith.constant 0 : i32
      %dma_wait3A_380 = tpu.memref_slice %arg8[%dma_wait3A_378, %dma_wait3A_379] : memref<8x128xi32, #tpu.memory_space<vmem>> -> memref<1x128xi32, #tpu.memory_space<vmem>>
      %dma_wait3A_381 = tpu.memref_squeeze %dma_wait3A_380 : memref<1x128xi32, #tpu.memory_space<vmem>> -> memref<128xi32, #tpu.memory_space<vmem>>
      %dma_wait3A_382 = arith.constant 0 : i32
      %dma_wait3A_383 = arith.constant 0 : i32
      %dma_wait3A_384 = tpu.memref_slice %arg2[%dma_wait3A_382, %dma_wait3A_383] : memref<10000x128xf32, #tpu.memory_space<hbm>> -> memref<10000x128xf32, #tpu.memory_space<hbm>>
      tpu.wait_indirect_dma semaphore(%arg18 : memref<!tpu.dma_semaphore, #tpu.memory_space<semaphore_mem>>) src(%dma_wait3A_384 : memref<10000x128xf32, #tpu.memory_space<hbm>>) dst(%arg12 : memref<128x128xf32, #tpu.memory_space<vmem>>)
      %dma_start3A_385 = arith.constant 6 : i32
      %dma_start3A_386 = arith.constant 0 : i32
      %dma_start3A_387 = tpu.memref_slice %arg8[%dma_start3A_385, %dma_start3A_386] : memref<8x128xi32, #tpu.memory_space<vmem>> -> memref<1x128xi32, #tpu.memory_space<vmem>>
      %dma_start3A_388 = tpu.memref_squeeze %dma_start3A_387 : memref<1x128xi32, #tpu.memory_space<vmem>> -> memref<128xi32, #tpu.memory_space<vmem>>
      %dma_start3A_389 = arith.constant 0 : i32
      %dma_start3A_390 = arith.constant 0 : i32
      %dma_start3A_391 = tpu.memref_slice %arg2[%dma_start3A_389, %dma_start3A_390] : memref<10000x128xf32, #tpu.memory_space<hbm>> -> memref<10000x128xf32, #tpu.memory_space<hbm>>
      tpu.enqueue_indirect_dma source(%dma_start3A_391 : memref<10000x128xf32, #tpu.memory_space<hbm>>) target(%arg11 : memref<128x128xf32, #tpu.memory_space<vmem>>) offsets(%dma_start3A_388 : memref<128xi32, #tpu.memory_space<vmem>>) semaphore(%arg17 : memref<!tpu.dma_semaphore, #tpu.memory_space<semaphore_mem>>)
      %run_scoped3A_392 = arith.constant 5 : i32
      "tpu.region"() ({
        %run_scoped3A_447 = tpu.sem_alloc : memref<!tpu.dma_semaphore, #tpu.memory_space<semaphore_mem>>
        %dma_start3A_448 = arith.constant 0 : i32
        %dma_start3A_449 = tpu.memref_slice %arg10[%run_scoped3A_392, %dma_start3A_448] : memref<8x128xi32, #tpu.memory_space<vmem>> -> memref<1x128xi32, #tpu.memory_space<vmem>>
        %dma_start3A_450 = tpu.memref_squeeze %dma_start3A_449 : memref<1x128xi32, #tpu.memory_space<vmem>> -> memref<128xi32, #tpu.memory_space<vmem>>
        %dma_start3A_451 = arith.constant 0 : i32
        %dma_start3A_452 = arith.constant 0 : i32
        %dma_start3A_453 = tpu.memref_slice %arg15[%dma_start3A_451, %dma_start3A_452] : memref<10240x128xf32, #tpu.memory_space<vmem_shared>> -> memref<10240x128xf32, #tpu.memory_space<vmem_shared>>
        tpu.enqueue_indirect_dma source(%arg12 : memref<128x128xf32, #tpu.memory_space<vmem>>) target(%dma_start3A_453 : memref<10240x128xf32, #tpu.memory_space<vmem_shared>>) offsets(%dma_start3A_450 : memref<128xi32, #tpu.memory_space<vmem>>) semaphore(%run_scoped3A_447 : memref<!tpu.dma_semaphore, #tpu.memory_space<semaphore_mem>>) {add = true}
        %dma_wait3A_454 = arith.constant 0 : i32
        %dma_wait3A_455 = tpu.memref_slice %arg10[%run_scoped3A_392, %dma_wait3A_454] : memref<8x128xi32, #tpu.memory_space<vmem>> -> memref<1x128xi32, #tpu.memory_space<vmem>>
        %dma_wait3A_456 = tpu.memref_squeeze %dma_wait3A_455 : memref<1x128xi32, #tpu.memory_space<vmem>> -> memref<128xi32, #tpu.memory_space<vmem>>
        %dma_wait3A_457 = arith.constant 0 : i32
        %dma_wait3A_458 = arith.constant 0 : i32
        %dma_wait3A_459 = tpu.memref_slice %arg15[%dma_wait3A_457, %dma_wait3A_458] : memref<10240x128xf32, #tpu.memory_space<vmem_shared>> -> memref<10240x128xf32, #tpu.memory_space<vmem_shared>>
        tpu.wait_indirect_dma semaphore(%run_scoped3A_447 : memref<!tpu.dma_semaphore, #tpu.memory_space<semaphore_mem>>) src(%arg12 : memref<128x128xf32, #tpu.memory_space<vmem>>) dst(%dma_wait3A_459 : memref<10240x128xf32, #tpu.memory_space<vmem_shared>>)
        tpu.yield
      }) : () -> ()
      %run_scoped3A_393 = arith.constant 5 : i32
      "tpu.region"() ({
        %run_scoped3A_447 = tpu.sem_alloc : memref<!tpu.dma_semaphore, #tpu.memory_space<semaphore_mem>>
        %dma_start3A_448 = arith.constant 0 : i32
        %dma_start3A_449 = tpu.memref_slice %arg10[%run_scoped3A_393, %dma_start3A_448] : memref<8x128xi32, #tpu.memory_space<vmem>> -> memref<1x128xi32, #tpu.memory_space<vmem>>
        %dma_start3A_450 = tpu.memref_squeeze %dma_start3A_449 : memref<1x128xi32, #tpu.memory_space<vmem>> -> memref<128xi32, #tpu.memory_space<vmem>>
        %dma_start3A_451 = arith.constant 0 : i32
        %dma_start3A_452 = tpu.memref_slice %arg16[%dma_start3A_451] : memref<10240xf32, #tpu.memory_space<vmem_shared>> -> memref<10240xf32, #tpu.memory_space<vmem_shared>>
        tpu.enqueue_indirect_dma source(%arg13 : memref<128xf32, #tpu.memory_space<vmem>>) target(%dma_start3A_452 : memref<10240xf32, #tpu.memory_space<vmem_shared>>) offsets(%dma_start3A_450 : memref<128xi32, #tpu.memory_space<vmem>>) semaphore(%run_scoped3A_447 : memref<!tpu.dma_semaphore, #tpu.memory_space<semaphore_mem>>) {add = true}
        %dma_wait3A_453 = arith.constant 0 : i32
        %dma_wait3A_454 = tpu.memref_slice %arg10[%run_scoped3A_393, %dma_wait3A_453] : memref<8x128xi32, #tpu.memory_space<vmem>> -> memref<1x128xi32, #tpu.memory_space<vmem>>
        %dma_wait3A_455 = tpu.memref_squeeze %dma_wait3A_454 : memref<1x128xi32, #tpu.memory_space<vmem>> -> memref<128xi32, #tpu.memory_space<vmem>>
        %dma_wait3A_456 = arith.constant 0 : i32
        %dma_wait3A_457 = tpu.memref_slice %arg16[%dma_wait3A_456] : memref<10240xf32, #tpu.memory_space<vmem_shared>> -> memref<10240xf32, #tpu.memory_space<vmem_shared>>
        tpu.wait_indirect_dma semaphore(%run_scoped3A_447 : memref<!tpu.dma_semaphore, #tpu.memory_space<semaphore_mem>>) src(%arg13 : memref<128xf32, #tpu.memory_space<vmem>>) dst(%dma_wait3A_457 : memref<10240xf32, #tpu.memory_space<vmem_shared>>)
        tpu.yield
      }) : () -> ()
      %dma_wait3A_394 = arith.constant 6 : i32
      %dma_wait3A_395 = arith.constant 0 : i32
      %dma_wait3A_396 = tpu.memref_slice %arg8[%dma_wait3A_394, %dma_wait3A_395] : memref<8x128xi32, #tpu.memory_space<vmem>> -> memref<1x128xi32, #tpu.memory_space<vmem>>
      %dma_wait3A_397 = tpu.memref_squeeze %dma_wait3A_396 : memref<1x128xi32, #tpu.memory_space<vmem>> -> memref<128xi32, #tpu.memory_space<vmem>>
      %dma_wait3A_398 = arith.constant 0 : i32
      %dma_wait3A_399 = arith.constant 0 : i32
      %dma_wait3A_400 = tpu.memref_slice %arg2[%dma_wait3A_398, %dma_wait3A_399] : memref<10000x128xf32, #tpu.memory_space<hbm>> -> memref<10000x128xf32, #tpu.memory_space<hbm>>
      tpu.wait_indirect_dma semaphore(%arg17 : memref<!tpu.dma_semaphore, #tpu.memory_space<semaphore_mem>>) src(%dma_wait3A_400 : memref<10000x128xf32, #tpu.memory_space<hbm>>) dst(%arg11 : memref<128x128xf32, #tpu.memory_space<vmem>>)
      %dma_start3A_401 = arith.constant 7 : i32
      %dma_start3A_402 = arith.constant 0 : i32
      %dma_start3A_403 = tpu.memref_slice %arg8[%dma_start3A_401, %dma_start3A_402] : memref<8x128xi32, #tpu.memory_space<vmem>> -> memref<1x128xi32, #tpu.memory_space<vmem>>
      %dma_start3A_404 = tpu.memref_squeeze %dma_start3A_403 : memref<1x128xi32, #tpu.memory_space<vmem>> -> memref<128xi32, #tpu.memory_space<vmem>>
      %dma_start3A_405 = arith.constant 0 : i32
      %dma_start3A_406 = arith.constant 0 : i32
      %dma_start3A_407 = tpu.memref_slice %arg2[%dma_start3A_405, %dma_start3A_406] : memref<10000x128xf32, #tpu.memory_space<hbm>> -> memref<10000x128xf32, #tpu.memory_space<hbm>>
      tpu.enqueue_indirect_dma source(%dma_start3A_407 : memref<10000x128xf32, #tpu.memory_space<hbm>>) target(%arg12 : memref<128x128xf32, #tpu.memory_space<vmem>>) offsets(%dma_start3A_404 : memref<128xi32, #tpu.memory_space<vmem>>) semaphore(%arg18 : memref<!tpu.dma_semaphore, #tpu.memory_space<semaphore_mem>>)
      %run_scoped3A_408 = arith.constant 6 : i32
      "tpu.region"() ({
        %run_scoped3A_447 = tpu.sem_alloc : memref<!tpu.dma_semaphore, #tpu.memory_space<semaphore_mem>>
        %dma_start3A_448 = arith.constant 0 : i32
        %dma_start3A_449 = tpu.memref_slice %arg10[%run_scoped3A_408, %dma_start3A_448] : memref<8x128xi32, #tpu.memory_space<vmem>> -> memref<1x128xi32, #tpu.memory_space<vmem>>
        %dma_start3A_450 = tpu.memref_squeeze %dma_start3A_449 : memref<1x128xi32, #tpu.memory_space<vmem>> -> memref<128xi32, #tpu.memory_space<vmem>>
        %dma_start3A_451 = arith.constant 0 : i32
        %dma_start3A_452 = arith.constant 0 : i32
        %dma_start3A_453 = tpu.memref_slice %arg15[%dma_start3A_451, %dma_start3A_452] : memref<10240x128xf32, #tpu.memory_space<vmem_shared>> -> memref<10240x128xf32, #tpu.memory_space<vmem_shared>>
        tpu.enqueue_indirect_dma source(%arg11 : memref<128x128xf32, #tpu.memory_space<vmem>>) target(%dma_start3A_453 : memref<10240x128xf32, #tpu.memory_space<vmem_shared>>) offsets(%dma_start3A_450 : memref<128xi32, #tpu.memory_space<vmem>>) semaphore(%run_scoped3A_447 : memref<!tpu.dma_semaphore, #tpu.memory_space<semaphore_mem>>) {add = true}
        %dma_wait3A_454 = arith.constant 0 : i32
        %dma_wait3A_455 = tpu.memref_slice %arg10[%run_scoped3A_408, %dma_wait3A_454] : memref<8x128xi32, #tpu.memory_space<vmem>> -> memref<1x128xi32, #tpu.memory_space<vmem>>
        %dma_wait3A_456 = tpu.memref_squeeze %dma_wait3A_455 : memref<1x128xi32, #tpu.memory_space<vmem>> -> memref<128xi32, #tpu.memory_space<vmem>>
        %dma_wait3A_457 = arith.constant 0 : i32
        %dma_wait3A_458 = arith.constant 0 : i32
        %dma_wait3A_459 = tpu.memref_slice %arg15[%dma_wait3A_457, %dma_wait3A_458] : memref<10240x128xf32, #tpu.memory_space<vmem_shared>> -> memref<10240x128xf32, #tpu.memory_space<vmem_shared>>
        tpu.wait_indirect_dma semaphore(%run_scoped3A_447 : memref<!tpu.dma_semaphore, #tpu.memory_space<semaphore_mem>>) src(%arg11 : memref<128x128xf32, #tpu.memory_space<vmem>>) dst(%dma_wait3A_459 : memref<10240x128xf32, #tpu.memory_space<vmem_shared>>)
        tpu.yield
      }) : () -> ()
      %run_scoped3A_409 = arith.constant 6 : i32
      "tpu.region"() ({
        %run_scoped3A_447 = tpu.sem_alloc : memref<!tpu.dma_semaphore, #tpu.memory_space<semaphore_mem>>
        %dma_start3A_448 = arith.constant 0 : i32
        %dma_start3A_449 = tpu.memref_slice %arg10[%run_scoped3A_409, %dma_start3A_448] : memref<8x128xi32, #tpu.memory_space<vmem>> -> memref<1x128xi32, #tpu.memory_space<vmem>>
        %dma_start3A_450 = tpu.memref_squeeze %dma_start3A_449 : memref<1x128xi32, #tpu.memory_space<vmem>> -> memref<128xi32, #tpu.memory_space<vmem>>
        %dma_start3A_451 = arith.constant 0 : i32
        %dma_start3A_452 = tpu.memref_slice %arg16[%dma_start3A_451] : memref<10240xf32, #tpu.memory_space<vmem_shared>> -> memref<10240xf32, #tpu.memory_space<vmem_shared>>
        tpu.enqueue_indirect_dma source(%arg13 : memref<128xf32, #tpu.memory_space<vmem>>) target(%dma_start3A_452 : memref<10240xf32, #tpu.memory_space<vmem_shared>>) offsets(%dma_start3A_450 : memref<128xi32, #tpu.memory_space<vmem>>) semaphore(%run_scoped3A_447 : memref<!tpu.dma_semaphore, #tpu.memory_space<semaphore_mem>>) {add = true}
        %dma_wait3A_453 = arith.constant 0 : i32
        %dma_wait3A_454 = tpu.memref_slice %arg10[%run_scoped3A_409, %dma_wait3A_453] : memref<8x128xi32, #tpu.memory_space<vmem>> -> memref<1x128xi32, #tpu.memory_space<vmem>>
        %dma_wait3A_455 = tpu.memref_squeeze %dma_wait3A_454 : memref<1x128xi32, #tpu.memory_space<vmem>> -> memref<128xi32, #tpu.memory_space<vmem>>
        %dma_wait3A_456 = arith.constant 0 : i32
        %dma_wait3A_457 = tpu.memref_slice %arg16[%dma_wait3A_456] : memref<10240xf32, #tpu.memory_space<vmem_shared>> -> memref<10240xf32, #tpu.memory_space<vmem_shared>>
        tpu.wait_indirect_dma semaphore(%run_scoped3A_447 : memref<!tpu.dma_semaphore, #tpu.memory_space<semaphore_mem>>) src(%arg13 : memref<128xf32, #tpu.memory_space<vmem>>) dst(%dma_wait3A_457 : memref<10240xf32, #tpu.memory_space<vmem_shared>>)
        tpu.yield
      }) : () -> ()
      %dma_wait3A_410 = arith.constant 7 : i32
      %dma_wait3A_411 = arith.constant 0 : i32
      %dma_wait3A_412 = tpu.memref_slice %arg8[%dma_wait3A_410, %dma_wait3A_411] : memref<8x128xi32, #tpu.memory_space<vmem>> -> memref<1x128xi32, #tpu.memory_space<vmem>>
      %dma_wait3A_413 = tpu.memref_squeeze %dma_wait3A_412 : memref<1x128xi32, #tpu.memory_space<vmem>> -> memref<128xi32, #tpu.memory_space<vmem>>
      %dma_wait3A_414 = arith.constant 0 : i32
      %dma_wait3A_415 = arith.constant 0 : i32
      %dma_wait3A_416 = tpu.memref_slice %arg2[%dma_wait3A_414, %dma_wait3A_415] : memref<10000x128xf32, #tpu.memory_space<hbm>> -> memref<10000x128xf32, #tpu.memory_space<hbm>>
      tpu.wait_indirect_dma semaphore(%arg18 : memref<!tpu.dma_semaphore, #tpu.memory_space<semaphore_mem>>) src(%dma_wait3A_416 : memref<10000x128xf32, #tpu.memory_space<hbm>>) dst(%arg12 : memref<128x128xf32, #tpu.memory_space<vmem>>)
      %run_scoped3A_417 = arith.constant 7 : i32
      "tpu.region"() ({
        %run_scoped3A_447 = tpu.sem_alloc : memref<!tpu.dma_semaphore, #tpu.memory_space<semaphore_mem>>
        %dma_start3A_448 = arith.constant 0 : i32
        %dma_start3A_449 = tpu.memref_slice %arg10[%run_scoped3A_417, %dma_start3A_448] : memref<8x128xi32, #tpu.memory_space<vmem>> -> memref<1x128xi32, #tpu.memory_space<vmem>>
        %dma_start3A_450 = tpu.memref_squeeze %dma_start3A_449 : memref<1x128xi32, #tpu.memory_space<vmem>> -> memref<128xi32, #tpu.memory_space<vmem>>
        %dma_start3A_451 = arith.constant 0 : i32
        %dma_start3A_452 = arith.constant 0 : i32
        %dma_start3A_453 = tpu.memref_slice %arg15[%dma_start3A_451, %dma_start3A_452] : memref<10240x128xf32, #tpu.memory_space<vmem_shared>> -> memref<10240x128xf32, #tpu.memory_space<vmem_shared>>
        tpu.enqueue_indirect_dma source(%arg12 : memref<128x128xf32, #tpu.memory_space<vmem>>) target(%dma_start3A_453 : memref<10240x128xf32, #tpu.memory_space<vmem_shared>>) offsets(%dma_start3A_450 : memref<128xi32, #tpu.memory_space<vmem>>) semaphore(%run_scoped3A_447 : memref<!tpu.dma_semaphore, #tpu.memory_space<semaphore_mem>>) {add = true}
        %dma_wait3A_454 = arith.constant 0 : i32
        %dma_wait3A_455 = tpu.memref_slice %arg10[%run_scoped3A_417, %dma_wait3A_454] : memref<8x128xi32, #tpu.memory_space<vmem>> -> memref<1x128xi32, #tpu.memory_space<vmem>>
        %dma_wait3A_456 = tpu.memref_squeeze %dma_wait3A_455 : memref<1x128xi32, #tpu.memory_space<vmem>> -> memref<128xi32, #tpu.memory_space<vmem>>
        %dma_wait3A_457 = arith.constant 0 : i32
        %dma_wait3A_458 = arith.constant 0 : i32
        %dma_wait3A_459 = tpu.memref_slice %arg15[%dma_wait3A_457, %dma_wait3A_458] : memref<10240x128xf32, #tpu.memory_space<vmem_shared>> -> memref<10240x128xf32, #tpu.memory_space<vmem_shared>>
        tpu.wait_indirect_dma semaphore(%run_scoped3A_447 : memref<!tpu.dma_semaphore, #tpu.memory_space<semaphore_mem>>) src(%arg12 : memref<128x128xf32, #tpu.memory_space<vmem>>) dst(%dma_wait3A_459 : memref<10240x128xf32, #tpu.memory_space<vmem_shared>>)
        tpu.yield
      }) : () -> ()
      %run_scoped3A_418 = arith.constant 7 : i32
      "tpu.region"() ({
        %run_scoped3A_447 = tpu.sem_alloc : memref<!tpu.dma_semaphore, #tpu.memory_space<semaphore_mem>>
        %dma_start3A_448 = arith.constant 0 : i32
        %dma_start3A_449 = tpu.memref_slice %arg10[%run_scoped3A_418, %dma_start3A_448] : memref<8x128xi32, #tpu.memory_space<vmem>> -> memref<1x128xi32, #tpu.memory_space<vmem>>
        %dma_start3A_450 = tpu.memref_squeeze %dma_start3A_449 : memref<1x128xi32, #tpu.memory_space<vmem>> -> memref<128xi32, #tpu.memory_space<vmem>>
        %dma_start3A_451 = arith.constant 0 : i32
        %dma_start3A_452 = tpu.memref_slice %arg16[%dma_start3A_451] : memref<10240xf32, #tpu.memory_space<vmem_shared>> -> memref<10240xf32, #tpu.memory_space<vmem_shared>>
        tpu.enqueue_indirect_dma source(%arg13 : memref<128xf32, #tpu.memory_space<vmem>>) target(%dma_start3A_452 : memref<10240xf32, #tpu.memory_space<vmem_shared>>) offsets(%dma_start3A_450 : memref<128xi32, #tpu.memory_space<vmem>>) semaphore(%run_scoped3A_447 : memref<!tpu.dma_semaphore, #tpu.memory_space<semaphore_mem>>) {add = true}
        %dma_wait3A_453 = arith.constant 0 : i32
        %dma_wait3A_454 = tpu.memref_slice %arg10[%run_scoped3A_418, %dma_wait3A_453] : memref<8x128xi32, #tpu.memory_space<vmem>> -> memref<1x128xi32, #tpu.memory_space<vmem>>
        %dma_wait3A_455 = tpu.memref_squeeze %dma_wait3A_454 : memref<1x128xi32, #tpu.memory_space<vmem>> -> memref<128xi32, #tpu.memory_space<vmem>>
        %dma_wait3A_456 = arith.constant 0 : i32
        %dma_wait3A_457 = tpu.memref_slice %arg16[%dma_wait3A_456] : memref<10240xf32, #tpu.memory_space<vmem_shared>> -> memref<10240xf32, #tpu.memory_space<vmem_shared>>
        tpu.wait_indirect_dma semaphore(%run_scoped3A_447 : memref<!tpu.dma_semaphore, #tpu.memory_space<semaphore_mem>>) src(%arg13 : memref<128xf32, #tpu.memory_space<vmem>>) dst(%dma_wait3A_457 : memref<10240xf32, #tpu.memory_space<vmem_shared>>)
        tpu.yield
      }) : () -> ()
      %dma_wait3A_419 = arith.constant 0 : i32
      %dma_wait3A_420 = arith.constant 0 : i32
      %dma_wait3A_421 = tpu.memref_slice %arg3[%dma_wait3A_419, %dma_wait3A_420] : memref<2560x128xi32, #tpu.memory_space<hbm>> -> memref<8x128xi32, #tpu.memory_space<hbm>>
      %dma_wait3A_422 = arith.constant 0 : i32
      %dma_wait3A_423 = arith.constant 0 : i32
      %dma_wait3A_424 = tpu.memref_slice %arg3[%dma_wait3A_422, %dma_wait3A_423] : memref<2560x128xi32, #tpu.memory_space<hbm>> -> memref<8x128xi32, #tpu.memory_space<hbm>>
      tpu.wait_dma2 semaphore(%arg19 : memref<!tpu.dma_semaphore, #tpu.memory_space<semaphore_mem>>) src(%dma_wait3A_424 : memref<8x128xi32, #tpu.memory_space<hbm>>) dst(%arg7 : memref<8x128xi32, #tpu.memory_space<vmem>>)
      %dma_wait3A_425 = arith.constant 0 : i32
      %dma_wait3A_426 = arith.constant 0 : i32
      %dma_wait3A_427 = tpu.memref_slice %arg4[%dma_wait3A_425, %dma_wait3A_426] : memref<2560x128xi32, #tpu.memory_space<hbm>> -> memref<8x128xi32, #tpu.memory_space<hbm>>
      %dma_wait3A_428 = arith.constant 0 : i32
      %dma_wait3A_429 = arith.constant 0 : i32
      %dma_wait3A_430 = tpu.memref_slice %arg4[%dma_wait3A_428, %dma_wait3A_429] : memref<2560x128xi32, #tpu.memory_space<hbm>> -> memref<8x128xi32, #tpu.memory_space<hbm>>
      tpu.wait_dma2 semaphore(%arg19 : memref<!tpu.dma_semaphore, #tpu.memory_space<semaphore_mem>>) src(%dma_wait3A_430 : memref<8x128xi32, #tpu.memory_space<hbm>>) dst(%arg9 : memref<8x128xi32, #tpu.memory_space<vmem>>)
      %add3A_431 = arith.constant 3 : i32
      %add3A_432 = arith.addi %mul3A_136, %add3A_431 : i32
      %min3A_433 = arith.constant 9 : i32
      %min3A_434 = arith.minsi %add3A_432, %min3A_433 : i32
      %mul3A_435 = arith.constant 8 : i32
      %mul3A_436 = arith.muli %min3A_434, %mul3A_435 : i32
      %add3A_437 = arith.addi %mul3A_2, %mul3A_436 : i32
      %dma_start3A_438 = arith.constant 0 : i32
      %dma_start3A_439 = tpu.memref_slice %arg3[%add3A_437, %dma_start3A_438] : memref<2560x128xi32, #tpu.memory_space<hbm>> -> memref<8x128xi32, #tpu.memory_space<hbm>>
      %dma_start3A_440 = arith.constant 0 : i32
      %dma_start3A_441 = tpu.memref_slice %arg3[%add3A_437, %dma_start3A_440] : memref<2560x128xi32, #tpu.memory_space<hbm>> -> memref<8x128xi32, #tpu.memory_space<hbm>>
      tpu.enqueue_dma source(%dma_start3A_441 : memref<8x128xi32, #tpu.memory_space<hbm>>) target(%arg8 : memref<8x128xi32, #tpu.memory_space<vmem>>) target_semaphore(%arg19 : memref<!tpu.dma_semaphore, #tpu.memory_space<semaphore_mem>>)
      %dma_start3A_442 = arith.constant 0 : i32
      %dma_start3A_443 = tpu.memref_slice %arg4[%add3A_437, %dma_start3A_442] : memref<2560x128xi32, #tpu.memory_space<hbm>> -> memref<8x128xi32, #tpu.memory_space<hbm>>
      %dma_start3A_444 = arith.constant 0 : i32
      %dma_start3A_445 = tpu.memref_slice %arg4[%add3A_437, %dma_start3A_444] : memref<2560x128xi32, #tpu.memory_space<hbm>> -> memref<8x128xi32, #tpu.memory_space<hbm>>
      tpu.enqueue_dma source(%dma_start3A_445 : memref<8x128xi32, #tpu.memory_space<hbm>>) target(%arg10 : memref<8x128xi32, #tpu.memory_space<vmem>>) target_semaphore(%arg19 : memref<!tpu.dma_semaphore, #tpu.memory_space<semaphore_mem>>)
      %scan3A_446 = arith.constant 0 : i32
      scf.yield %scan3A_446 : i32
    }
    %scan3A_119 = arith.constant 5 : i32
    %dma_wait3A_120 = arith.constant 0 : i32
    %dma_wait3A_121 = arith.constant 0 : i32
    %dma_wait3A_122 = tpu.memref_slice %arg3[%dma_wait3A_120, %dma_wait3A_121] : memref<2560x128xi32, #tpu.memory_space<hbm>> -> memref<8x128xi32, #tpu.memory_space<hbm>>
    %dma_wait3A_123 = arith.constant 0 : i32
    %dma_wait3A_124 = arith.constant 0 : i32
    %dma_wait3A_125 = tpu.memref_slice %arg3[%dma_wait3A_123, %dma_wait3A_124] : memref<2560x128xi32, #tpu.memory_space<hbm>> -> memref<8x128xi32, #tpu.memory_space<hbm>>
    tpu.wait_dma2 semaphore(%arg19 : memref<!tpu.dma_semaphore, #tpu.memory_space<semaphore_mem>>) src(%dma_wait3A_125 : memref<8x128xi32, #tpu.memory_space<hbm>>) dst(%arg8 : memref<8x128xi32, #tpu.memory_space<vmem>>)
    %dma_wait3A_126 = arith.constant 0 : i32
    %dma_wait3A_127 = arith.constant 0 : i32
    %dma_wait3A_128 = tpu.memref_slice %arg4[%dma_wait3A_126, %dma_wait3A_127] : memref<2560x128xi32, #tpu.memory_space<hbm>> -> memref<8x128xi32, #tpu.memory_space<hbm>>
    %dma_wait3A_129 = arith.constant 0 : i32
    %dma_wait3A_130 = arith.constant 0 : i32
    %dma_wait3A_131 = tpu.memref_slice %arg4[%dma_wait3A_129, %dma_wait3A_130] : memref<2560x128xi32, #tpu.memory_space<hbm>> -> memref<8x128xi32, #tpu.memory_space<hbm>>
    tpu.wait_dma2 semaphore(%arg19 : memref<!tpu.dma_semaphore, #tpu.memory_space<semaphore_mem>>) src(%dma_wait3A_131 : memref<8x128xi32, #tpu.memory_space<hbm>>) dst(%arg10 : memref<8x128xi32, #tpu.memory_space<vmem>>)
    %barrier3A_132 = arith.constant 0 : index
    tpu.barrier barrier_id(%barrier3A_132)
    "tpu.region"() ({
      %run_scoped3A = tpu.sem_alloc : memref<!tpu.dma_semaphore, #tpu.memory_space<semaphore_mem>>
      %dma_start3A_133 = arith.constant 0 : i32
      %dma_start3A_134 = tpu.memref_slice %arg5[%arg0, %mul3A_65, %dma_start3A_133] : memref<2x10240x128xf32, #tpu.memory_space<hbm>> -> memref<1x640x128xf32, #tpu.memory_space<hbm>>
      %dma_start3A_135 = tpu.memref_squeeze %dma_start3A_134 : memref<1x640x128xf32, #tpu.memory_space<hbm>> -> memref<640x128xf32, #tpu.memory_space<hbm>>
      %dma_start3A_136 = arith.constant 0 : i32
      %dma_start3A_137 = tpu.memref_slice %arg15[%mul3A_65, %dma_start3A_136] : memref<10240x128xf32, #tpu.memory_space<vmem_shared>> -> memref<640x128xf32, #tpu.memory_space<vmem_shared>>
      tpu.enqueue_dma source(%dma_start3A_137 : memref<640x128xf32, #tpu.memory_space<vmem_shared>>) target(%dma_start3A_135 : memref<640x128xf32, #tpu.memory_space<hbm>>) target_semaphore(%run_scoped3A : memref<!tpu.dma_semaphore, #tpu.memory_space<semaphore_mem>>)
      %dma_wait3A_138 = arith.constant 0 : i32
      %dma_wait3A_139 = tpu.memref_slice %arg5[%arg0, %mul3A_65, %dma_wait3A_138] : memref<2x10240x128xf32, #tpu.memory_space<hbm>> -> memref<1x640x128xf32, #tpu.memory_space<hbm>>
      %dma_wait3A_140 = tpu.memref_squeeze %dma_wait3A_139 : memref<1x640x128xf32, #tpu.memory_space<hbm>> -> memref<640x128xf32, #tpu.memory_space<hbm>>
      %dma_wait3A_141 = arith.constant 0 : i32
      %dma_wait3A_142 = tpu.memref_slice %arg15[%mul3A_65, %dma_wait3A_141] : memref<10240x128xf32, #tpu.memory_space<vmem_shared>> -> memref<640x128xf32, #tpu.memory_space<vmem_shared>>
      tpu.wait_dma2 semaphore(%run_scoped3A : memref<!tpu.dma_semaphore, #tpu.memory_space<semaphore_mem>>) src(%dma_wait3A_142 : memref<640x128xf32, #tpu.memory_space<vmem_shared>>) dst(%dma_wait3A_140 : memref<640x128xf32, #tpu.memory_space<hbm>>)
      tpu.yield
    }) : () -> ()
    "tpu.region"() ({
      %run_scoped3A = tpu.sem_alloc : memref<!tpu.dma_semaphore, #tpu.memory_space<semaphore_mem>>
      %dma_start3A_133 = tpu.memref_slice %arg6[%arg0, %mul3A_65] : memref<2x10240xf32, #tpu.memory_space<hbm>> -> memref<1x640xf32, #tpu.memory_space<hbm>>
      %dma_start3A_134 = tpu.memref_squeeze %dma_start3A_133 : memref<1x640xf32, #tpu.memory_space<hbm>> -> memref<640xf32, #tpu.memory_space<hbm>>
      %dma_start3A_135 = tpu.memref_slice %arg16[%mul3A_65] : memref<10240xf32, #tpu.memory_space<vmem_shared>> -> memref<640xf32, #tpu.memory_space<vmem_shared>>
      tpu.enqueue_dma source(%dma_start3A_135 : memref<640xf32, #tpu.memory_space<vmem_shared>>) target(%dma_start3A_134 : memref<640xf32, #tpu.memory_space<hbm>>) target_semaphore(%run_scoped3A : memref<!tpu.dma_semaphore, #tpu.memory_space<semaphore_mem>>)
      %dma_wait3A_136 = tpu.memref_slice %arg6[%arg0, %mul3A_65] : memref<2x10240xf32, #tpu.memory_space<hbm>> -> memref<1x640xf32, #tpu.memory_space<hbm>>
      %dma_wait3A_137 = tpu.memref_squeeze %dma_wait3A_136 : memref<1x640xf32, #tpu.memory_space<hbm>> -> memref<640xf32, #tpu.memory_space<hbm>>
      %dma_wait3A_138 = tpu.memref_slice %arg16[%mul3A_65] : memref<10240xf32, #tpu.memory_space<vmem_shared>> -> memref<640xf32, #tpu.memory_space<vmem_shared>>
      tpu.wait_dma2 semaphore(%run_scoped3A : memref<!tpu.dma_semaphore, #tpu.memory_space<semaphore_mem>>) src(%dma_wait3A_138 : memref<640xf32, #tpu.memory_space<vmem_shared>>) dst(%dma_wait3A_137 : memref<640xf32, #tpu.memory_space<hbm>>)
      tpu.yield
    }) : () -> ()
    return
  }
}

module attributes {stable_mosaic.version = 14 : i64} {
  func.func @_tc_body(%arg0: i32, %arg1: memref<1024x128xf32, #tpu.memory_space<vmem>>, %arg2: memref<128x128xf32, #tpu.memory_space<vmem>>, %arg3: memref<2x1024x128xf32, #tpu.memory_space<vmem>>, %arg4: memref<2x10240xf32, #tpu.memory_space<vmem>>, %arg5: memref<1024x256xf32, #tpu.memory_space<vmem>>) attributes {dimension_semantics = [#tpu.dimension_semantics<arbitrary>], iteration_bounds = array<i64: 10>, scalar_prefetch = 0 : i64, scratch_operands = 0 : i64, tpu.core_type = #tpu.core_type<tc>, window_params = [{transform_indices = @transform_0, window_bounds = array<i64: 1024, 128>}, {pipeline_mode = #tpu.pipeline_mode<synchronous>, transform_indices = @transform_1, window_bounds = array<i64: 128, 128>}, {transform_indices = @transform_2, window_bounds = array<i64: 2, 1024, 128>}, {pipeline_mode = #tpu.pipeline_mode<synchronous>, transform_indices = @transform_3, window_bounds = array<i64: 2, 10240>}, {transform_indices = @transform_4, window_bounds = array<i64: 1024, 256>}]} {
    %get3A = arith.constant 0 : index
    %get3A_0 = arith.constant 0 : index
    %get3A_1 = vector.load %arg2[%get3A, %get3A_0] : memref<128x128xf32, #tpu.memory_space<vmem>>, vector<128x128xf32>
    %get3A_2 = arith.constant 0 : index
    %get3A_3 = arith.constant 0 : index
    %get3A_4 = vector.load %arg1[%get3A_2, %get3A_3] : memref<1024x128xf32, #tpu.memory_space<vmem>>, vector<1024x128xf32>
    %dot_general3A = arith.constant dense<0.000000e+00> : vector<1024x128xf32>
    %dot_general3A_5 = tpu.matmul %get3A_4, %get3A_1, %dot_general3A {dimension_numbers = #tpu.dot_dimension_numbers<[1], [0], [0], [1], [0, 0, 1, 1], [], []>, transpose_lhs_hint = false} : vector<1024x128xf32>, vector<128x128xf32>, vector<1024x128xf32> -> vector<1024x128xf32>
    %get3A_6 = arith.constant 0 : index
    %get3A_7 = arith.constant 0 : index
    %get3A_8 = arith.constant 0 : index
    %get3A_9 = vector.load %arg3[%get3A_6, %get3A_7, %get3A_8] : memref<2x1024x128xf32, #tpu.memory_space<vmem>>, vector<1x1024x128xf32>
    %get3A_10 = vector.shape_cast %get3A_9 : vector<1x1024x128xf32> to vector<1024x128xf32>
    %get3A_11 = arith.constant 1 : index
    %get3A_12 = arith.constant 0 : index
    %get3A_13 = arith.constant 0 : index
    %get3A_14 = vector.load %arg3[%get3A_11, %get3A_12, %get3A_13] : memref<2x1024x128xf32, #tpu.memory_space<vmem>>, vector<1x1024x128xf32>
    %get3A_15 = vector.shape_cast %get3A_14 : vector<1x1024x128xf32> to vector<1024x128xf32>
    %add3A = arith.addf %get3A_10, %get3A_15 : vector<1024x128xf32>
    %mul3A = arith.constant 1024 : i32
    %mul3A_16 = arith.muli %arg0, %mul3A : i32
    %get3A_17 = arith.constant 0 : index
    %get3A_18 = arith.index_cast %mul3A_16 : i32 to index
    %get3A_19 = vector.load %arg4[%get3A_17, %get3A_18] : memref<2x10240xf32, #tpu.memory_space<vmem>>, vector<1x1024xf32>
    %get3A_20 = vector.shape_cast %get3A_19 : vector<1x1024xf32> to vector<1024xf32>
    %mul3A_21 = arith.constant 1024 : i32
    %mul3A_22 = arith.muli %arg0, %mul3A_21 : i32
    %get3A_23 = arith.constant 1 : index
    %get3A_24 = arith.index_cast %mul3A_22 : i32 to index
    %get3A_25 = vector.load %arg4[%get3A_23, %get3A_24] : memref<2x10240xf32, #tpu.memory_space<vmem>>, vector<1x1024xf32>
    %get3A_26 = vector.shape_cast %get3A_25 : vector<1x1024xf32> to vector<1024xf32>
    %add3A_27 = arith.addf %get3A_20, %get3A_26 : vector<1024xf32>
    %max3A = arith.constant 1.000000e+00 : f32
    %max3A_28 = vector.broadcast %max3A : f32 to vector<1024xf32>
    %max3A_29 = arith.maximumf %add3A_27, %max3A_28 : vector<1024xf32>
    %broadcast_in_dim3A = vector.shape_cast %max3A_29 : vector<1024xf32> to vector<1024x1xf32>
    %div3A = vector.broadcast %broadcast_in_dim3A : vector<1024x1xf32> to vector<1024x128xf32>
    %div3A_30 = arith.divf %add3A, %div3A : vector<1024x128xf32>
    %dot_general3A_31 = arith.constant dense<0.000000e+00> : vector<1024x128xf32>
    %dot_general3A_32 = tpu.matmul %div3A_30, %get3A_1, %dot_general3A_31 {dimension_numbers = #tpu.dot_dimension_numbers<[1], [0], [0], [1], [0, 0, 1, 1], [], []>, transpose_lhs_hint = false} : vector<1024x128xf32>, vector<128x128xf32>, vector<1024x128xf32> -> vector<1024x128xf32>
    %max3A_33 = arith.constant 0.000000e+00 : f32
    %max3A_34 = vector.broadcast %max3A_33 : f32 to vector<1024x128xf32>
    %max3A_35 = arith.maximumf %dot_general3A_5, %max3A_34 : vector<1024x128xf32>
    %swap3A = arith.constant 0 : index
    %swap3A_36 = arith.constant 0 : index
    %swap3A_37 = vector.load %arg5[%swap3A, %swap3A_36] : memref<1024x256xf32, #tpu.memory_space<vmem>>, vector<1024x128xf32>
    tpu.vector_store %arg5[%swap3A, %swap3A_36], %max3A_35 {strides = array<i32>} : memref<1024x256xf32, #tpu.memory_space<vmem>>, vector<1024x128xf32>,
    %max3A_38 = arith.constant 0.000000e+00 : f32
    %max3A_39 = vector.broadcast %max3A_38 : f32 to vector<1024x128xf32>
    %max3A_40 = arith.maximumf %dot_general3A_32, %max3A_39 : vector<1024x128xf32>
    %swap3A_41 = arith.constant 0 : index
    %swap3A_42 = arith.constant 128 : index
    %swap3A_43 = vector.load %arg5[%swap3A_41, %swap3A_42] : memref<1024x256xf32, #tpu.memory_space<vmem>>, vector<1024x128xf32>
    tpu.vector_store %arg5[%swap3A_41, %swap3A_42], %max3A_40 {strides = array<i32>} : memref<1024x256xf32, #tpu.memory_space<vmem>>, vector<1024x128xf32>,
    return
  }
  func.func @transform_0(%arg0: i32) -> (i32, i32) {
    %c0_i32 = arith.constant 0 : i32
    %c0_i32_0 = arith.constant 0 : i32
    return %arg0, %c0_i32 : i32, i32
  }
  func.func @transform_1(%arg0: i32) -> (i32, i32) {
    %c0_i32 = arith.constant 0 : i32
    %c0_i32_0 = arith.constant 0 : i32
    %c0_i32_1 = arith.constant 0 : i32
    return %c0_i32, %c0_i32_0 : i32, i32
  }
  func.func @transform_2(%arg0: i32) -> (i32, i32, i32) {
    %c0_i32 = arith.constant 0 : i32
    %c0_i32_0 = arith.constant 0 : i32
    %c0_i32_1 = arith.constant 0 : i32
    return %c0_i32, %arg0, %c0_i32_0 : i32, i32, i32
  }
  func.func @transform_3(%arg0: i32) -> (i32, i32) {
    %c0_i32 = arith.constant 0 : i32
    %c0_i32_0 = arith.constant 0 : i32
    %c0_i32_1 = arith.constant 0 : i32
    return %c0_i32, %c0_i32_0 : i32, i32
  }
  func.func @transform_4(%arg0: i32) -> (i32, i32) {
    %c0_i32 = arith.constant 0 : i32
    %c0_i32_0 = arith.constant 0 : i32
    return %arg0, %c0_i32 : i32, i32
  }
}

</mosaic_0001>

<sc_bundles>
// kernel: kernel.4.cloned.1.call-start
scs
__scs_entry_jumppad:
0x0: {  	(pc) =	sbr.rel $0x88, $3  }
0x1: {  	(tag) =	ssettag $0x0;
	lr =	simm.s32 $0x1  }
0x2: {  	[smem:$0x3F9E] =	sst lr;
	_ =	strace $0xD0000000  }
0x3: {  	_ = 	snop  }
0x4: {  	_ = 	snop  }
0x5: {  	_ = 	snop  }
0x6: {  	_ = 	snop  }
0x7: {  	_ = 	snop  }
__scs_overlays_trampoline_lowered:
0x8: {  	[smem:$0x3FAD] =	sst s0  }
0x9: {  	[smem:$0x3FAE] =	sst s1  }
0xa: {  	[smem:$0x3FAF] =	sst s2  }
0xb: {  	[smem:$0x3FB0] =	sst s3  }
0xc: {  	[smem:$0x3FB1] =	sst s4  }
0xd: {  	[smem:$0x3FB2] =	sst s5  }
0xe: {  	[smem:$0x3FB3] =	sst s6  }
0xf: {  	[smem:$0x3FB4] =	sst s7  }
0x10: {  	[smem:$0x3FB5] =	sst s8  }
0x11: {  	[smem:$0x3FB6] =	sst s9;
	s0 =	simm.s32 @!p0 $0x0  }
0x12: {  	s1 =	sld [smem:$0x3F9C];
	s0 =	simm.s32 @p0 $0x1  }
0x13: {  	[smem:$0x3FB7] =	sst s0;
	s0 =	simm.s32 @!p1 $0x0  }
0x14: {  	s2 =	sld [smem:$0x3F9B];
	s0 =	simm.s32 @p1 $0x1  }
0x15: {  	[smem:$0x3FB8] =	sst s0;
	s0 =	simm.s32 @!p2 $0x0  }
0x16: {  	s3 =	sld [smem:$0x3FDB];
	s0 =	simm.s32 @p2 $0x1  }
0x17: {  	s4 =	simm.s32 $0x1BF5;
	[smem:$0x3FBA] =	sst s0  }
0x18: {  	s0 =	sld [smem:$0x3F9D];
	_ =	swait.ge [sflag:s4], $0x0  }
0x19: {  	s7 =	sld [smem:$0x3F9E]  }
0x1a: {  	s8 =	sadd.s32 $0xFFFFE003, lr  }
0x1b: {  	s9 =	sadd.s32 $0xFFFFFEF7, lr;
	s5 =	simm.s32 $0xFFFFFFFF;
	p2 =	slt.u32 s8, $0xFFFFF086  }
0x1c: {  	p1 =	slt.u32 s9, $0xF7A;
	s5 =	simm.s32 @!p2 $0x0  }
0x1d: {  	s5 =	simm.s32 @p1 $0x1;
	p0 =	seq.s32 s7, s2  }
0x1e: {  	s7 =	smul.u32 @!p0 $0xF7A, s2;
	p2 =	seq.s32 @!p0 s5, $0x0  }
0x1f: {  	s9 =	smul.u32 $0xF7A, s1;
	s8 =	simm.s32 @!p0 $0x1BF5;
	p2 =	por !p2, p0  }
0x20: {  	[sflag:s8] =	ssyncset.s32 @!p0 $0xFFFFF086;
	s6 =	sadd.s32 @!p0 s3, s7;
	s7 =	simm.s32 @!p0 $0x108  }
0x21: {  	s3 =	sadd.s32 s3, s9;
	s6 =	sadd.s32 @!p0 $0x88, s6;
	s7 =	simm.s32 @p2 $0x1082  }
0x22: {  	[simem:s7], [sflag:s8] =	dma.local @!p0 [hbm:s6], $0xF7A  }
0x23: {  	s9 =	sor.u32 $0xD0000000, s2;
	s6 =	simm.s32 $0x108;
	_ =	swait.ge @!p0 [sflag:s8], $0x0  }
0x24: {  	s3 =	sadd.s32 $0x88, s3;
	s6 =	simm.s32 @!p1 $0x1082;
	[sflag:s4] =	ssyncset.s32 $0xFFFFF086  }
0x25: {  	[simem:s6], [sflag:s4] =	dma.local [hbm:s3], $0xF7A  }
0x26: {  	[smem:$0x3F9E] =	sst s1;
	(tag) =	ssettag s2;
	_ =	strace s9  }
0x27: {  	s1 =	sld [smem:$0x3FAE]  }
0x28: {  	s2 =	sld [smem:$0x3FAF]  }
0x29: {  	s4 =	sld [smem:$0x3FB1]  }
0x2a: {  	p0 =	seq.s32 s5, $0x0;
	s5 =	sld [smem:$0x3FB2]  }
0x2b: {  	s6 =	sld [smem:$0x3FB3]  }
0x2c: {  	s7 =	sld [smem:$0x3FB4]  }
0x2d: {  	s3 =	simm.s32 $0x108;
	s8 =	sld [smem:$0x3FB5]  }
0x2e: {  	s3 =	simm.s32 @!p0 $0x1082;
	s9 =	sld [smem:$0x3FB6]  }
0x2f: {  	lr =	sadd.s32 s0, s3;
	s0 =	sld [smem:$0x3FAD]  }
0x30: {  	s3 =	sld [smem:$0x3FB0]  }
0x31: {  	[smem:$0x3FB9] =	sst s10  }
0x32: {  	s10 =	sld [smem:$0x3FB7];
	_ =	sdelay $0x3  }
0x33: {  	p0 =	seq.s32 s10, $0x1;
	s10 =	sld [smem:$0x3FB9];
	_ =	sdelay $0x3  }
0x34: {  	[smem:$0x3FB9] =	sst s10  }
0x35: {  	s10 =	sld [smem:$0x3FB8];
	_ =	sdelay $0x3  }
0x36: {  	p1 =	seq.s32 s10, $0x1;
	s10 =	sld [smem:$0x3FB9];
	_ =	sdelay $0x3  }
0x37: {  	[smem:$0x3FB9] =	sst s10  }
0x38: {  	s10 =	sld [smem:$0x3FBA]  }
0x39: {  	_ = 	snop;
	(pc) =	sbr.ind lr, $3  }
0x3a: {  	_ = 	snop  }
0x3b: {  	_ = 	snop  }
0x3c: {  	p2 =	seq.s32 s10, $0x1;
	s10 =	sld [smem:$0x3FB9]  }
0x3d: {  	_ =	shalt  }
0x3e: {  	_ =	shalt  }
0x3f: {  	_ =	shalt  }
0x40: {  	_ =	shalt  }
0x41: {  	_ =	shalt  }
0x42: {  	_ =	shalt  }
0x43: {  	_ =	shalt  }
0x44: {  	_ =	shalt  }
0x45: {  	_ =	shalt  }
0x46: {  	_ =	shalt  }
0x47: {  	_ =	shalt  }
0x48: {  	_ =	shalt  }
0x49: {  	_ =	shalt  }
0x4a: {  	_ =	shalt  }
0x4b: {  	_ =	shalt  }
0x4c: {  	_ =	shalt  }
0x4d: {  	_ =	shalt  }
0x4e: {  	_ =	shalt  }
0x4f: {  	_ =	shalt  }
0x50: {  	_ =	shalt  }
0x51: {  	_ =	shalt  }
0x52: {  	_ =	shalt  }
0x53: {  	_ =	shalt  }
0x54: {  	_ =	shalt  }
0x55: {  	_ =	shalt  }
0x56: {  	_ =	shalt  }
0x57: {  	_ =	shalt  }
0x58: {  	_ =	shalt  }
0x59: {  	_ =	shalt  }
0x5a: {  	_ =	shalt  }
0x5b: {  	_ =	shalt  }
0x5c: {  	_ =	shalt  }
0x5d: {  	_ =	shalt  }
0x5e: {  	_ =	shalt  }
0x5f: {  	_ =	shalt  }
0x60: {  	_ =	shalt  }
0x61: {  	_ =	shalt  }
0x62: {  	_ =	shalt  }
0x63: {  	_ =	shalt  }
0x64: {  	_ =	shalt  }
0x65: {  	_ =	shalt  }
0x66: {  	_ =	shalt  }
0x67: {  	_ =	shalt  }
0x68: {  	_ =	shalt  }
0x69: {  	_ =	shalt  }
0x6a: {  	_ =	shalt  }
0x6b: {  	_ =	shalt  }
0x6c: {  	_ =	shalt  }
0x6d: {  	_ =	shalt  }
0x6e: {  	_ =	shalt  }
0x6f: {  	_ =	shalt  }
0x70: {  	_ =	shalt  }
0x71: {  	_ =	shalt  }
0x72: {  	_ =	shalt  }
0x73: {  	_ =	shalt  }
0x74: {  	_ =	shalt  }
0x75: {  	_ =	shalt  }
0x76: {  	_ =	shalt  }
0x77: {  	_ =	shalt  }
0x78: {  	_ =	shalt  }
0x79: {  	_ =	shalt  }
0x7a: {  	_ =	shalt  }
0x7b: {  	_ =	shalt  }
0x7c: {  	_ =	shalt  }
0x7d: {  	_ =	shalt  }
0x7e: {  	_ =	shalt  }
0x7f: {  	_ =	shalt  }
0x80: {  	_ =	shalt  }
0x81: {  	_ =	shalt  }
0x82: {  	_ =	shalt  }
0x83: {  	_ =	shalt  }
0x84: {  	_ =	shalt  }
0x85: {  	_ =	shalt  }
0x86: {  	_ =	shalt  }
0x87: {  	_ =	shalt  }
.Lfunc_end0:
.L_simem_size_0:
called_computation_lowered:
.L_overlay_start_0:
0x88: {  	s2 =	sld [smem:$0x3FD9]  }
0x89: {  	s3 =	sld [smem:$0x3FFE];
	_ =	sdelay $0x1  }
0x8a: {  	s1 =	srdreg.scid  }
0x8b: {  	s0 =	sand.u32 $0x1, s1  }
0x8c: {  	s17 =	sshll.u32 s0, $0xA;
	s2 =	sadd.s32 s3, s2  }
0x8d: {  	s2 =	sadd.s32 s2, s17  }
0x8e: {  	[smem:$0x3FC5] =	sst s2  }
0x8f: {  	_ = 	snop  }
0x90: {  	s2 =	sld [smem:$0x3FC9]  }
0x91: {  	s18 =	sld [smem:$0x3FD0];
	(tm) =	ssettm $0x1  }
0x92: {  	s4 =	sld [smem:$0x3FFB];
	_ =	sdelay $0x3  }
0x93: {  	_ =	strace s4  }
0x94: {  	s4 =	sld [smem:$0x3FFC];
	_ =	sdelay $0x3  }
0x95: {  	_ =	strace s4  }
0x96: {  	s4 =	sld [smem:$0x3FFD];
	_ =	sdelay $0x3  }
0x97: {  	_ =	strace s4  }
0x98: {  	_ =	strace $0x8FFFFFFF  }
0x99: {  	s19 =	sld [smem:$0x3FDB];
	_ =	sdelay $0x1  }
0x9a: {  	s5 =	simm.s32 $_scs_section_size  }
0x9b: {  	s6 =	simm.s32 $_size__tile_overlayer_lowered;
	s7 =	simm.s32 $_tile_overlayer_lowered  }
0x9c: {  	s22 =	simm.s32 $0x1BFF;
	s21 =	sshll.u32 s7, $0x1;
	s4 =	sadd.s32 s5, s19  }
0x9d: {  	s8 =	simm.s32 $0x0;
	s20 =	sshll.u32 s6, $0x1;
	s6 =	sadd.s32 s21, s4  }
0x9e: {  	[timem:s8], [sflag:s22] =	dma.local [hbm:s6], s20  }
0x9f: {  	_ =	swait.ge [sflag:s22], s20  }
0xa0: {  	s5 =	ssub.s32 $0x0, s20;
	[sflag:s22] =	ssyncset.done $0x0  }
0xa1: {  	[sflag:s22] =	ssyncadd.s32 s5;
	_ =	sdelay $0x1  }
0xa2: {  	s23 =	simm.s32 $0x1B8B  }
0xa3: {  	_ =	swait.ge [sflag:s23], $0x1  }
0xa4: {  	[sflag:s23] =	ssyncset.done $0x0  }
0xa5: {  	s25 =	simm.s32 $0x1B8E;
	s24 =	sld [smem:$0x3FFE];
	[sflag:s23] =	ssyncadd.s32 $0xFFFFFFFF  }
0xa6: {  	s26 =	simm.s32 $execute0_lowered;
	[smem:$0x3FD2] =	sst s25  }
0xa7: {  	s6 =	sshll.u32 s26, $0x1;
	_ =	strace $0x80000046;
	[dreg:$0x1] =	wrdreg $0xFFFFFFFF  }
0xa8: {  	s28 =	simm.s32 $_size_execute0_lowered;
	s4 =	sadd.s32 s4, s6;
	[dreg:$0x0] =	wrdreg $0x0  }
0xa9: {  	s6 =	sshll.u32 s28, $0x1;
	[dreg:$0x2] =	wrdreg s4  }
0xaa: {  	[dreg:$0x3] =	wrdreg s6  }
0xab: {  	[dreg:$0x4] =	wrdreg $0xC0  }
0xac: {  	_ =	task [dreg:s8], $0x5FFFF  }
0xad: {  	[dreg:$0x1] =	wrdreg $0xFFFFFFFF  }
0xae: {  	[dreg:$0x0] =	wrdreg $0x60  }
0xaf: {  	[dreg:$0x2] =	wrdreg s2  }
0xb0: {  	[dreg:$0x3] =	wrdreg s18  }
0xb1: {  	[dreg:$0x4] =	wrdreg s24  }
0xb2: {  	[dreg:$0x5] =	wrdreg $0x93000  }
0xb3: {  	[dreg:$0x6] =	wrdreg $0x1D3000  }
0xb4: {  	[dreg:$0x7] =	wrdreg $0x9  }
0xb5: {  	_ =	task.clear_ibuf [dreg:s8], $0x8FFFF;
	_ =	strace $0x90000046  }
0xb6: {  	s29 =	simm.s32 $0x9;
	_ =	strace $0x80000048  }
0xb7: {  	_ =	swait.ge [sflag:s29], $0x1  }
0xb8: {  	[sflag:s29] =	ssyncadd.s32 $0xFFFFFFFF  }
0xb9: {  	_ =	strace $0x90000048  }
0xba: {  	_ =	sfence  }
0xbb: {  	s30 =	sld [smem:$0x0];
	_ =	sdelay $0x2  }
0xbc: {  	s31 =	sshll.u32 s1, $0xD;
	s1 =	sshrl.u32 s1, $0x2  }
0xbd: {  	s3 =	sand.u32 $0x4000, s31;
	s1 =	sadd.s32 s1, s30  }
0xbe: {  	s0 =	sor.u32 s3, s0;
	s1 =	sshll.u32 s1, $0x11  }
0xbf: {  	s0 =	sor.u32 s1, s0  }
0xc0: {  	s0 =	sadd.s32 $0x8F2B, s0  }
0xc1: {  	[sflag:s0] =	ssyncadd.remote.s32 $0x1  }
0xc2: {  	_ =	sfence.sel $0xFFFF  }
0xc3: {  	[dreg:$0x0] =	wrdreg $0xFFFFFFFF;
	(pc) =	sbr.abs _section_cstart, $3  }
0xc4: {  	[dreg:$0x1] =	wrdreg $0xFFFFFFFF  }
0xc5: {  	_ =	task.clear_ibuf [dreg:s8], $0x2FFFF;
	_ =	strace $0x9FFFFFFF  }
0xc6: {  	(tm) =	ssettm $0x7FFFFFFF  }
0xc7: {  	_ =	shalt  }
tec
execute0_lowered:
.L_overlay_start_1:
0x0: {  	(tag) =	ssettag $0x1  }
0x1: {  	s0 =	rddreg [dreg:$0x0]  }
0x2: {  	s12 =	rddreg [dreg:$0x1]  }
0x3: {  	s1 =	rddreg [dreg:$0x2]  }
0x4: {  	s4 =	rddreg [dreg:$0x3]  }
0x5: {  	s2 =	srdreg.scid;
	s5 =	rddreg [dreg:$0x4]  }
0x6: {  	s13 =	stileid.u32;
	s6 =	simm.s32 $0x0;
	s24 =	simm.s32 $0x100  }
0x7: {  	s25 =	simm.s32 $0x180;
	s28 =	simm.s32 $0xC00;
	s7 =	smul.u32 $0x14000, s13  }
0x8: {  	s29 =	simm.s32 $0x80;
	s30 =	simm.s32 $0x1;
	s8 =	smul.u32 $0x500, s13  }
0x9: {  	s31 =	simm.s32 $0x5000;
	s2 =	sand.u32 $0x1, s2;
	s15 =	smul.u32 $0x50000, s13  }
0xa: {  	[smem:$0x7FF] =	sst s6;
	s10 =	sshll.u32 s13, $0x1;
	s21 =	smul.u32 $0xA00, s13  }
0xb: {  	s13 =	simm.s32 $0x200;
	_ =	strace $0x80000047;
	[dreg:$0x8] =	wrdreg s24  }
0xc: {  	s3 =	smul.u32 $0x140000, s2;
	s9 =	sshll.u32 s2, $0x7;
	[dreg:$0x9] =	wrdreg s25  }
0xd: {  	s16 =	ssub.s32 $0x2, s2;
	s2 =	sor.u32 s2, s10;
	[dreg:$0xa] =	wrdreg s13  }
0xe: {  	s24 =	simm.s32 $0x680;
	s25 =	simm.s32 $0x700;
	s13 =	simm.s32 $0xD00  }
0xf: {  	s8 =	sor.u32 s9, s8;
	s11 =	sshrl.u32 s16, $0x1;
	s9 =	sshrl.u32 s15, $0x2  }
0x10: {  	s18 =	smul.u32 $0xA, s2;
	s10 =	sshrl.u32 s21, $0x2;
	[dreg:$0x12] =	wrdreg s24  }
0x11: {  	s2 =	smul.u32 $0x500, s2;
	s15 =	simm.s32 $0x280;
	[dreg:$0x13] =	wrdreg s25  }
0x12: {  	s21 =	simm.s32 $0x580;
	s24 =	simm.s32 $0x800;
	[dreg:$0xb] =	wrdreg s15  }
0x13: {  	s25 =	simm.s32 $0x3;
	s17 =	sadd.s32 s9, s4;
	[dreg:$0x10] =	wrdreg s21  }
0x14: {  	s3 =	sadd.s32 s7, s3;
	s10 =	sadd.s32 s10, s5;
	[dreg:$0x15] =	wrdreg s17  }
0x15: {  	s7 =	sadd.s32 $0xE00, s1;
	s19 =	sadd.s32 $0x4000, s17;
	[dreg:$0x1a] =	wrdreg s10  }
0x16: {  	s8 =	sshrl.u32 s8, $0x3;
	s20 =	sadd.s32 $0x8000, s17;
	[dreg:$0x16] =	wrdreg s19  }
0x17: {  	s21 =	simm.s32 $0x1000;
	s22 =	sadd.s32 $0xC000, s17;
	[dreg:$0x17] =	wrdreg s20  }
0x18: {  	s15 =	simm.s32 $0xA80;
	s23 =	sadd.s32 $0x2, s18;
	[dreg:$0x18] =	wrdreg s22  }
0x19: {  	s3 =	sshrl.u32 s3, $0x3;
	s9 =	sadd.s32 $0x3, s18;
	[dreg:$0x6] =	wrdreg s23  }
0x1a: {  	s26 =	sadd.s32 s12, s2;
	s14 =	sadd.s32 s7, s2;
	[dreg:$0x7] =	wrdreg s9  }
0x1b: {  	s2 =	sor.u32 $0x80, s2;
	s18 =	simm.s32 $0x380;
	[dreg:$0x1b] =	wrdreg s26  }
0x1c: {  	s3 =	sadd.s32 s3, s1;
	s1 =	sadd.s32 s8, s1;
	[dreg:$0x1c] =	wrdreg s14  }
0x1d: {  	s8 =	ssub.s32 s16, s11;
	s11 =	sadd.s32 $0x10000, s17;
	[dreg:$0xd] =	wrdreg s18  }
0x1e: {  	s16 =	simm.s32 $0x300;
	s17 =	sadd.s32 s12, s2;
	[dreg:$0x19] =	wrdreg s11  }
0x1f: {  	s2 =	sadd.s32 s7, s2;
	s19 =	simm.s32 $0x480;
	[dreg:$0x1d] =	wrdreg s17  }
0x20: {  	s20 =	simm.s32 $0x500;
	s23 =	simm.s32 $0x600;
	[dreg:$0xc] =	wrdreg s16  }
0x21: {  	s26 =	simm.s32 $0x780;
	s9 =	simm.s32 $0x880;
	[dreg:$0x1e] =	wrdreg s2  }
0x22: {  	s12 =	simm.s32 $0x980;
	s14 =	simm.s32 $0xA00;
	[dreg:$0xe] =	wrdreg s19  }
0x23: {  	s18 =	simm.s32 $0xC80;
	s3 =	sadd.s32 $0xB800, s3;
	[dreg:$0xf] =	wrdreg s20  }
0x24: {  	s1 =	sadd.s32 $0xAE00, s1;
	s22 =	smax.u32 s8, $0x1;
	[dreg:$0x11] =	wrdreg s23  }
0x25: {  	[dreg:$0x14] =	wrdreg s26;
	s2 =	simm.s32 $0x9000;
	s23 =	simm.s32 $0x2  }
0x26: {  	s11 =	simm.s32 $0x900;
	s16 =	simm.s32 $0xB00;
	s17 =	simm.s32 $0xB80  }
0x27: {  	s8 =	simm.s32 $0xD80;
	s19 =	simm.s32 $0xE00;
	[dreg:$0x1f] =	wrdreg s3  }
0x28: {  	s20 =	simm.s32 $0xE80;
	s26 =	simm.s32 $0x0;
	[smem:$0x7FC] =	sst s1  }
0x29: {  	v0 =	vimm.f32 $0.0e+00;
	v1 =	vimm.f32 $1.000000000e+00;
	[smem:$0x7FD] =	sst s22;
	s22 =	simm.s32 $0x4;
	s3 =	simm.s32 $0x400  }
.LBB2_1:
0x2a: {  	[smem:$0x7FB] =	sst s26;
	s1 =	simm.s32 $0x0;
	s26 =	simm.s32 $0x200  }
.LBB2_2:
0x2b: {  	p0 =	sne.s32 s26, $0xFE00;
	[tilespmem:s1+$0x1070] =	vst v0  }
0x2c: {  	[tilespmem:s1+$0x1000] =	vst v0  }
0x2d: {  	[tilespmem:s1+$0x1010] =	vst v0  }
.Ltmp0:
0x2e: {  	[tilespmem:s1+$0x1020] =	vst v0;
	(pc) =	sbr.rel @p0 .LBB2_2-.Ltmp0, $4  }
0x2f: {  	[tilespmem:s1+$0x1030] =	vst v0  }
0x30: {  	[tilespmem:s1+$0x1040] =	vst v0  }
0x31: {  	[tilespmem:s1+$0x1050] =	vst v0  }
0x32: {  	[tilespmem:s1+$0x1060] =	vst v0;
	s1 =	sshra.s32 s26, $0x2;
	s26 =	sadd.s32 $0x200, s26  }
0x33: {  	[tilespmem:s1+$0x1070] =	vst v0  }
0x34: {  	[tilespmem:s1+$0x1000] =	vst v0  }
0x35: {  	[tilespmem:s1+$0x1010] =	vst v0  }
0x36: {  	[tilespmem:s1+$0x1020] =	vst v0  }
0x37: {  	[tilespmem:s1+$0x1030] =	vst v0  }
0x38: {  	[tilespmem:s1+$0x1040] =	vst v0  }
0x39: {  	[tilespmem:s1+$0x1050] =	vst v0  }
0x3a: {  	[tilespmem:s1+$0x1060] =	vst v0  }
0x3b: {  	[tilespmem:$0x9080] =	vst v0  }
0x3c: {  	[tilespmem:$0x9090] =	vst v0  }
0x3d: {  	[tilespmem:$0x90A0] =	vst v0  }
0x3e: {  	[tilespmem:$0x90B0] =	vst v0  }
0x3f: {  	[tilespmem:$0x90C0] =	vst v0  }
0x40: {  	[tilespmem:$0x90D0] =	vst v0  }
0x41: {  	[tilespmem:$0x90E0] =	vst v0  }
0x42: {  	[tilespmem:$0x90F0] =	vst v0  }
0x43: {  	[tilespmem:$0x9100] =	vst v0  }
0x44: {  	[tilespmem:$0x9110] =	vst v0  }
0x45: {  	[tilespmem:$0x9120] =	vst v0  }
0x46: {  	[tilespmem:$0x9130] =	vst v0  }
0x47: {  	[tilespmem:$0x9140] =	vst v0  }
0x48: {  	[tilespmem:$0x9150] =	vst v0  }
0x49: {  	[tilespmem:$0x9160] =	vst v0  }
0x4a: {  	[tilespmem:$0x9170] =	vst v0  }
0x4b: {  	[tilespmem:$0x9180] =	vst v0  }
0x4c: {  	[tilespmem:$0x9190] =	vst v0  }
0x4d: {  	[tilespmem:$0x91A0] =	vst v0  }
0x4e: {  	[tilespmem:$0x91B0] =	vst v0  }
0x4f: {  	[tilespmem:$0x91C0] =	vst v0  }
0x50: {  	[tilespmem:$0x91D0] =	vst v0  }
0x51: {  	[tilespmem:$0x91E0] =	vst v0  }
0x52: {  	[tilespmem:$0x91F0] =	vst v0  }
0x53: {  	[tilespmem:$0x9200] =	vst v0  }
0x54: {  	[tilespmem:$0x9210] =	vst v0  }
0x55: {  	[tilespmem:$0x9220] =	vst v0  }
0x56: {  	[tilespmem:$0x9230] =	vst v0  }
0x57: {  	[tilespmem:$0x9240] =	vst v0  }
0x58: {  	[tilespmem:$0x9250] =	vst v0  }
0x59: {  	[tilespmem:$0x9260] =	vst v0  }
0x5a: {  	[tilespmem:$0x9270] =	vst v0  }
0x5b: {  	[tilespmem:$0x9280] =	vst v0  }
0x5c: {  	[tilespmem:$0x9290] =	vst v0  }
0x5d: {  	[tilespmem:$0x92A0] =	vst v0  }
0x5e: {  	[tilespmem:$0x92B0] =	vst v0  }
0x5f: {  	[tilespmem:$0x92C0] =	vst v0  }
0x60: {  	[tilespmem:$0x92D0] =	vst v0  }
0x61: {  	[tilespmem:$0x92E0] =	vst v0  }
0x62: {  	[tilespmem:$0x92F0] =	vst v0  }
0x63: {  	[tilespmem:$0x9000] =	vst v1  }
0x64: {  	[tilespmem:$0x9010] =	vst v1  }
0x65: {  	[tilespmem:$0x9020] =	vst v1  }
0x66: {  	[tilespmem:$0x9030] =	vst v1  }
0x67: {  	[tilespmem:$0x9040] =	vst v1  }
0x68: {  	[tilespmem:$0x9050] =	vst v1  }
0x69: {  	[tilespmem:$0x9060] =	vst v1  }
0x6a: {  	s26 =	rddreg [dreg:$0x15];
	[tilespmem:$0x9070] =	vst v1  }
0x6b: {  	[spmem:s26] =	stream.linear.scatter [tilespmem:s21], [sflag:$0x4], $0x4000, $0x38;
	[tilespmem:$0x1D580] =	vst v63  }
0x6c: {  	_ =	swait.ge [sflag:s22], $0x4000  }
0x6d: {  	[sflag:s22] =	ssyncset.done $0x0  }
0x6e: {  	s26 =	rddreg [dreg:$0x16];
	[sflag:s22] =	ssyncadd.s32 $0xFFFFC000  }
0x6f: {  	[spmem:s26] =	stream.linear.scatter [tilespmem:s21], [sflag:$0x4], $0x4000, $0x38;
	[tilespmem:$0x1D580] =	vst v63  }
0x70: {  	_ =	swait.ge [sflag:s22], $0x4000  }
0x71: {  	[sflag:s22] =	ssyncset.done $0x0  }
0x72: {  	s26 =	rddreg [dreg:$0x17];
	[sflag:s22] =	ssyncadd.s32 $0xFFFFC000  }
0x73: {  	[spmem:s26] =	stream.linear.scatter [tilespmem:s21], [sflag:$0x4], $0x4000, $0x38;
	[tilespmem:$0x1D580] =	vst v63  }
0x74: {  	_ =	swait.ge [sflag:s22], $0x4000  }
0x75: {  	[sflag:s22] =	ssyncset.done $0x0  }
0x76: {  	s26 =	rddreg [dreg:$0x18];
	[sflag:s22] =	ssyncadd.s32 $0xFFFFC000  }
0x77: {  	[spmem:s26] =	stream.linear.scatter [tilespmem:s21], [sflag:$0x4], $0x4000, $0x38;
	[tilespmem:$0x1D580] =	vst v63  }
0x78: {  	_ =	swait.ge [sflag:s22], $0x4000  }
0x79: {  	[sflag:s22] =	ssyncset.done $0x0  }
0x7a: {  	s26 =	rddreg [dreg:$0x19];
	[sflag:s22] =	ssyncadd.s32 $0xFFFFC000  }
0x7b: {  	[spmem:s26] =	stream.linear.scatter [tilespmem:s21], [sflag:$0x4], $0x4000, $0x38;
	[tilespmem:$0x1D580] =	vst v63  }
0x7c: {  	_ =	swait.ge [sflag:s22], $0x4000  }
0x7d: {  	[sflag:s22] =	ssyncset.done $0x0  }
0x7e: {  	s26 =	simm.s32 $0x9080;
	[sflag:s22] =	ssyncadd.s32 $0xFFFFC000  }
0x7f: {  	[spmem:s10] =	stream.linear.scatter [tilespmem:s26], [sflag:$0x4], $0x280, $0x38;
	[tilespmem:$0x1D580] =	vst v63  }
0x80: {  	_ =	swait.ge [sflag:s22], $0x280  }
0x81: {  	[sflag:s22] =	ssyncset.done $0x0  }
0x82: {  	[sflag:s22] =	ssyncadd.s32 $0xFFFFFD80  }
0x83: {  	[bflag:$0x0] =	sbarrier.arrive $0xFFFF  }
0x84: {  	s10 =	simm.s32 $0x0;
	s26 =	rddreg [dreg:$0x1b]  }
0x85: {  	[tilespmem:s10], [sflag:$0x3] =	stream.linear.gather [hbm4b:s26+s10], $0x400, $0x38;
	[tilespmem:$0x1D580] =	vst v63  }
0x86: {  	s26 =	rddreg [dreg:$0x1c]  }
0x87: {  	[tilespmem:s24], [sflag:$0x3] =	stream.linear.gather [hbm4b:s26+s10], $0x400, $0x38;
	[tilespmem:$0x1D580] =	vst v63  }
0x88: {  	_ =	swait.ge [sflag:s25], $0x400  }
0x89: {  	[sflag:s25] =	ssyncset.done $0x0  }
0x8a: {  	[sflag:s25] =	ssyncadd.s32 $0xFFFFFC00  }
0x8b: {  	_ =	swait.ge [sflag:s25], $0x400  }
0x8c: {  	[sflag:s25] =	ssyncset.done $0x0  }
0x8d: {  	s26 =	rddreg [dreg:$0x1d];
	[sflag:s25] =	ssyncadd.s32 $0xFFFFFC00  }
0x8e: {  	[tilespmem:s3], [sflag:$0x3] =	stream.linear.gather [hbm4b:s26+s10], $0x400, $0x38;
	[tilespmem:$0x1D580] =	vst v63  }
0x8f: {  	s26 =	rddreg [dreg:$0x1e]  }
0x90: {  	[tilespmem:s28], [sflag:$0x3] =	stream.linear.gather [hbm4b:s26+s10], $0x400, $0x38;
	[tilespmem:$0x1D580] =	vst v63  }
0x91: {  	_ = 	snop  }
0x92: {  	[tilespmem:s21], [sflag:$0x1] =	stream.indirect.gather [hbm4b:s0+s29], $0x80, s6, s29, $0xb8;
	[tilespmem:$0x1D580] =	vst v63  }
0x93: {  	_ =	swait.ge [sflag:s30], $0x4000  }
0x94: {  	[sflag:s30] =	ssyncset.done $0x0  }
0x95: {  	[sflag:s30] =	ssyncadd.s32 $0xFFFFC000  }
0x96: {  	[tilespmem:s31], [sflag:$0x2] =	stream.indirect.gather [hbm4b:s0+s29], $0x80, s29, s29, $0xb8;
	[tilespmem:$0x1D580] =	vst v63  }
0x97: {  	_ = 	snop  }
0x98: {  	[spmem:s4] =	stream.indirect.scatter.add.f32 [tilespmem:s21], [sflag:$0x4], $0x80, s24, s29, $0xb8;
	[tilespmem:$0x1D580] =	vst v63  }
0x99: {  	_ =	swait.ge [sflag:s22], $0x4000  }
0x9a: {  	[sflag:s22] =	ssyncset.done $0x0  }
0x9b: {  	[sflag:s22] =	ssyncadd.s32 $0xFFFFC000  }
0x9c: {  	[spmem:s5] =	stream.indirect.scatter.add.f32 [tilespmem:s2], [sflag:$0x4], $0x1, s24, s29, $0xb8;
	[tilespmem:$0x1D580] =	vst v63  }
0x9d: {  	_ =	swait.ge [sflag:s22], $0x80  }
0x9e: {  	[sflag:s22] =	ssyncset.done $0x0  }
0x9f: {  	[sflag:s22] =	ssyncadd.s32 $0xFFFFFF80  }
0xa0: {  	_ =	swait.ge [sflag:s23], $0x4000  }
0xa1: {  	[sflag:s23] =	ssyncset.done $0x0  }
0xa2: {  	s26 =	rddreg [dreg:$0x8];
	[sflag:s23] =	ssyncadd.s32 $0xFFFFC000  }
0xa3: {  	[tilespmem:s21], [sflag:$0x1] =	stream.indirect.gather [hbm4b:s0+s29], $0x80, s26, s29, $0xb8;
	[tilespmem:$0x1D580] =	vst v63  }
0xa4: {  	_ = 	snop  }
0xa5: {  	[spmem:s4] =	stream.indirect.scatter.add.f32 [tilespmem:s31], [sflag:$0x4], $0x80, s9, s29, $0xb8;
	[tilespmem:$0x1D580] =	vst v63  }
0xa6: {  	_ =	swait.ge [sflag:s22], $0x4000  }
0xa7: {  	[sflag:s22] =	ssyncset.done $0x0  }
0xa8: {  	[sflag:s22] =	ssyncadd.s32 $0xFFFFC000  }
0xa9: {  	[spmem:s5] =	stream.indirect.scatter.add.f32 [tilespmem:s2], [sflag:$0x4], $0x1, s9, s29, $0xb8;
	[tilespmem:$0x1D580] =	vst v63  }
0xaa: {  	_ =	swait.ge [sflag:s22], $0x80  }
0xab: {  	[sflag:s22] =	ssyncset.done $0x0  }
0xac: {  	[sflag:s22] =	ssyncadd.s32 $0xFFFFFF80  }
0xad: {  	_ =	swait.ge [sflag:s30], $0x4000  }
0xae: {  	[sflag:s30] =	ssyncset.done $0x0  }
0xaf: {  	s10 =	rddreg [dreg:$0x9];
	[sflag:s30] =	ssyncadd.s32 $0xFFFFC000  }
0xb0: {  	[tilespmem:s31], [sflag:$0x2] =	stream.indirect.gather [hbm4b:s0+s29], $0x80, s10, s29, $0xb8;
	[tilespmem:$0x1D580] =	vst v63  }
0xb1: {  	_ = 	snop  }
0xb2: {  	[spmem:s4] =	stream.indirect.scatter.add.f32 [tilespmem:s21], [sflag:$0x4], $0x80, s11, s29, $0xb8;
	[tilespmem:$0x1D580] =	vst v63  }
0xb3: {  	_ =	swait.ge [sflag:s22], $0x4000  }
0xb4: {  	[sflag:s22] =	ssyncset.done $0x0  }
0xb5: {  	[sflag:s22] =	ssyncadd.s32 $0xFFFFC000  }
0xb6: {  	[spmem:s5] =	stream.indirect.scatter.add.f32 [tilespmem:s2], [sflag:$0x4], $0x1, s11, s29, $0xb8;
	[tilespmem:$0x1D580] =	vst v63  }
0xb7: {  	_ =	swait.ge [sflag:s22], $0x80  }
0xb8: {  	[sflag:s22] =	ssyncset.done $0x0  }
0xb9: {  	[sflag:s22] =	ssyncadd.s32 $0xFFFFFF80  }
0xba: {  	_ =	swait.ge [sflag:s23], $0x4000  }
0xbb: {  	[sflag:s23] =	ssyncset.done $0x0  }
0xbc: {  	s11 =	rddreg [dreg:$0xa];
	[sflag:s23] =	ssyncadd.s32 $0xFFFFC000  }
0xbd: {  	[tilespmem:s21], [sflag:$0x1] =	stream.indirect.gather [hbm4b:s0+s29], $0x80, s11, s29, $0xb8;
	[tilespmem:$0x1D580] =	vst v63  }
0xbe: {  	_ = 	snop  }
0xbf: {  	[spmem:s4] =	stream.indirect.scatter.add.f32 [tilespmem:s31], [sflag:$0x4], $0x80, s12, s29, $0xb8;
	[tilespmem:$0x1D580] =	vst v63  }
0xc0: {  	_ =	swait.ge [sflag:s22], $0x4000  }
0xc1: {  	[sflag:s22] =	ssyncset.done $0x0  }
0xc2: {  	[sflag:s22] =	ssyncadd.s32 $0xFFFFC000  }
0xc3: {  	[spmem:s5] =	stream.indirect.scatter.add.f32 [tilespmem:s2], [sflag:$0x4], $0x1, s12, s29, $0xb8;
	[tilespmem:$0x1D580] =	vst v63  }
0xc4: {  	_ =	swait.ge [sflag:s22], $0x80  }
0xc5: {  	[sflag:s22] =	ssyncset.done $0x0  }
0xc6: {  	[sflag:s22] =	ssyncadd.s32 $0xFFFFFF80  }
0xc7: {  	_ =	swait.ge [sflag:s30], $0x4000  }
0xc8: {  	[sflag:s30] =	ssyncset.done $0x0  }
0xc9: {  	s12 =	rddreg [dreg:$0xb];
	[sflag:s30] =	ssyncadd.s32 $0xFFFFC000  }
0xca: {  	[tilespmem:s31], [sflag:$0x2] =	stream.indirect.gather [hbm4b:s0+s29], $0x80, s12, s29, $0xb8;
	[tilespmem:$0x1D580] =	vst v63  }
0xcb: {  	_ = 	snop  }
0xcc: {  	[spmem:s4] =	stream.indirect.scatter.add.f32 [tilespmem:s21], [sflag:$0x4], $0x80, s14, s29, $0xb8;
	[tilespmem:$0x1D580] =	vst v63  }
0xcd: {  	_ =	swait.ge [sflag:s22], $0x4000  }
0xce: {  	[sflag:s22] =	ssyncset.done $0x0  }
0xcf: {  	[sflag:s22] =	ssyncadd.s32 $0xFFFFC000  }
0xd0: {  	[spmem:s5] =	stream.indirect.scatter.add.f32 [tilespmem:s2], [sflag:$0x4], $0x1, s14, s29, $0xb8;
	[tilespmem:$0x1D580] =	vst v63  }
0xd1: {  	_ =	swait.ge [sflag:s22], $0x80  }
0xd2: {  	[sflag:s22] =	ssyncset.done $0x0  }
0xd3: {  	[sflag:s22] =	ssyncadd.s32 $0xFFFFFF80  }
0xd4: {  	_ =	swait.ge [sflag:s23], $0x4000  }
0xd5: {  	[sflag:s23] =	ssyncset.done $0x0  }
0xd6: {  	s14 =	rddreg [dreg:$0xc];
	[sflag:s23] =	ssyncadd.s32 $0xFFFFC000  }
0xd7: {  	[tilespmem:s21], [sflag:$0x1] =	stream.indirect.gather [hbm4b:s0+s29], $0x80, s14, s29, $0xb8;
	[tilespmem:$0x1D580] =	vst v63  }
0xd8: {  	_ = 	snop  }
0xd9: {  	[spmem:s4] =	stream.indirect.scatter.add.f32 [tilespmem:s31], [sflag:$0x4], $0x80, s15, s29, $0xb8;
	[tilespmem:$0x1D580] =	vst v63  }
0xda: {  	_ =	swait.ge [sflag:s22], $0x4000  }
0xdb: {  	[sflag:s22] =	ssyncset.done $0x0  }
0xdc: {  	[sflag:s22] =	ssyncadd.s32 $0xFFFFC000  }
0xdd: {  	[spmem:s5] =	stream.indirect.scatter.add.f32 [tilespmem:s2], [sflag:$0x4], $0x1, s15, s29, $0xb8;
	[tilespmem:$0x1D580] =	vst v63  }
0xde: {  	_ =	swait.ge [sflag:s22], $0x80  }
0xdf: {  	[sflag:s22] =	ssyncset.done $0x0  }
0xe0: {  	[sflag:s22] =	ssyncadd.s32 $0xFFFFFF80  }
0xe1: {  	_ =	swait.ge [sflag:s30], $0x4000  }
0xe2: {  	[sflag:s30] =	ssyncset.done $0x0  }
0xe3: {  	s15 =	rddreg [dreg:$0xd];
	[sflag:s30] =	ssyncadd.s32 $0xFFFFC000  }
0xe4: {  	[tilespmem:s31], [sflag:$0x2] =	stream.indirect.gather [hbm4b:s0+s29], $0x80, s15, s29, $0xb8;
	[tilespmem:$0x1D580] =	vst v63  }
0xe5: {  	_ = 	snop  }
0xe6: {  	[spmem:s4] =	stream.indirect.scatter.add.f32 [tilespmem:s21], [sflag:$0x4], $0x80, s16, s29, $0xb8;
	[tilespmem:$0x1D580] =	vst v63  }
0xe7: {  	_ =	swait.ge [sflag:s22], $0x4000  }
0xe8: {  	[sflag:s22] =	ssyncset.done $0x0  }
0xe9: {  	[sflag:s22] =	ssyncadd.s32 $0xFFFFC000  }
0xea: {  	[spmem:s5] =	stream.indirect.scatter.add.f32 [tilespmem:s2], [sflag:$0x4], $0x1, s16, s29, $0xb8;
	[tilespmem:$0x1D580] =	vst v63  }
0xeb: {  	_ =	swait.ge [sflag:s22], $0x80  }
0xec: {  	[sflag:s22] =	ssyncset.done $0x0  }
0xed: {  	[sflag:s22] =	ssyncadd.s32 $0xFFFFFF80  }
0xee: {  	_ =	swait.ge [sflag:s23], $0x4000  }
0xef: {  	[sflag:s23] =	ssyncset.done $0x0  }
0xf0: {  	[sflag:s23] =	ssyncadd.s32 $0xFFFFC000  }
0xf1: {  	[spmem:s4] =	stream.indirect.scatter.add.f32 [tilespmem:s31], [sflag:$0x4], $0x80, s17, s29, $0xb8;
	[tilespmem:$0x1D580] =	vst v63  }
0xf2: {  	_ =	swait.ge [sflag:s22], $0x4000  }
0xf3: {  	[sflag:s22] =	ssyncset.done $0x0  }
0xf4: {  	[sflag:s22] =	ssyncadd.s32 $0xFFFFC000  }
0xf5: {  	[spmem:s5] =	stream.indirect.scatter.add.f32 [tilespmem:s2], [sflag:$0x4], $0x1, s17, s29, $0xb8;
	[tilespmem:$0x1D580] =	vst v63  }
0xf6: {  	_ =	swait.ge [sflag:s22], $0x80  }
0xf7: {  	[sflag:s22] =	ssyncset.done $0x0  }
0xf8: {  	[sflag:s22] =	ssyncadd.s32 $0xFFFFFF80  }
0xf9: {  	_ =	swait.ge [sflag:s25], $0x400  }
0xfa: {  	[sflag:s25] =	ssyncset.done $0x0  }
0xfb: {  	[sflag:s25] =	ssyncadd.s32 $0xFFFFFC00  }
0xfc: {  	s1 =	simm.s32 $0x0;
	_ =	swait.ge [sflag:s25], $0x400  }
0xfd: {  	s1 =	smin.u32 s1, $0x7;
	s16 =	rddreg [dreg:$0x6];
	[sflag:s25] =	ssyncset.done $0x0  }
0xfe: {  	s1 =	sadd.s32 s1, s16;
	[sflag:s25] =	ssyncadd.s32 $0xFFFFFC00  }
0xff: {  	s1 =	sshll.u32 s1, $0x7;
	s10 =	rddreg [dreg:$0x1]  }
0x100: {  	s17 =	sadd.s32 s10, s1  }
0x101: {  	[tilespmem:s6], [sflag:$0x3] =	stream.linear.gather [hbm4b:s17+s6], $0x400, $0x38;
	[tilespmem:$0x1D580] =	vst v63  }
0x102: {  	s1 =	sadd.s32 s7, s1  }
0x103: {  	[tilespmem:s24], [sflag:$0x3] =	stream.linear.gather [hbm4b:s1+s6], $0x400, $0x38;
	[tilespmem:$0x1D580] =	vst v63  }
0x104: {  	_ = 	snop  }
0x105: {  	[tilespmem:s21], [sflag:$0x1] =	stream.indirect.gather [hbm4b:s0+s29], $0x80, s3, s29, $0xb8;
	[tilespmem:$0x1D580] =	vst v63  }
0x106: {  	_ =	swait.ge [sflag:s30], $0x4000  }
0x107: {  	[sflag:s30] =	ssyncset.done $0x0  }
0x108: {  	s26 =	rddreg [dreg:$0xe];
	[sflag:s30] =	ssyncadd.s32 $0xFFFFC000  }
0x109: {  	[tilespmem:s31], [sflag:$0x2] =	stream.indirect.gather [hbm4b:s0+s29], $0x80, s26, s29, $0xb8;
	[tilespmem:$0x1D580] =	vst v63  }
0x10a: {  	_ = 	snop  }
0x10b: {  	[spmem:s4] =	stream.indirect.scatter.add.f32 [tilespmem:s21], [sflag:$0x4], $0x80, s28, s29, $0xb8;
	[tilespmem:$0x1D580] =	vst v63  }
0x10c: {  	_ =	swait.ge [sflag:s22], $0x4000  }
0x10d: {  	[sflag:s22] =	ssyncset.done $0x0  }
0x10e: {  	[sflag:s22] =	ssyncadd.s32 $0xFFFFC000  }
0x10f: {  	[spmem:s5] =	stream.indirect.scatter.add.f32 [tilespmem:s2], [sflag:$0x4], $0x1, s28, s29, $0xb8;
	[tilespmem:$0x1D580] =	vst v63  }
0x110: {  	_ =	swait.ge [sflag:s22], $0x80  }
0x111: {  	[sflag:s22] =	ssyncset.done $0x0  }
0x112: {  	[sflag:s22] =	ssyncadd.s32 $0xFFFFFF80  }
0x113: {  	_ =	swait.ge [sflag:s23], $0x4000  }
0x114: {  	[sflag:s23] =	ssyncset.done $0x0  }
0x115: {  	s11 =	rddreg [dreg:$0xf];
	[sflag:s23] =	ssyncadd.s32 $0xFFFFC000  }
0x116: {  	[tilespmem:s21], [sflag:$0x1] =	stream.indirect.gather [hbm4b:s0+s29], $0x80, s11, s29, $0xb8;
	[tilespmem:$0x1D580] =	vst v63  }
0x117: {  	_ = 	snop  }
0x118: {  	[spmem:s4] =	stream.indirect.scatter.add.f32 [tilespmem:s31], [sflag:$0x4], $0x80, s18, s29, $0xb8;
	[tilespmem:$0x1D580] =	vst v63  }
0x119: {  	_ =	swait.ge [sflag:s22], $0x4000  }
0x11a: {  	[sflag:s22] =	ssyncset.done $0x0  }
0x11b: {  	[sflag:s22] =	ssyncadd.s32 $0xFFFFC000  }
0x11c: {  	[spmem:s5] =	stream.indirect.scatter.add.f32 [tilespmem:s2], [sflag:$0x4], $0x1, s18, s29, $0xb8;
	[tilespmem:$0x1D580] =	vst v63  }
0x11d: {  	_ =	swait.ge [sflag:s22], $0x80  }
0x11e: {  	[sflag:s22] =	ssyncset.done $0x0  }
0x11f: {  	[sflag:s22] =	ssyncadd.s32 $0xFFFFFF80  }
0x120: {  	_ =	swait.ge [sflag:s30], $0x4000  }
0x121: {  	[sflag:s30] =	ssyncset.done $0x0  }
0x122: {  	s12 =	rddreg [dreg:$0x10];
	[sflag:s30] =	ssyncadd.s32 $0xFFFFC000  }
0x123: {  	[tilespmem:s31], [sflag:$0x2] =	stream.indirect.gather [hbm4b:s0+s29], $0x80, s12, s29, $0xb8;
	[tilespmem:$0x1D580] =	vst v63  }
0x124: {  	_ = 	snop  }
0x125: {  	[spmem:s4] =	stream.indirect.scatter.add.f32 [tilespmem:s21], [sflag:$0x4], $0x80, s13, s29, $0xb8;
	[tilespmem:$0x1D580] =	vst v63  }
0x126: {  	_ =	swait.ge [sflag:s22], $0x4000  }
0x127: {  	[sflag:s22] =	ssyncset.done $0x0  }
0x128: {  	[sflag:s22] =	ssyncadd.s32 $0xFFFFC000  }
0x129: {  	[spmem:s5] =	stream.indirect.scatter.add.f32 [tilespmem:s2], [sflag:$0x4], $0x1, s13, s29, $0xb8;
	[tilespmem:$0x1D580] =	vst v63  }
0x12a: {  	_ =	swait.ge [sflag:s22], $0x80  }
0x12b: {  	[sflag:s22] =	ssyncset.done $0x0  }
0x12c: {  	[sflag:s22] =	ssyncadd.s32 $0xFFFFFF80  }
0x12d: {  	_ =	swait.ge [sflag:s23], $0x4000  }
0x12e: {  	[sflag:s23] =	ssyncset.done $0x0  }
0x12f: {  	s14 =	rddreg [dreg:$0x11];
	[sflag:s23] =	ssyncadd.s32 $0xFFFFC000  }
0x130: {  	[tilespmem:s21], [sflag:$0x1] =	stream.indirect.gather [hbm4b:s0+s29], $0x80, s14, s29, $0xb8;
	[tilespmem:$0x1D580] =	vst v63  }
0x131: {  	_ = 	snop  }
0x132: {  	[spmem:s4] =	stream.indirect.scatter.add.f32 [tilespmem:s31], [sflag:$0x4], $0x80, s8, s29, $0xb8;
	[tilespmem:$0x1D580] =	vst v63  }
0x133: {  	_ =	swait.ge [sflag:s22], $0x4000  }
0x134: {  	[sflag:s22] =	ssyncset.done $0x0  }
0x135: {  	[sflag:s22] =	ssyncadd.s32 $0xFFFFC000  }
0x136: {  	[spmem:s5] =	stream.indirect.scatter.add.f32 [tilespmem:s2], [sflag:$0x4], $0x1, s8, s29, $0xb8;
	[tilespmem:$0x1D580] =	vst v63  }
0x137: {  	_ =	swait.ge [sflag:s22], $0x80  }
0x138: {  	[sflag:s22] =	ssyncset.done $0x0  }
0x139: {  	[sflag:s22] =	ssyncadd.s32 $0xFFFFFF80  }
0x13a: {  	_ =	swait.ge [sflag:s30], $0x4000  }
0x13b: {  	[sflag:s30] =	ssyncset.done $0x0  }
0x13c: {  	s15 =	rddreg [dreg:$0x12];
	[sflag:s30] =	ssyncadd.s32 $0xFFFFC000  }
0x13d: {  	[tilespmem:s31], [sflag:$0x2] =	stream.indirect.gather [hbm4b:s0+s29], $0x80, s15, s29, $0xb8;
	[tilespmem:$0x1D580] =	vst v63  }
0x13e: {  	_ = 	snop  }
0x13f: {  	[spmem:s4] =	stream.indirect.scatter.add.f32 [tilespmem:s21], [sflag:$0x4], $0x80, s19, s29, $0xb8;
	[tilespmem:$0x1D580] =	vst v63  }
0x140: {  	_ =	swait.ge [sflag:s22], $0x4000  }
0x141: {  	[sflag:s22] =	ssyncset.done $0x0  }
0x142: {  	[sflag:s22] =	ssyncadd.s32 $0xFFFFC000  }
0x143: {  	[spmem:s5] =	stream.indirect.scatter.add.f32 [tilespmem:s2], [sflag:$0x4], $0x1, s19, s29, $0xb8;
	[tilespmem:$0x1D580] =	vst v63  }
0x144: {  	_ =	swait.ge [sflag:s22], $0x80  }
0x145: {  	[sflag:s22] =	ssyncset.done $0x0  }
0x146: {  	[sflag:s22] =	ssyncadd.s32 $0xFFFFFF80  }
0x147: {  	_ =	swait.ge [sflag:s23], $0x4000  }
0x148: {  	[sflag:s23] =	ssyncset.done $0x0  }
0x149: {  	s16 =	rddreg [dreg:$0x13];
	[sflag:s23] =	ssyncadd.s32 $0xFFFFC000  }
0x14a: {  	[tilespmem:s21], [sflag:$0x1] =	stream.indirect.gather [hbm4b:s0+s29], $0x80, s16, s29, $0xb8;
	[tilespmem:$0x1D580] =	vst v63  }
0x14b: {  	_ = 	snop  }
0x14c: {  	[spmem:s4] =	stream.indirect.scatter.add.f32 [tilespmem:s31], [sflag:$0x4], $0x80, s20, s29, $0xb8;
	[tilespmem:$0x1D580] =	vst v63  }
0x14d: {  	_ =	swait.ge [sflag:s22], $0x4000  }
0x14e: {  	[sflag:s22] =	ssyncset.done $0x0  }
0x14f: {  	[sflag:s22] =	ssyncadd.s32 $0xFFFFC000  }
0x150: {  	[spmem:s5] =	stream.indirect.scatter.add.f32 [tilespmem:s2], [sflag:$0x4], $0x1, s20, s29, $0xb8;
	[tilespmem:$0x1D580] =	vst v63  }
0x151: {  	_ =	swait.ge [sflag:s22], $0x80  }
0x152: {  	[sflag:s22] =	ssyncset.done $0x0  }
0x153: {  	[sflag:s22] =	ssyncadd.s32 $0xFFFFFF80  }
0x154: {  	_ =	swait.ge [sflag:s30], $0x4000  }
0x155: {  	[sflag:s30] =	ssyncset.done $0x0  }
0x156: {  	s17 =	rddreg [dreg:$0x14];
	[sflag:s30] =	ssyncadd.s32 $0xFFFFC000  }
0x157: {  	[tilespmem:s31], [sflag:$0x2] =	stream.indirect.gather [hbm4b:s0+s29], $0x80, s17, s29, $0xb8;
	[tilespmem:$0x1D580] =	vst v63  }
0x158: {  	s18 =	simm.s32 $0xF00  }
0x159: {  	[spmem:s4] =	stream.indirect.scatter.add.f32 [tilespmem:s21], [sflag:$0x4], $0x80, s18, s29, $0xb8;
	[tilespmem:$0x1D580] =	vst v63  }
0x15a: {  	_ =	swait.ge [sflag:s22], $0x4000  }
0x15b: {  	[sflag:s22] =	ssyncset.done $0x0  }
0x15c: {  	[sflag:s22] =	ssyncadd.s32 $0xFFFFC000  }
0x15d: {  	[spmem:s5] =	stream.indirect.scatter.add.f32 [tilespmem:s2], [sflag:$0x4], $0x1, s18, s29, $0xb8;
	[tilespmem:$0x1D580] =	vst v63  }
0x15e: {  	_ =	swait.ge [sflag:s22], $0x80  }
0x15f: {  	[sflag:s22] =	ssyncset.done $0x0  }
0x160: {  	[sflag:s22] =	ssyncadd.s32 $0xFFFFFF80  }
0x161: {  	_ =	swait.ge [sflag:s23], $0x4000  }
0x162: {  	[sflag:s23] =	ssyncset.done $0x0  }
0x163: {  	s19 =	simm.s32 $0xF80;
	[sflag:s23] =	ssyncadd.s32 $0xFFFFC000  }
0x164: {  	[spmem:s4] =	stream.indirect.scatter.add.f32 [tilespmem:s31], [sflag:$0x4], $0x80, s19, s29, $0xb8;
	[tilespmem:$0x1D580] =	vst v63  }
0x165: {  	_ =	swait.ge [sflag:s22], $0x4000  }
0x166: {  	[sflag:s22] =	ssyncset.done $0x0  }
0x167: {  	[sflag:s22] =	ssyncadd.s32 $0xFFFFC000  }
0x168: {  	[spmem:s5] =	stream.indirect.scatter.add.f32 [tilespmem:s2], [sflag:$0x4], $0x1, s19, s29, $0xb8;
	[tilespmem:$0x1D580] =	vst v63  }
0x169: {  	_ =	swait.ge [sflag:s22], $0x80  }
0x16a: {  	[sflag:s22] =	ssyncset.done $0x0  }
0x16b: {  	s9 =	simm.s32 $0x0;
	[sflag:s22] =	ssyncadd.s32 $0xFFFFFF80  }
0x16c: {  	s24 =	smin.u32 s9, $0x6;
	_ =	swait.ge [sflag:s25], $0x400  }
0x16d: {  	s28 =	simm.s32 $0x800;
	s11 =	simm.s32 $0x400;
	[sflag:s25] =	ssyncset.done $0x0  }
0x16e: {  	s12 =	simm.s32 $0x880;
	s13 =	simm.s32 $0xD00;
	[sflag:s25] =	ssyncadd.s32 $0xFFFFFC00  }
0x16f: {  	s14 =	simm.s32 $0xC00;
	s8 =	simm.s32 $0xD80;
	_ =	swait.ge [sflag:s25], $0x400  }
0x170: {  	s15 =	simm.s32 $0x980;
	s16 =	simm.s32 $0xA00;
	s20 =	rddreg [dreg:$0x7]  }
0x171: {  	s17 =	simm.s32 $0xA80;
	[sflag:s25] =	ssyncset.done $0x0;
	s1 =	sadd.s32 s24, s20  }
0x172: {  	s19 =	simm.s32 $0xB80;
	[sflag:s25] =	ssyncadd.s32 $0xFFFFFC00;
	s26 =	sshll.u32 s1, $0x7  }
0x173: {  	s24 =	simm.s32 $0xE80;
	s20 =	simm.s32 $0xC80;
	s1 =	sadd.s32 s10, s26  }
0x174: {  	[tilespmem:s3], [sflag:$0x3] =	stream.linear.gather [hbm4b:s1+s6], $0x400, $0x38;
	[tilespmem:$0x1D580] =	vst v63  }
0x175: {  	s26 =	sadd.s32 s7, s26;
	s10 =	simm.s32 $0xE00;
	s1 =	simm.s32 $0x2  }
.LBB2_4:
0x176: {  	[tilespmem:s14], [sflag:$0x3] =	stream.linear.gather [hbm4b:s26+s6], $0x400, $0x38;
	[tilespmem:$0x1D580] =	vst v63  }
0x177: {  	_ = 	snop  }
0x178: {  	[tilespmem:s21], [sflag:$0x1] =	stream.indirect.gather [hbm4b:s0+s29], $0x80, s6, s29, $0xb8;
	[tilespmem:$0x1D580] =	vst v63  }
0x179: {  	_ =	swait.ge [sflag:s30], $0x4000  }
0x17a: {  	[sflag:s30] =	ssyncset.done $0x0  }
0x17b: {  	[sflag:s30] =	ssyncadd.s32 $0xFFFFC000  }
0x17c: {  	[tilespmem:s31], [sflag:$0x2] =	stream.indirect.gather [hbm4b:s0+s29], $0x80, s29, s29, $0xb8;
	[tilespmem:$0x1D580] =	vst v63  }
0x17d: {  	_ = 	snop  }
0x17e: {  	[spmem:s4] =	stream.indirect.scatter.add.f32 [tilespmem:s21], [sflag:$0x4], $0x80, s28, s29, $0xb8;
	[tilespmem:$0x1D580] =	vst v63  }
0x17f: {  	_ =	swait.ge [sflag:s22], $0x4000  }
0x180: {  	[sflag:s22] =	ssyncset.done $0x0  }
0x181: {  	[sflag:s22] =	ssyncadd.s32 $0xFFFFC000  }
0x182: {  	[spmem:s5] =	stream.indirect.scatter.add.f32 [tilespmem:s2], [sflag:$0x4], $0x1, s28, s29, $0xb8;
	[tilespmem:$0x1D580] =	vst v63  }
0x183: {  	_ =	swait.ge [sflag:s22], $0x80  }
0x184: {  	[sflag:s22] =	ssyncset.done $0x0  }
0x185: {  	[sflag:s22] =	ssyncadd.s32 $0xFFFFFF80  }
0x186: {  	_ =	swait.ge [sflag:s23], $0x4000  }
0x187: {  	[sflag:s23] =	ssyncset.done $0x0  }
0x188: {  	s3 =	rddreg [dreg:$0x8];
	[sflag:s23] =	ssyncadd.s32 $0xFFFFC000  }
0x189: {  	[tilespmem:s21], [sflag:$0x1] =	stream.indirect.gather [hbm4b:s0+s29], $0x80, s3, s29, $0xb8;
	[tilespmem:$0x1D580] =	vst v63  }
0x18a: {  	_ = 	snop  }
0x18b: {  	[spmem:s4] =	stream.indirect.scatter.add.f32 [tilespmem:s31], [sflag:$0x4], $0x80, s12, s29, $0xb8;
	[tilespmem:$0x1D580] =	vst v63  }
0x18c: {  	_ =	swait.ge [sflag:s22], $0x4000  }
0x18d: {  	[sflag:s22] =	ssyncset.done $0x0  }
0x18e: {  	[sflag:s22] =	ssyncadd.s32 $0xFFFFC000  }
0x18f: {  	[spmem:s5] =	stream.indirect.scatter.add.f32 [tilespmem:s2], [sflag:$0x4], $0x1, s12, s29, $0xb8;
	[tilespmem:$0x1D580] =	vst v63  }
0x190: {  	_ =	swait.ge [sflag:s22], $0x80  }
0x191: {  	[sflag:s22] =	ssyncset.done $0x0  }
0x192: {  	[sflag:s22] =	ssyncadd.s32 $0xFFFFFF80  }
0x193: {  	_ =	swait.ge [sflag:s30], $0x4000  }
0x194: {  	[sflag:s30] =	ssyncset.done $0x0  }
0x195: {  	s9 =	rddreg [dreg:$0x9];
	[sflag:s30] =	ssyncadd.s32 $0xFFFFC000  }
0x196: {  	[tilespmem:s31], [sflag:$0x2] =	stream.indirect.gather [hbm4b:s0+s29], $0x80, s9, s29, $0xb8;
	[tilespmem:$0x1D580] =	vst v63  }
0x197: {  	s18 =	simm.s32 $0x900  }
0x198: {  	[spmem:s4] =	stream.indirect.scatter.add.f32 [tilespmem:s21], [sflag:$0x4], $0x80, s18, s29, $0xb8;
	[tilespmem:$0x1D580] =	vst v63  }
0x199: {  	_ =	swait.ge [sflag:s22], $0x4000  }
0x19a: {  	[sflag:s22] =	ssyncset.done $0x0  }
0x19b: {  	[sflag:s22] =	ssyncadd.s32 $0xFFFFC000  }
0x19c: {  	[spmem:s5] =	stream.indirect.scatter.add.f32 [tilespmem:s2], [sflag:$0x4], $0x1, s18, s29, $0xb8;
	[tilespmem:$0x1D580] =	vst v63  }
0x19d: {  	_ =	swait.ge [sflag:s22], $0x80  }
0x19e: {  	[sflag:s22] =	ssyncset.done $0x0  }
0x19f: {  	[sflag:s22] =	ssyncadd.s32 $0xFFFFFF80  }
0x1a0: {  	_ =	swait.ge [sflag:s23], $0x4000  }
0x1a1: {  	[sflag:s23] =	ssyncset.done $0x0  }
0x1a2: {  	s9 =	rddreg [dreg:$0xa];
	[sflag:s23] =	ssyncadd.s32 $0xFFFFC000  }
0x1a3: {  	[tilespmem:s21], [sflag:$0x1] =	stream.indirect.gather [hbm4b:s0+s29], $0x80, s9, s29, $0xb8;
	[tilespmem:$0x1D580] =	vst v63  }
0x1a4: {  	_ = 	snop  }
0x1a5: {  	[spmem:s4] =	stream.indirect.scatter.add.f32 [tilespmem:s31], [sflag:$0x4], $0x80, s15, s29, $0xb8;
	[tilespmem:$0x1D580] =	vst v63  }
0x1a6: {  	_ =	swait.ge [sflag:s22], $0x4000  }
0x1a7: {  	[sflag:s22] =	ssyncset.done $0x0  }
0x1a8: {  	[sflag:s22] =	ssyncadd.s32 $0xFFFFC000  }
0x1a9: {  	[spmem:s5] =	stream.indirect.scatter.add.f32 [tilespmem:s2], [sflag:$0x4], $0x1, s15, s29, $0xb8;
	[tilespmem:$0x1D580] =	vst v63  }
0x1aa: {  	_ =	swait.ge [sflag:s22], $0x80  }
0x1ab: {  	[sflag:s22] =	ssyncset.done $0x0  }
0x1ac: {  	[sflag:s22] =	ssyncadd.s32 $0xFFFFFF80  }
0x1ad: {  	_ =	swait.ge [sflag:s30], $0x4000  }
0x1ae: {  	[sflag:s30] =	ssyncset.done $0x0  }
0x1af: {  	s18 =	rddreg [dreg:$0xb];
	[sflag:s30] =	ssyncadd.s32 $0xFFFFC000  }
0x1b0: {  	[tilespmem:s31], [sflag:$0x2] =	stream.indirect.gather [hbm4b:s0+s29], $0x80, s18, s29, $0xb8;
	[tilespmem:$0x1D580] =	vst v63  }
0x1b1: {  	_ = 	snop  }
0x1b2: {  	[spmem:s4] =	stream.indirect.scatter.add.f32 [tilespmem:s21], [sflag:$0x4], $0x80, s16, s29, $0xb8;
	[tilespmem:$0x1D580] =	vst v63  }
0x1b3: {  	_ =	swait.ge [sflag:s22], $0x4000  }
0x1b4: {  	[sflag:s22] =	ssyncset.done $0x0  }
0x1b5: {  	[sflag:s22] =	ssyncadd.s32 $0xFFFFC000  }
0x1b6: {  	[spmem:s5] =	stream.indirect.scatter.add.f32 [tilespmem:s2], [sflag:$0x4], $0x1, s16, s29, $0xb8;
	[tilespmem:$0x1D580] =	vst v63  }
0x1b7: {  	_ =	swait.ge [sflag:s22], $0x80  }
0x1b8: {  	[sflag:s22] =	ssyncset.done $0x0  }
0x1b9: {  	[sflag:s22] =	ssyncadd.s32 $0xFFFFFF80  }
0x1ba: {  	_ =	swait.ge [sflag:s23], $0x4000  }
0x1bb: {  	[sflag:s23] =	ssyncset.done $0x0  }
0x1bc: {  	s9 =	rddreg [dreg:$0xc];
	[sflag:s23] =	ssyncadd.s32 $0xFFFFC000  }
0x1bd: {  	[tilespmem:s21], [sflag:$0x1] =	stream.indirect.gather [hbm4b:s0+s29], $0x80, s9, s29, $0xb8;
	[tilespmem:$0x1D580] =	vst v63  }
0x1be: {  	_ = 	snop  }
0x1bf: {  	[spmem:s4] =	stream.indirect.scatter.add.f32 [tilespmem:s31], [sflag:$0x4], $0x80, s17, s29, $0xb8;
	[tilespmem:$0x1D580] =	vst v63  }
0x1c0: {  	_ =	swait.ge [sflag:s22], $0x4000  }
0x1c1: {  	[sflag:s22] =	ssyncset.done $0x0  }
0x1c2: {  	[sflag:s22] =	ssyncadd.s32 $0xFFFFC000  }
0x1c3: {  	[spmem:s5] =	stream.indirect.scatter.add.f32 [tilespmem:s2], [sflag:$0x4], $0x1, s17, s29, $0xb8;
	[tilespmem:$0x1D580] =	vst v63  }
0x1c4: {  	_ =	swait.ge [sflag:s22], $0x80  }
0x1c5: {  	[sflag:s22] =	ssyncset.done $0x0  }
0x1c6: {  	[sflag:s22] =	ssyncadd.s32 $0xFFFFFF80  }
0x1c7: {  	_ =	swait.ge [sflag:s30], $0x4000  }
0x1c8: {  	[sflag:s30] =	ssyncset.done $0x0  }
0x1c9: {  	s18 =	rddreg [dreg:$0xd];
	[sflag:s30] =	ssyncadd.s32 $0xFFFFC000  }
0x1ca: {  	[tilespmem:s31], [sflag:$0x2] =	stream.indirect.gather [hbm4b:s0+s29], $0x80, s18, s29, $0xb8;
	[tilespmem:$0x1D580] =	vst v63  }
0x1cb: {  	s9 =	simm.s32 $0xB00  }
0x1cc: {  	[spmem:s4] =	stream.indirect.scatter.add.f32 [tilespmem:s21], [sflag:$0x4], $0x80, s9, s29, $0xb8;
	[tilespmem:$0x1D580] =	vst v63  }
0x1cd: {  	_ =	swait.ge [sflag:s22], $0x4000  }
0x1ce: {  	[sflag:s22] =	ssyncset.done $0x0  }
0x1cf: {  	[sflag:s22] =	ssyncadd.s32 $0xFFFFC000  }
0x1d0: {  	[spmem:s5] =	stream.indirect.scatter.add.f32 [tilespmem:s2], [sflag:$0x4], $0x1, s9, s29, $0xb8;
	[tilespmem:$0x1D580] =	vst v63  }
0x1d1: {  	_ =	swait.ge [sflag:s22], $0x80  }
0x1d2: {  	[sflag:s22] =	ssyncset.done $0x0  }
0x1d3: {  	[sflag:s22] =	ssyncadd.s32 $0xFFFFFF80  }
0x1d4: {  	_ =	swait.ge [sflag:s23], $0x4000  }
0x1d5: {  	[sflag:s23] =	ssyncset.done $0x0  }
0x1d6: {  	[sflag:s23] =	ssyncadd.s32 $0xFFFFC000  }
0x1d7: {  	[spmem:s4] =	stream.indirect.scatter.add.f32 [tilespmem:s31], [sflag:$0x4], $0x80, s19, s29, $0xb8;
	[tilespmem:$0x1D580] =	vst v63  }
0x1d8: {  	_ =	swait.ge [sflag:s22], $0x4000  }
0x1d9: {  	[sflag:s22] =	ssyncset.done $0x0  }
0x1da: {  	[sflag:s22] =	ssyncadd.s32 $0xFFFFC000  }
0x1db: {  	[spmem:s5] =	stream.indirect.scatter.add.f32 [tilespmem:s2], [sflag:$0x4], $0x1, s19, s29, $0xb8;
	[tilespmem:$0x1D580] =	vst v63  }
0x1dc: {  	_ =	swait.ge [sflag:s22], $0x80  }
0x1dd: {  	[sflag:s22] =	ssyncset.done $0x0  }
0x1de: {  	[sflag:s22] =	ssyncadd.s32 $0xFFFFFF80  }
0x1df: {  	_ =	swait.ge [sflag:s25], $0x400  }
0x1e0: {  	[sflag:s25] =	ssyncset.done $0x0  }
0x1e1: {  	[sflag:s25] =	ssyncadd.s32 $0xFFFFFC00  }
0x1e2: {  	s26 =	smov.u32 s1;
	_ =	swait.ge [sflag:s25], $0x400  }
0x1e3: {  	s9 =	smin.u32 s26, $0x7;
	s18 =	rddreg [dreg:$0x6];
	[sflag:s25] =	ssyncset.done $0x0  }
0x1e4: {  	s3 =	sadd.s32 s9, s18;
	[sflag:s25] =	ssyncadd.s32 $0xFFFFFC00  }
0x1e5: {  	s3 =	sshll.u32 s3, $0x7;
	s18 =	rddreg [dreg:$0x1]  }
0x1e6: {  	s9 =	sadd.s32 s18, s3  }
0x1e7: {  	[tilespmem:s6], [sflag:$0x3] =	stream.linear.gather [hbm4b:s9+s6], $0x400, $0x38;
	[tilespmem:$0x1D580] =	vst v63  }
0x1e8: {  	s3 =	sadd.s32 s7, s3  }
0x1e9: {  	[tilespmem:s28], [sflag:$0x3] =	stream.linear.gather [hbm4b:s3+s6], $0x400, $0x38;
	[tilespmem:$0x1D580] =	vst v63  }
0x1ea: {  	_ = 	snop  }
0x1eb: {  	[tilespmem:s21], [sflag:$0x1] =	stream.indirect.gather [hbm4b:s0+s29], $0x80, s11, s29, $0xb8;
	[tilespmem:$0x1D580] =	vst v63  }
0x1ec: {  	_ =	swait.ge [sflag:s30], $0x4000  }
0x1ed: {  	[sflag:s30] =	ssyncset.done $0x0  }
0x1ee: {  	s9 =	rddreg [dreg:$0xe];
	[sflag:s30] =	ssyncadd.s32 $0xFFFFC000  }
0x1ef: {  	[tilespmem:s31], [sflag:$0x2] =	stream.indirect.gather [hbm4b:s0+s29], $0x80, s9, s29, $0xb8;
	[tilespmem:$0x1D580] =	vst v63  }
0x1f0: {  	_ = 	snop  }
0x1f1: {  	[spmem:s4] =	stream.indirect.scatter.add.f32 [tilespmem:s21], [sflag:$0x4], $0x80, s14, s29, $0xb8;
	[tilespmem:$0x1D580] =	vst v63  }
0x1f2: {  	_ =	swait.ge [sflag:s22], $0x4000  }
0x1f3: {  	[sflag:s22] =	ssyncset.done $0x0  }
0x1f4: {  	[sflag:s22] =	ssyncadd.s32 $0xFFFFC000  }
0x1f5: {  	[spmem:s5] =	stream.indirect.scatter.add.f32 [tilespmem:s2], [sflag:$0x4], $0x1, s14, s29, $0xb8;
	[tilespmem:$0x1D580] =	vst v63  }
0x1f6: {  	_ =	swait.ge [sflag:s22], $0x80  }
0x1f7: {  	[sflag:s22] =	ssyncset.done $0x0  }
0x1f8: {  	[sflag:s22] =	ssyncadd.s32 $0xFFFFFF80  }
0x1f9: {  	_ =	swait.ge [sflag:s23], $0x4000  }
0x1fa: {  	[sflag:s23] =	ssyncset.done $0x0  }
0x1fb: {  	s9 =	rddreg [dreg:$0xf];
	[sflag:s23] =	ssyncadd.s32 $0xFFFFC000  }
0x1fc: {  	[tilespmem:s21], [sflag:$0x1] =	stream.indirect.gather [hbm4b:s0+s29], $0x80, s9, s29, $0xb8;
	[tilespmem:$0x1D580] =	vst v63  }
0x1fd: {  	_ = 	snop  }
0x1fe: {  	[spmem:s4] =	stream.indirect.scatter.add.f32 [tilespmem:s31], [sflag:$0x4], $0x80, s20, s29, $0xb8;
	[tilespmem:$0x1D580] =	vst v63  }
0x1ff: {  	_ =	swait.ge [sflag:s22], $0x4000  }
0x200: {  	[sflag:s22] =	ssyncset.done $0x0  }
0x201: {  	[sflag:s22] =	ssyncadd.s32 $0xFFFFC000  }
0x202: {  	[spmem:s5] =	stream.indirect.scatter.add.f32 [tilespmem:s2], [sflag:$0x4], $0x1, s20, s29, $0xb8;
	[tilespmem:$0x1D580] =	vst v63  }
0x203: {  	_ =	swait.ge [sflag:s22], $0x80  }
0x204: {  	[sflag:s22] =	ssyncset.done $0x0  }
0x205: {  	[sflag:s22] =	ssyncadd.s32 $0xFFFFFF80  }
0x206: {  	_ =	swait.ge [sflag:s30], $0x4000  }
0x207: {  	[sflag:s30] =	ssyncset.done $0x0  }
0x208: {  	s9 =	rddreg [dreg:$0x10];
	[sflag:s30] =	ssyncadd.s32 $0xFFFFC000  }
0x209: {  	[tilespmem:s31], [sflag:$0x2] =	stream.indirect.gather [hbm4b:s0+s29], $0x80, s9, s29, $0xb8;
	[tilespmem:$0x1D580] =	vst v63  }
0x20a: {  	_ = 	snop  }
0x20b: {  	[spmem:s4] =	stream.indirect.scatter.add.f32 [tilespmem:s21], [sflag:$0x4], $0x80, s13, s29, $0xb8;
	[tilespmem:$0x1D580] =	vst v63  }
0x20c: {  	_ =	swait.ge [sflag:s22], $0x4000  }
0x20d: {  	[sflag:s22] =	ssyncset.done $0x0  }
0x20e: {  	[sflag:s22] =	ssyncadd.s32 $0xFFFFC000  }
0x20f: {  	[spmem:s5] =	stream.indirect.scatter.add.f32 [tilespmem:s2], [sflag:$0x4], $0x1, s13, s29, $0xb8;
	[tilespmem:$0x1D580] =	vst v63  }
0x210: {  	_ =	swait.ge [sflag:s22], $0x80  }
0x211: {  	[sflag:s22] =	ssyncset.done $0x0  }
0x212: {  	[sflag:s22] =	ssyncadd.s32 $0xFFFFFF80  }
0x213: {  	_ =	swait.ge [sflag:s23], $0x4000  }
0x214: {  	[sflag:s23] =	ssyncset.done $0x0  }
0x215: {  	s9 =	rddreg [dreg:$0x11];
	[sflag:s23] =	ssyncadd.s32 $0xFFFFC000  }
0x216: {  	[tilespmem:s21], [sflag:$0x1] =	stream.indirect.gather [hbm4b:s0+s29], $0x80, s9, s29, $0xb8;
	[tilespmem:$0x1D580] =	vst v63  }
0x217: {  	_ = 	snop  }
0x218: {  	[spmem:s4] =	stream.indirect.scatter.add.f32 [tilespmem:s31], [sflag:$0x4], $0x80, s8, s29, $0xb8;
	[tilespmem:$0x1D580] =	vst v63  }
0x219: {  	_ =	swait.ge [sflag:s22], $0x4000  }
0x21a: {  	[sflag:s22] =	ssyncset.done $0x0  }
0x21b: {  	[sflag:s22] =	ssyncadd.s32 $0xFFFFC000  }
0x21c: {  	[spmem:s5] =	stream.indirect.scatter.add.f32 [tilespmem:s2], [sflag:$0x4], $0x1, s8, s29, $0xb8;
	[tilespmem:$0x1D580] =	vst v63  }
0x21d: {  	_ =	swait.ge [sflag:s22], $0x80  }
0x21e: {  	[sflag:s22] =	ssyncset.done $0x0  }
0x21f: {  	[sflag:s22] =	ssyncadd.s32 $0xFFFFFF80  }
0x220: {  	_ =	swait.ge [sflag:s30], $0x4000  }
0x221: {  	[sflag:s30] =	ssyncset.done $0x0  }
0x222: {  	s9 =	rddreg [dreg:$0x12];
	[sflag:s30] =	ssyncadd.s32 $0xFFFFC000  }
0x223: {  	[tilespmem:s31], [sflag:$0x2] =	stream.indirect.gather [hbm4b:s0+s29], $0x80, s9, s29, $0xb8;
	[tilespmem:$0x1D580] =	vst v63  }
0x224: {  	_ = 	snop  }
0x225: {  	[spmem:s4] =	stream.indirect.scatter.add.f32 [tilespmem:s21], [sflag:$0x4], $0x80, s10, s29, $0xb8;
	[tilespmem:$0x1D580] =	vst v63  }
0x226: {  	_ =	swait.ge [sflag:s22], $0x4000  }
0x227: {  	[sflag:s22] =	ssyncset.done $0x0  }
0x228: {  	[sflag:s22] =	ssyncadd.s32 $0xFFFFC000  }
0x229: {  	[spmem:s5] =	stream.indirect.scatter.add.f32 [tilespmem:s2], [sflag:$0x4], $0x1, s10, s29, $0xb8;
	[tilespmem:$0x1D580] =	vst v63  }
0x22a: {  	_ =	swait.ge [sflag:s22], $0x80  }
0x22b: {  	[sflag:s22] =	ssyncset.done $0x0  }
0x22c: {  	[sflag:s22] =	ssyncadd.s32 $0xFFFFFF80  }
0x22d: {  	_ =	swait.ge [sflag:s23], $0x4000  }
0x22e: {  	[sflag:s23] =	ssyncset.done $0x0  }
0x22f: {  	s9 =	rddreg [dreg:$0x13];
	[sflag:s23] =	ssyncadd.s32 $0xFFFFC000  }
0x230: {  	[tilespmem:s21], [sflag:$0x1] =	stream.indirect.gather [hbm4b:s0+s29], $0x80, s9, s29, $0xb8;
	[tilespmem:$0x1D580] =	vst v63  }
0x231: {  	_ = 	snop  }
0x232: {  	[spmem:s4] =	stream.indirect.scatter.add.f32 [tilespmem:s31], [sflag:$0x4], $0x80, s24, s29, $0xb8;
	[tilespmem:$0x1D580] =	vst v63  }
0x233: {  	_ =	swait.ge [sflag:s22], $0x4000  }
0x234: {  	[sflag:s22] =	ssyncset.done $0x0  }
0x235: {  	[sflag:s22] =	ssyncadd.s32 $0xFFFFC000  }
0x236: {  	[spmem:s5] =	stream.indirect.scatter.add.f32 [tilespmem:s2], [sflag:$0x4], $0x1, s24, s29, $0xb8;
	[tilespmem:$0x1D580] =	vst v63  }
0x237: {  	_ =	swait.ge [sflag:s22], $0x80  }
0x238: {  	[sflag:s22] =	ssyncset.done $0x0  }
0x239: {  	[sflag:s22] =	ssyncadd.s32 $0xFFFFFF80  }
0x23a: {  	_ =	swait.ge [sflag:s30], $0x4000  }
0x23b: {  	[sflag:s30] =	ssyncset.done $0x0  }
0x23c: {  	s9 =	rddreg [dreg:$0x14];
	[sflag:s30] =	ssyncadd.s32 $0xFFFFC000  }
0x23d: {  	[tilespmem:s31], [sflag:$0x2] =	stream.indirect.gather [hbm4b:s0+s29], $0x80, s9, s29, $0xb8;
	[tilespmem:$0x1D580] =	vst v63  }
0x23e: {  	s9 =	simm.s32 $0xF00  }
0x23f: {  	[spmem:s4] =	stream.indirect.scatter.add.f32 [tilespmem:s21], [sflag:$0x4], $0x80, s9, s29, $0xb8;
	[tilespmem:$0x1D580] =	vst v63  }
0x240: {  	_ =	swait.ge [sflag:s22], $0x4000  }
0x241: {  	[sflag:s22] =	ssyncset.done $0x0  }
0x242: {  	[sflag:s22] =	ssyncadd.s32 $0xFFFFC000  }
0x243: {  	[spmem:s5] =	stream.indirect.scatter.add.f32 [tilespmem:s2], [sflag:$0x4], $0x1, s9, s29, $0xb8;
	[tilespmem:$0x1D580] =	vst v63  }
0x244: {  	_ =	swait.ge [sflag:s22], $0x80  }
0x245: {  	[sflag:s22] =	ssyncset.done $0x0  }
0x246: {  	[sflag:s22] =	ssyncadd.s32 $0xFFFFFF80  }
0x247: {  	_ =	swait.ge [sflag:s23], $0x4000  }
0x248: {  	[sflag:s23] =	ssyncset.done $0x0  }
0x249: {  	s9 =	simm.s32 $0xF80;
	[sflag:s23] =	ssyncadd.s32 $0xFFFFC000  }
0x24a: {  	[spmem:s4] =	stream.indirect.scatter.add.f32 [tilespmem:s31], [sflag:$0x4], $0x80, s9, s29, $0xb8;
	[tilespmem:$0x1D580] =	vst v63  }
0x24b: {  	_ =	swait.ge [sflag:s22], $0x4000  }
0x24c: {  	[sflag:s22] =	ssyncset.done $0x0  }
0x24d: {  	[sflag:s22] =	ssyncadd.s32 $0xFFFFC000  }
0x24e: {  	[spmem:s5] =	stream.indirect.scatter.add.f32 [tilespmem:s2], [sflag:$0x4], $0x1, s9, s29, $0xb8;
	[tilespmem:$0x1D580] =	vst v63  }
0x24f: {  	_ =	swait.ge [sflag:s22], $0x80  }
0x250: {  	[sflag:s22] =	ssyncset.done $0x0  }
0x251: {  	[sflag:s22] =	ssyncadd.s32 $0xFFFFFF80  }
0x252: {  	_ =	swait.ge [sflag:s25], $0x400  }
0x253: {  	[sflag:s25] =	ssyncset.done $0x0  }
0x254: {  	[sflag:s25] =	ssyncadd.s32 $0xFFFFFC00  }
0x255: {  	_ =	swait.ge [sflag:s25], $0x400  }
0x256: {  	p0 =	sne.s32 s1, $0x8;
	s26 =	smin.u32 s26, $0x6;
	s9 =	rddreg [dreg:$0x7]  }
.Ltmp1:
0x257: {  	s3 =	sadd.s32 s26, s9;
	(pc) =	sbr.rel @p0 .LBB2_4-.Ltmp1, $4  }
0x258: {  	[sflag:s25] =	ssyncset.done $0x0;
	s3 =	sshll.u32 s3, $0x7  }
0x259: {  	[sflag:s25] =	ssyncadd.s32 $0xFFFFFC00;
	s26 =	sadd.s32 s18, s3  }
0x25a: {  	[tilespmem:s11], [sflag:$0x3] =	stream.linear.gather [hbm4b:s26+s6], $0x400, $0x38;
	[tilespmem:$0x1D580] =	vst v63  }
0x25b: {  	s1 =	sadd.s32 $0x2, s1;
	s26 =	sadd.s32 s7, s3  }
0x25c: {  	[tilespmem:s14], [sflag:$0x3] =	stream.linear.gather [hbm4b:s26+s6], $0x400, $0x38;
	[tilespmem:$0x1D580] =	vst v63  }
0x25d: {  	_ =	swait.ge [sflag:s25], $0x400  }
0x25e: {  	[sflag:s25] =	ssyncset.done $0x0  }
0x25f: {  	[sflag:s25] =	ssyncadd.s32 $0xFFFFFC00  }
0x260: {  	_ =	swait.ge [sflag:s25], $0x400  }
0x261: {  	[sflag:s25] =	ssyncset.done $0x0  }
0x262: {  	[sflag:s25] =	ssyncadd.s32 $0xFFFFFC00  }
0x263: {  	s1 =	stileid.u32;
	[bflag:$0x0] =	sbarrier.arrive $0xFFFF  }
0x264: {  	s1 =	sshll.u32 s1, $0x6;
	s3 =	rddreg [dreg:$0x15]  }
0x265: {  	s1 =	sor.u32 $0x1C04, s1;
	s9 =	rddreg [dreg:$0x1f];
	s3 =	sshrl.u32 s3, $0x3  }
0x266: {  	[hbm:s9], [sflag:s1] =	dma.local [spmem:s3], $0x2800  }
0x267: {  	_ =	swait.ge [sflag:s22], $0x2800  }
0x268: {  	s19 =	sld [smem:$0x7FC]  }
0x269: {  	s8 =	simm.s32 $0x20;
	[sflag:s22] =	ssyncset.done $0x0;
	s10 =	rddreg [dreg:$0x1a]  }
0x26a: {  	s11 =	simm.s32 $0x10;
	[sflag:s22] =	ssyncadd.s32 $0xFFFFD800;
	s18 =	sshrl.u32 s10, $0x3  }
0x26b: {  	[hbm:s19@s8], [sflag:s1] =	dma.strided [spmem:s18@s11], $0x50, s30, $0x10   }
0x26c: {  	_ =	swait.ge [sflag:s22], $0x50  }
0x26d: {  	s20 =	sld [smem:$0x7FB]  }
0x26e: {  	s24 =	sld [smem:$0x7FD];
	_ =	sdelay $0x1  }
0x26f: {  	s12 =	simm.s32 $0x980;
	s26 =	sadd.s32 $0x1, s20  }
0x270: {  	s14 =	simm.s32 $0xA00;
	s15 =	simm.s32 $0xA80;
	p0 =	sne.s32 s26, s24  }
.Ltmp2:
0x271: {  	s16 =	simm.s32 $0xB00;
	s17 =	simm.s32 $0xB80;
	(pc) =	sbr.rel @p0 .LBB2_1-.Ltmp2, $4  }
0x272: {  	s13 =	simm.s32 $0xD00;
	s28 =	simm.s32 $0xC00;
	s3 =	simm.s32 $0x400  }
0x273: {  	s9 =	simm.s32 $0x880;
	s11 =	simm.s32 $0x900;
	s18 =	simm.s32 $0xC80  }
0x274: {  	s8 =	simm.s32 $0xD80;
	s19 =	simm.s32 $0xE00;
	[sflag:s22] =	ssyncset.done $0x0  }
0x275: {  	[sflag:s22] =	ssyncadd.s32 $0xFFFFFFB0;
	s20 =	simm.s32 $0xE80;
	s24 =	simm.s32 $0x800  }
0x276: {  	_ =	sfence.sel $0x180000  }
0x277: {  	[bflag:$0x0] =	sbarrier.arrive $0xFFFF  }
0x278: {  	_ =	strace $0x90000047  }
0x279: {  	s0 =	stileid.u32;
	[bflag:$0x2] =	sbarrier.arrive $0xFFFF  }
0x27a: {  	p0 =	sne.s32 s0, $0x0;
	s0 =	rddreg [dreg:$0x5]  }
0x27b: {  	s0 =	sadd.s32 @!p0 $0x100000, s0  }
0x27c: {  	[sflag:s0] =	ssyncadd.tile.s32 @!p0 $0x1;
	_ =	shalt  }
.Lfunc_end2:
_tile_overlayer_lowered:
.L_overlay_start_2:
0x27d: {  	(tag) =	ssettag $0x2  }
0x27e: {  	s0 =	rddreg [dreg:$0x0];
	s2 =	stileid.u32  }
0x27f: {  	s1 =	rddreg [dreg:$0x1];
	p0 =	sne.s32 s2, $0x0  }
0x280: {  	s3 =	rddreg [dreg:$0x2];
	[bflag:$0x3] =	sbarrier.arrive $0xFFFF;
	s2 =	simm.s32 @!p0 $0x1C04  }
0x281: {  	[timem:s3], [sflag:s2] =	dma.local @!p0 [hbm:s0], s1  }
0x282: {  	s0 =	simm.s32 @!p0 $0x4  }
0x283: {  	_ =	swait.ge @!p0 [sflag:s0], s1  }
0x284: {  	s1 =	ssub.s32 @!p0 $0x0, s1;
	[sflag:s0] =	ssyncset.done @!p0 $0x0  }
0x285: {  	[sflag:s0] =	ssyncadd.s32 @!p0 s1  }
0x286: {  	[bflag:$0x3] =	sbarrier.arrive $0xFFFF  }
0x287: {  	_ =	shalt  }

</sc_bundles>
